<compile_context>
chip_gen: v7x
topology: tpu7x:2x2x1
jax: 0.10.2.dev20260603
libtpu: 0.0.44.dev20260713+nightly
codegen_flags: <defaults>
</compile_context>

<pallas_src>
import functools

import jax
import jax.numpy as jnp
from jax import lax
from jax.experimental import pallas as pl
from jax.experimental.pallas import tpu as pltpu
from jax.experimental.pallas import tpu_sc as plsc

BATCH = 4096
NUM_FIELD = 26
EMB = 32
LANES = 16

NUM_CORES = 2
NUM_SUBCORES = 16
NUM_WORKERS = NUM_CORES * NUM_SUBCORES
BPW = BATCH // NUM_WORKERS
NIDX = BPW * NUM_FIELD
NCHUNK = NIDX // 128
PAD = NIDX + LANES

_mesh = plsc.VectorSubcoreMesh(core_axis_name="c", subcore_axis_name="s")

_T_BLK_C = 8192
_T_BLK_R = _T_BLK_C // 4


def _transpose_body(in_ref, out_ref):
    x = in_ref[...]
    y = jnp.transpose(x)
    y3 = y.reshape(_T_BLK_R, 4, EMB)
    for q in range(4):
        out_ref[:, q * EMB:(q + 1) * EMB] = y3[:, q, :]


def _emb_to_lin128(femb_t):
    grid = (100000 + _T_BLK_C - 1) // _T_BLK_C
    return pl.pallas_call(
        _transpose_body,
        grid=(grid,),
        in_specs=[pl.BlockSpec((32, _T_BLK_C), lambda j: (0, j))],
        out_specs=pl.BlockSpec((_T_BLK_R, 128), lambda j: (j, 0)),
        out_shape=jax.ShapeDtypeStruct((25000, 128), jnp.float32),
    )(femb_t)


@functools.partial(
    pl.kernel,
    mesh=_mesh,
    out_type=jax.ShapeDtypeStruct((BATCH,), jnp.float32),
    scratch_types=[
        pltpu.VMEM((NIDX,), jnp.int32),
        pltpu.VMEM((PAD,), jnp.float32),
        pltpu.VMEM((PAD,), jnp.float32),
        pltpu.VMEM((NIDX, EMB), jnp.float32),
        pltpu.VMEM((BPW, LANES), jnp.float32),
        pltpu.VMEM((BPW,), jnp.float32),
        pltpu.VMEM((LANES,), jnp.float32),
        pltpu.SemaphoreType.DMA,
    ],
    compiler_params=pltpu.CompilerParams(
        needs_layout_passes=False, use_tc_tiling_on_sc=False),
)
def _fm_sc(emb_hbm, fw_hbm, idx_hbm, fv_hbm, bias_hbm, out_hbm,
           idx_v, fv_v, fw_v, rows_v, vsum_v, out_v, bias_v, sem):
    wid = lax.axis_index("s") * NUM_CORES + lax.axis_index("c")
    base = wid * NIDX

    pltpu.sync_copy(idx_hbm.at[pl.ds(base, NIDX)], idx_v)
    pltpu.sync_copy(fv_hbm.at[pl.ds(base, NIDX)], fv_v.at[pl.ds(0, NIDX)])
    pltpu.sync_copy(bias_hbm, bias_v)

    copies = []
    for c in range(NCHUNK):
        sl = pl.ds(c * 128, 128)
        copies.append(
            pltpu.async_copy(emb_hbm.at[idx_v.at[sl]], rows_v.at[sl], sem))
        copies.append(
            pltpu.async_copy(fw_hbm.at[idx_v.at[sl]], fw_v.at[sl], sem))
    for cp in copies:
        cp.wait()

    iota = lax.iota(jnp.int32, LANES)
    m10 = iota < (NUM_FIELD - LANES)
    zeros = jnp.zeros((LANES,), jnp.float32)

    def row_body(b, carry):
        j0 = b * NUM_FIELD
        acc0 = acc1 = sq0 = sq1 = zeros
        fvr0 = fv_v[pl.ds(j0, LANES)]
        fvr1 = fv_v[pl.ds(j0 + LANES, LANES)]
        for f in range(NUM_FIELD):
            e0 = rows_v[j0 + f, pl.ds(0, LANES)]
            e1 = rows_v[j0 + f, pl.ds(LANES, LANES)]
            fvs = fvr0[f] if f < LANES else fvr1[f - LANES]
            t0 = e0 * fvs
            t1 = e1 * fvs
            acc0 = acc0 + t0
            acc1 = acc1 + t1
            sq0 = sq0 + t0 * t0
            sq1 = sq1 + t1 * t1
        v = (acc0 * acc0 + acc1 * acc1 - sq0 - sq1) * 0.5
        i0 = j0 + iota
        i1 = i0 + LANES
        p0 = plsc.load_gather(fv_v, [i0]) * plsc.load_gather(fw_v, [i0])
        p1 = plsc.load_gather(fv_v, [i1]) * plsc.load_gather(fw_v, [i1])
        v = v + p0 + jnp.where(m10, p1, 0.0)
        vsum_v[b, pl.ds(0, LANES)] = v
        return carry

    lax.fori_loop(0, BPW, row_body, 0)

    bias_vec = bias_v[...]

    def red_body(g, carry):
        rb = g * LANES + iota
        y = zeros
        for k in range(LANES):
            col = jnp.full((LANES,), k, jnp.int32)
            y = y + plsc.load_gather(vsum_v, [rb, col])
        x = y + bias_vec
        out_v[pl.ds(g * LANES, LANES)] = 1.0 / (1.0 + jnp.exp(-x))
        return carry

    lax.fori_loop(0, BPW // LANES, red_body, 0)

    pltpu.sync_copy(out_v, out_hbm.at[pl.ds(wid * BPW, BPW)])


def kernel(feat_index, feat_value, first_weights, feat_embeddings, bias):
    idx = feat_index.astype(jnp.int32).reshape(-1)
    fv = feat_value.astype(jnp.float32).reshape(-1)
    fw = first_weights.astype(jnp.float32).reshape(-1)
    bias_arr = jnp.full((LANES,), bias, jnp.float32)
    emb_lin = _emb_to_lin128(feat_embeddings.T).reshape(-1).reshape(100000, EMB)
    out = _fm_sc(emb_lin, fw, idx, fv, bias_arr)
    return out.reshape(BATCH, 1)

# --- scband reference (transcript-rebuilt; emitter-appended) ---
"""Pipeline reference for scband-fm-layer-67577015435696 (READ-ONLY COPY).

The authoritative reference and input builder live on the scoring server;
editing this copy changes nothing except your own understanding.
"""

import jax, jax.numpy as jnp
import numpy as np

NUM_FEAT = 100000
NUM_FIELD = 26
EMB = 32
BATCH = 4096


def setup_inputs(seed: int = 0) -> dict:
    key = jax.random.key(seed)
    k1, k2, k3, k4 = jax.random.split(key, 4)
    feat_index = jax.random.randint(k1, (BATCH, NUM_FIELD), 0, NUM_FEAT, dtype=jnp.int64 if jax.config.jax_enable_x64 else jnp.int32)
    feat_value = jax.random.uniform(k2, (BATCH, NUM_FIELD), dtype=jnp.float32)
    # Keras 'uniform' embeddings_initializer: U(-0.05, 0.05)
    first_weights = jax.random.uniform(k3, (NUM_FEAT, 1), minval=-0.05, maxval=0.05, dtype=jnp.float32)
    feat_embeddings = jax.random.uniform(k4, (NUM_FEAT, EMB), minval=-0.05, maxval=0.05, dtype=jnp.float32)
    bias = jnp.float32(0.0)
    return {"feat_index": feat_index, "feat_value": feat_value,
            "first_weights": first_weights, "feat_embeddings": feat_embeddings,
            "bias": bias}


def reference(feat_index, feat_value, first_weights, feat_embeddings, bias):
    fv = jnp.expand_dims(feat_value, axis=-1)                      # [B, F, 1]
    fw = jnp.take(first_weights, feat_index, axis=0)               # [B, F, 1]
    first_weight_value = jnp.squeeze(fw * fv, axis=-1)             # [B, F]
    y_first_order = jnp.sum(first_weight_value, axis=1)            # [B]
    secd_feat_emb = jnp.take(feat_embeddings, feat_index, axis=0)  # [B, F, E]
    feat_emd_value = secd_feat_emb * fv                            # [B, F, E]
    summed_feat_emb = jnp.sum(feat_emd_value, axis=1)              # [B, E]
    interaction_part1 = jnp.power(summed_feat_emb, 2)              # [B, E]
    squared_feat_emd_value = jnp.power(feat_emd_value, 2)          # [B, F, E]
    interaction_part2 = jnp.sum(squared_feat_emd_value, axis=1)    # [B, E]
    y_secd_order = 0.5 * (interaction_part1 - interaction_part2)   # [B, E]
    y_secd_order = jnp.sum(y_secd_order, axis=1)                   # [B]
    output = bias + y_first_order + y_secd_order
    output = jax.nn.sigmoid(output)
    output = jnp.expand_dims(output, axis=1)                       # [B, 1]
    return output

if __name__ == "__main__":
    import jax
    _d = setup_inputs()
    print(jax.jit(kernel)(*tuple(_d.values())))

</pallas_src>

<mosaic_0001>
#map = affine_map<(d0, d1) -> (0, 0)>
#map1 = affine_map<(d0, d1) -> (0)>
module attributes {stable_mosaic.version = 14 : i64} {
  func.func @_fm_sc(%arg0: i32, %arg1: i32, %arg2: memref<100000x32xf32, #tpu.memory_space<hbm>>, %arg3: memref<100000xf32, #tpu.memory_space<hbm>>, %arg4: memref<106496xi32, #tpu.memory_space<hbm>>, %arg5: memref<106496xf32, #tpu.memory_space<hbm>>, %arg6: memref<16xf32, #tpu.memory_space<hbm>>, %arg7: memref<4096xf32, #tpu.memory_space<hbm>>, %arg8: memref<3328xi32, #tpu.memory_space<vmem>>, %arg9: memref<3344xf32, #tpu.memory_space<vmem>>, %arg10: memref<3344xf32, #tpu.memory_space<vmem>>, %arg11: memref<3328x32xf32, #tpu.memory_space<vmem>>, %arg12: memref<128x16xf32, #tpu.memory_space<vmem>>, %arg13: memref<128xf32, #tpu.memory_space<vmem>>, %arg14: memref<16xf32, #tpu.memory_space<vmem>>, %arg15: memref<!tpu.dma_semaphore, #tpu.memory_space<semaphore_mem>>) attributes {dimension_semantics = [#tpu.dimension_semantics<core_parallel>, #tpu.dimension_semantics<subcore_parallel>], iteration_bounds = array<i64: 2, 16>, scalar_prefetch = 0 : i64, scratch_operands = 8 : i64, tpu.core_type = #tpu.core_type<sc_vector_subcore>, window_params = [{transform_indices = #map}, {transform_indices = #map1}, {transform_indices = #map1}, {transform_indices = #map1}, {transform_indices = #map1}, {transform_indices = #map1}]} {
    %mul3A = arith.constant 2 : i32
    %mul3A_0 = arith.muli %arg1, %mul3A : i32
    %add3A = arith.addi %mul3A_0, %arg0 : i32
    %mul3A_1 = arith.constant 3328 : i32
    %mul3A_2 = arith.muli %add3A, %mul3A_1 : i32
    "tpu.region"() ({
      %run_scoped3A = tpu.sem_alloc : memref<!tpu.dma_semaphore, #tpu.memory_space<semaphore_mem>>
      %dma_start3A_746 = tpu.memref_slice %arg4[%mul3A_2] : memref<106496xi32, #tpu.memory_space<hbm>> -> memref<3328xi32, #tpu.memory_space<hbm>>
      %dma_start3A_747 = tpu.memref_slice %arg4[%mul3A_2] : memref<106496xi32, #tpu.memory_space<hbm>> -> memref<3328xi32, #tpu.memory_space<hbm>>
      tpu.enqueue_dma source(%dma_start3A_747 : memref<3328xi32, #tpu.memory_space<hbm>>) target(%arg8 : memref<3328xi32, #tpu.memory_space<vmem>>) target_semaphore(%run_scoped3A : memref<!tpu.dma_semaphore, #tpu.memory_space<semaphore_mem>>)
      %dma_wait3A_748 = tpu.memref_slice %arg4[%mul3A_2] : memref<106496xi32, #tpu.memory_space<hbm>> -> memref<3328xi32, #tpu.memory_space<hbm>>
      %dma_wait3A_749 = tpu.memref_slice %arg4[%mul3A_2] : memref<106496xi32, #tpu.memory_space<hbm>> -> memref<3328xi32, #tpu.memory_space<hbm>>
      tpu.wait_dma2 semaphore(%run_scoped3A : memref<!tpu.dma_semaphore, #tpu.memory_space<semaphore_mem>>) src(%dma_wait3A_749 : memref<3328xi32, #tpu.memory_space<hbm>>) dst(%arg8 : memref<3328xi32, #tpu.memory_space<vmem>>)
      tpu.yield
    }) : () -> ()
    "tpu.region"() ({
      %run_scoped3A = tpu.sem_alloc : memref<!tpu.dma_semaphore, #tpu.memory_space<semaphore_mem>>
      %dma_start3A_746 = arith.constant 0 : i32
      %dma_start3A_747 = tpu.memref_slice %arg9[%dma_start3A_746] : memref<3344xf32, #tpu.memory_space<vmem>> -> memref<3328xf32, #tpu.memory_space<vmem>>
      %dma_start3A_748 = tpu.memref_slice %arg5[%mul3A_2] : memref<106496xf32, #tpu.memory_space<hbm>> -> memref<3328xf32, #tpu.memory_space<hbm>>
      %dma_start3A_749 = arith.constant 0 : i32
      %dma_start3A_750 = tpu.memref_slice %arg9[%dma_start3A_749] : memref<3344xf32, #tpu.memory_space<vmem>> -> memref<3328xf32, #tpu.memory_space<vmem>>
      %dma_start3A_751 = tpu.memref_slice %arg5[%mul3A_2] : memref<106496xf32, #tpu.memory_space<hbm>> -> memref<3328xf32, #tpu.memory_space<hbm>>
      tpu.enqueue_dma source(%dma_start3A_751 : memref<3328xf32, #tpu.memory_space<hbm>>) target(%dma_start3A_750 : memref<3328xf32, #tpu.memory_space<vmem>>) target_semaphore(%run_scoped3A : memref<!tpu.dma_semaphore, #tpu.memory_space<semaphore_mem>>)
      %dma_wait3A_752 = arith.constant 0 : i32
      %dma_wait3A_753 = tpu.memref_slice %arg9[%dma_wait3A_752] : memref<3344xf32, #tpu.memory_space<vmem>> -> memref<3328xf32, #tpu.memory_space<vmem>>
      %dma_wait3A_754 = tpu.memref_slice %arg5[%mul3A_2] : memref<106496xf32, #tpu.memory_space<hbm>> -> memref<3328xf32, #tpu.memory_space<hbm>>
      %dma_wait3A_755 = arith.constant 0 : i32
      %dma_wait3A_756 = tpu.memref_slice %arg9[%dma_wait3A_755] : memref<3344xf32, #tpu.memory_space<vmem>> -> memref<3328xf32, #tpu.memory_space<vmem>>
      %dma_wait3A_757 = tpu.memref_slice %arg5[%mul3A_2] : memref<106496xf32, #tpu.memory_space<hbm>> -> memref<3328xf32, #tpu.memory_space<hbm>>
      tpu.wait_dma2 semaphore(%run_scoped3A : memref<!tpu.dma_semaphore, #tpu.memory_space<semaphore_mem>>) src(%dma_wait3A_757 : memref<3328xf32, #tpu.memory_space<hbm>>) dst(%dma_wait3A_756 : memref<3328xf32, #tpu.memory_space<vmem>>)
      tpu.yield
    }) : () -> ()
    "tpu.region"() ({
      %run_scoped3A = tpu.sem_alloc : memref<!tpu.dma_semaphore, #tpu.memory_space<semaphore_mem>>
      tpu.enqueue_dma source(%arg6 : memref<16xf32, #tpu.memory_space<hbm>>) target(%arg14 : memref<16xf32, #tpu.memory_space<vmem>>) target_semaphore(%run_scoped3A : memref<!tpu.dma_semaphore, #tpu.memory_space<semaphore_mem>>)
      tpu.wait_dma2 semaphore(%run_scoped3A : memref<!tpu.dma_semaphore, #tpu.memory_space<semaphore_mem>>) src(%arg6 : memref<16xf32, #tpu.memory_space<hbm>>) dst(%arg14 : memref<16xf32, #tpu.memory_space<vmem>>)
      tpu.yield
    }) : () -> ()
    %dma_start3A = arith.constant 0 : i32
    %dma_start3A_3 = arith.constant 0 : i32
    %dma_start3A_4 = tpu.memref_slice %arg11[%dma_start3A, %dma_start3A_3] : memref<3328x32xf32, #tpu.memory_space<vmem>> -> memref<128x32xf32, #tpu.memory_space<vmem>>
    %dma_start3A_5 = arith.constant 0 : i32
    %dma_start3A_6 = tpu.memref_slice %arg8[%dma_start3A_5] : memref<3328xi32, #tpu.memory_space<vmem>> -> memref<128xi32, #tpu.memory_space<vmem>>
    %dma_start3A_7 = arith.constant 0 : i32
    %dma_start3A_8 = arith.constant 0 : i32
    %dma_start3A_9 = tpu.memref_slice %arg2[%dma_start3A_7, %dma_start3A_8] : memref<100000x32xf32, #tpu.memory_space<hbm>> -> memref<100000x32xf32, #tpu.memory_space<hbm>>
    tpu.enqueue_indirect_dma source(%dma_start3A_9 : memref<100000x32xf32, #tpu.memory_space<hbm>>) target(%dma_start3A_4 : memref<128x32xf32, #tpu.memory_space<vmem>>) offsets(%dma_start3A_6 : memref<128xi32, #tpu.memory_space<vmem>>) semaphore(%arg15 : memref<!tpu.dma_semaphore, #tpu.memory_space<semaphore_mem>>)
    %dma_start3A_10 = arith.constant 0 : i32
    %dma_start3A_11 = tpu.memref_slice %arg10[%dma_start3A_10] : memref<3344xf32, #tpu.memory_space<vmem>> -> memref<128xf32, #tpu.memory_space<vmem>>
    %dma_start3A_12 = arith.constant 0 : i32
    %dma_start3A_13 = tpu.memref_slice %arg8[%dma_start3A_12] : memref<3328xi32, #tpu.memory_space<vmem>> -> memref<128xi32, #tpu.memory_space<vmem>>
    %dma_start3A_14 = arith.constant 0 : i32
    %dma_start3A_15 = tpu.memref_slice %arg3[%dma_start3A_14] : memref<100000xf32, #tpu.memory_space<hbm>> -> memref<100000xf32, #tpu.memory_space<hbm>>
    tpu.enqueue_indirect_dma source(%dma_start3A_15 : memref<100000xf32, #tpu.memory_space<hbm>>) target(%dma_start3A_11 : memref<128xf32, #tpu.memory_space<vmem>>) offsets(%dma_start3A_13 : memref<128xi32, #tpu.memory_space<vmem>>) semaphore(%arg15 : memref<!tpu.dma_semaphore, #tpu.memory_space<semaphore_mem>>)
    %dma_start3A_16 = arith.constant 128 : i32
    %dma_start3A_17 = arith.constant 0 : i32
    %dma_start3A_18 = tpu.memref_slice %arg11[%dma_start3A_16, %dma_start3A_17] : memref<3328x32xf32, #tpu.memory_space<vmem>> -> memref<128x32xf32, #tpu.memory_space<vmem>>
    %dma_start3A_19 = arith.constant 128 : i32
    %dma_start3A_20 = tpu.memref_slice %arg8[%dma_start3A_19] : memref<3328xi32, #tpu.memory_space<vmem>> -> memref<128xi32, #tpu.memory_space<vmem>>
    %dma_start3A_21 = arith.constant 0 : i32
    %dma_start3A_22 = arith.constant 0 : i32
    %dma_start3A_23 = tpu.memref_slice %arg2[%dma_start3A_21, %dma_start3A_22] : memref<100000x32xf32, #tpu.memory_space<hbm>> -> memref<100000x32xf32, #tpu.memory_space<hbm>>
    tpu.enqueue_indirect_dma source(%dma_start3A_23 : memref<100000x32xf32, #tpu.memory_space<hbm>>) target(%dma_start3A_18 : memref<128x32xf32, #tpu.memory_space<vmem>>) offsets(%dma_start3A_20 : memref<128xi32, #tpu.memory_space<vmem>>) semaphore(%arg15 : memref<!tpu.dma_semaphore, #tpu.memory_space<semaphore_mem>>)
    %dma_start3A_24 = arith.constant 128 : i32
    %dma_start3A_25 = tpu.memref_slice %arg10[%dma_start3A_24] : memref<3344xf32, #tpu.memory_space<vmem>> -> memref<128xf32, #tpu.memory_space<vmem>>
    %dma_start3A_26 = arith.constant 128 : i32
    %dma_start3A_27 = tpu.memref_slice %arg8[%dma_start3A_26] : memref<3328xi32, #tpu.memory_space<vmem>> -> memref<128xi32, #tpu.memory_space<vmem>>
    %dma_start3A_28 = arith.constant 0 : i32
    %dma_start3A_29 = tpu.memref_slice %arg3[%dma_start3A_28] : memref<100000xf32, #tpu.memory_space<hbm>> -> memref<100000xf32, #tpu.memory_space<hbm>>
    tpu.enqueue_indirect_dma source(%dma_start3A_29 : memref<100000xf32, #tpu.memory_space<hbm>>) target(%dma_start3A_25 : memref<128xf32, #tpu.memory_space<vmem>>) offsets(%dma_start3A_27 : memref<128xi32, #tpu.memory_space<vmem>>) semaphore(%arg15 : memref<!tpu.dma_semaphore, #tpu.memory_space<semaphore_mem>>)
    %dma_start3A_30 = arith.constant 256 : i32
    %dma_start3A_31 = arith.constant 0 : i32
    %dma_start3A_32 = tpu.memref_slice %arg11[%dma_start3A_30, %dma_start3A_31] : memref<3328x32xf32, #tpu.memory_space<vmem>> -> memref<128x32xf32, #tpu.memory_space<vmem>>
    %dma_start3A_33 = arith.constant 256 : i32
    %dma_start3A_34 = tpu.memref_slice %arg8[%dma_start3A_33] : memref<3328xi32, #tpu.memory_space<vmem>> -> memref<128xi32, #tpu.memory_space<vmem>>
    %dma_start3A_35 = arith.constant 0 : i32
    %dma_start3A_36 = arith.constant 0 : i32
    %dma_start3A_37 = tpu.memref_slice %arg2[%dma_start3A_35, %dma_start3A_36] : memref<100000x32xf32, #tpu.memory_space<hbm>> -> memref<100000x32xf32, #tpu.memory_space<hbm>>
    tpu.enqueue_indirect_dma source(%dma_start3A_37 : memref<100000x32xf32, #tpu.memory_space<hbm>>) target(%dma_start3A_32 : memref<128x32xf32, #tpu.memory_space<vmem>>) offsets(%dma_start3A_34 : memref<128xi32, #tpu.memory_space<vmem>>) semaphore(%arg15 : memref<!tpu.dma_semaphore, #tpu.memory_space<semaphore_mem>>)
    %dma_start3A_38 = arith.constant 256 : i32
    %dma_start3A_39 = tpu.memref_slice %arg10[%dma_start3A_38] : memref<3344xf32, #tpu.memory_space<vmem>> -> memref<128xf32, #tpu.memory_space<vmem>>
    %dma_start3A_40 = arith.constant 256 : i32
    %dma_start3A_41 = tpu.memref_slice %arg8[%dma_start3A_40] : memref<3328xi32, #tpu.memory_space<vmem>> -> memref<128xi32, #tpu.memory_space<vmem>>
    %dma_start3A_42 = arith.constant 0 : i32
    %dma_start3A_43 = tpu.memref_slice %arg3[%dma_start3A_42] : memref<100000xf32, #tpu.memory_space<hbm>> -> memref<100000xf32, #tpu.memory_space<hbm>>
    tpu.enqueue_indirect_dma source(%dma_start3A_43 : memref<100000xf32, #tpu.memory_space<hbm>>) target(%dma_start3A_39 : memref<128xf32, #tpu.memory_space<vmem>>) offsets(%dma_start3A_41 : memref<128xi32, #tpu.memory_space<vmem>>) semaphore(%arg15 : memref<!tpu.dma_semaphore, #tpu.memory_space<semaphore_mem>>)
    %dma_start3A_44 = arith.constant 384 : i32
    %dma_start3A_45 = arith.constant 0 : i32
    %dma_start3A_46 = tpu.memref_slice %arg11[%dma_start3A_44, %dma_start3A_45] : memref<3328x32xf32, #tpu.memory_space<vmem>> -> memref<128x32xf32, #tpu.memory_space<vmem>>
    %dma_start3A_47 = arith.constant 384 : i32
    %dma_start3A_48 = tpu.memref_slice %arg8[%dma_start3A_47] : memref<3328xi32, #tpu.memory_space<vmem>> -> memref<128xi32, #tpu.memory_space<vmem>>
    %dma_start3A_49 = arith.constant 0 : i32
    %dma_start3A_50 = arith.constant 0 : i32
    %dma_start3A_51 = tpu.memref_slice %arg2[%dma_start3A_49, %dma_start3A_50] : memref<100000x32xf32, #tpu.memory_space<hbm>> -> memref<100000x32xf32, #tpu.memory_space<hbm>>
    tpu.enqueue_indirect_dma source(%dma_start3A_51 : memref<100000x32xf32, #tpu.memory_space<hbm>>) target(%dma_start3A_46 : memref<128x32xf32, #tpu.memory_space<vmem>>) offsets(%dma_start3A_48 : memref<128xi32, #tpu.memory_space<vmem>>) semaphore(%arg15 : memref<!tpu.dma_semaphore, #tpu.memory_space<semaphore_mem>>)
    %dma_start3A_52 = arith.constant 384 : i32
    %dma_start3A_53 = tpu.memref_slice %arg10[%dma_start3A_52] : memref<3344xf32, #tpu.memory_space<vmem>> -> memref<128xf32, #tpu.memory_space<vmem>>
    %dma_start3A_54 = arith.constant 384 : i32
    %dma_start3A_55 = tpu.memref_slice %arg8[%dma_start3A_54] : memref<3328xi32, #tpu.memory_space<vmem>> -> memref<128xi32, #tpu.memory_space<vmem>>
    %dma_start3A_56 = arith.constant 0 : i32
    %dma_start3A_57 = tpu.memref_slice %arg3[%dma_start3A_56] : memref<100000xf32, #tpu.memory_space<hbm>> -> memref<100000xf32, #tpu.memory_space<hbm>>
    tpu.enqueue_indirect_dma source(%dma_start3A_57 : memref<100000xf32, #tpu.memory_space<hbm>>) target(%dma_start3A_53 : memref<128xf32, #tpu.memory_space<vmem>>) offsets(%dma_start3A_55 : memref<128xi32, #tpu.memory_space<vmem>>) semaphore(%arg15 : memref<!tpu.dma_semaphore, #tpu.memory_space<semaphore_mem>>)
    %dma_start3A_58 = arith.constant 512 : i32
    %dma_start3A_59 = arith.constant 0 : i32
    %dma_start3A_60 = tpu.memref_slice %arg11[%dma_start3A_58, %dma_start3A_59] : memref<3328x32xf32, #tpu.memory_space<vmem>> -> memref<128x32xf32, #tpu.memory_space<vmem>>
    %dma_start3A_61 = arith.constant 512 : i32
    %dma_start3A_62 = tpu.memref_slice %arg8[%dma_start3A_61] : memref<3328xi32, #tpu.memory_space<vmem>> -> memref<128xi32, #tpu.memory_space<vmem>>
    %dma_start3A_63 = arith.constant 0 : i32
    %dma_start3A_64 = arith.constant 0 : i32
    %dma_start3A_65 = tpu.memref_slice %arg2[%dma_start3A_63, %dma_start3A_64] : memref<100000x32xf32, #tpu.memory_space<hbm>> -> memref<100000x32xf32, #tpu.memory_space<hbm>>
    tpu.enqueue_indirect_dma source(%dma_start3A_65 : memref<100000x32xf32, #tpu.memory_space<hbm>>) target(%dma_start3A_60 : memref<128x32xf32, #tpu.memory_space<vmem>>) offsets(%dma_start3A_62 : memref<128xi32, #tpu.memory_space<vmem>>) semaphore(%arg15 : memref<!tpu.dma_semaphore, #tpu.memory_space<semaphore_mem>>)
    %dma_start3A_66 = arith.constant 512 : i32
    %dma_start3A_67 = tpu.memref_slice %arg10[%dma_start3A_66] : memref<3344xf32, #tpu.memory_space<vmem>> -> memref<128xf32, #tpu.memory_space<vmem>>
    %dma_start3A_68 = arith.constant 512 : i32
    %dma_start3A_69 = tpu.memref_slice %arg8[%dma_start3A_68] : memref<3328xi32, #tpu.memory_space<vmem>> -> memref<128xi32, #tpu.memory_space<vmem>>
    %dma_start3A_70 = arith.constant 0 : i32
    %dma_start3A_71 = tpu.memref_slice %arg3[%dma_start3A_70] : memref<100000xf32, #tpu.memory_space<hbm>> -> memref<100000xf32, #tpu.memory_space<hbm>>
    tpu.enqueue_indirect_dma source(%dma_start3A_71 : memref<100000xf32, #tpu.memory_space<hbm>>) target(%dma_start3A_67 : memref<128xf32, #tpu.memory_space<vmem>>) offsets(%dma_start3A_69 : memref<128xi32, #tpu.memory_space<vmem>>) semaphore(%arg15 : memref<!tpu.dma_semaphore, #tpu.memory_space<semaphore_mem>>)
    %dma_start3A_72 = arith.constant 640 : i32
    %dma_start3A_73 = arith.constant 0 : i32
    %dma_start3A_74 = tpu.memref_slice %arg11[%dma_start3A_72, %dma_start3A_73] : memref<3328x32xf32, #tpu.memory_space<vmem>> -> memref<128x32xf32, #tpu.memory_space<vmem>>
    %dma_start3A_75 = arith.constant 640 : i32
    %dma_start3A_76 = tpu.memref_slice %arg8[%dma_start3A_75] : memref<3328xi32, #tpu.memory_space<vmem>> -> memref<128xi32, #tpu.memory_space<vmem>>
    %dma_start3A_77 = arith.constant 0 : i32
    %dma_start3A_78 = arith.constant 0 : i32
    %dma_start3A_79 = tpu.memref_slice %arg2[%dma_start3A_77, %dma_start3A_78] : memref<100000x32xf32, #tpu.memory_space<hbm>> -> memref<100000x32xf32, #tpu.memory_space<hbm>>
    tpu.enqueue_indirect_dma source(%dma_start3A_79 : memref<100000x32xf32, #tpu.memory_space<hbm>>) target(%dma_start3A_74 : memref<128x32xf32, #tpu.memory_space<vmem>>) offsets(%dma_start3A_76 : memref<128xi32, #tpu.memory_space<vmem>>) semaphore(%arg15 : memref<!tpu.dma_semaphore, #tpu.memory_space<semaphore_mem>>)
    %dma_start3A_80 = arith.constant 640 : i32
    %dma_start3A_81 = tpu.memref_slice %arg10[%dma_start3A_80] : memref<3344xf32, #tpu.memory_space<vmem>> -> memref<128xf32, #tpu.memory_space<vmem>>
    %dma_start3A_82 = arith.constant 640 : i32
    %dma_start3A_83 = tpu.memref_slice %arg8[%dma_start3A_82] : memref<3328xi32, #tpu.memory_space<vmem>> -> memref<128xi32, #tpu.memory_space<vmem>>
    %dma_start3A_84 = arith.constant 0 : i32
    %dma_start3A_85 = tpu.memref_slice %arg3[%dma_start3A_84] : memref<100000xf32, #tpu.memory_space<hbm>> -> memref<100000xf32, #tpu.memory_space<hbm>>
    tpu.enqueue_indirect_dma source(%dma_start3A_85 : memref<100000xf32, #tpu.memory_space<hbm>>) target(%dma_start3A_81 : memref<128xf32, #tpu.memory_space<vmem>>) offsets(%dma_start3A_83 : memref<128xi32, #tpu.memory_space<vmem>>) semaphore(%arg15 : memref<!tpu.dma_semaphore, #tpu.memory_space<semaphore_mem>>)
    %dma_start3A_86 = arith.constant 768 : i32
    %dma_start3A_87 = arith.constant 0 : i32
    %dma_start3A_88 = tpu.memref_slice %arg11[%dma_start3A_86, %dma_start3A_87] : memref<3328x32xf32, #tpu.memory_space<vmem>> -> memref<128x32xf32, #tpu.memory_space<vmem>>
    %dma_start3A_89 = arith.constant 768 : i32
    %dma_start3A_90 = tpu.memref_slice %arg8[%dma_start3A_89] : memref<3328xi32, #tpu.memory_space<vmem>> -> memref<128xi32, #tpu.memory_space<vmem>>
    %dma_start3A_91 = arith.constant 0 : i32
    %dma_start3A_92 = arith.constant 0 : i32
    %dma_start3A_93 = tpu.memref_slice %arg2[%dma_start3A_91, %dma_start3A_92] : memref<100000x32xf32, #tpu.memory_space<hbm>> -> memref<100000x32xf32, #tpu.memory_space<hbm>>
    tpu.enqueue_indirect_dma source(%dma_start3A_93 : memref<100000x32xf32, #tpu.memory_space<hbm>>) target(%dma_start3A_88 : memref<128x32xf32, #tpu.memory_space<vmem>>) offsets(%dma_start3A_90 : memref<128xi32, #tpu.memory_space<vmem>>) semaphore(%arg15 : memref<!tpu.dma_semaphore, #tpu.memory_space<semaphore_mem>>)
    %dma_start3A_94 = arith.constant 768 : i32
    %dma_start3A_95 = tpu.memref_slice %arg10[%dma_start3A_94] : memref<3344xf32, #tpu.memory_space<vmem>> -> memref<128xf32, #tpu.memory_space<vmem>>
    %dma_start3A_96 = arith.constant 768 : i32
    %dma_start3A_97 = tpu.memref_slice %arg8[%dma_start3A_96] : memref<3328xi32, #tpu.memory_space<vmem>> -> memref<128xi32, #tpu.memory_space<vmem>>
    %dma_start3A_98 = arith.constant 0 : i32
    %dma_start3A_99 = tpu.memref_slice %arg3[%dma_start3A_98] : memref<100000xf32, #tpu.memory_space<hbm>> -> memref<100000xf32, #tpu.memory_space<hbm>>
    tpu.enqueue_indirect_dma source(%dma_start3A_99 : memref<100000xf32, #tpu.memory_space<hbm>>) target(%dma_start3A_95 : memref<128xf32, #tpu.memory_space<vmem>>) offsets(%dma_start3A_97 : memref<128xi32, #tpu.memory_space<vmem>>) semaphore(%arg15 : memref<!tpu.dma_semaphore, #tpu.memory_space<semaphore_mem>>)
    %dma_start3A_100 = arith.constant 896 : i32
    %dma_start3A_101 = arith.constant 0 : i32
    %dma_start3A_102 = tpu.memref_slice %arg11[%dma_start3A_100, %dma_start3A_101] : memref<3328x32xf32, #tpu.memory_space<vmem>> -> memref<128x32xf32, #tpu.memory_space<vmem>>
    %dma_start3A_103 = arith.constant 896 : i32
    %dma_start3A_104 = tpu.memref_slice %arg8[%dma_start3A_103] : memref<3328xi32, #tpu.memory_space<vmem>> -> memref<128xi32, #tpu.memory_space<vmem>>
    %dma_start3A_105 = arith.constant 0 : i32
    %dma_start3A_106 = arith.constant 0 : i32
    %dma_start3A_107 = tpu.memref_slice %arg2[%dma_start3A_105, %dma_start3A_106] : memref<100000x32xf32, #tpu.memory_space<hbm>> -> memref<100000x32xf32, #tpu.memory_space<hbm>>
    tpu.enqueue_indirect_dma source(%dma_start3A_107 : memref<100000x32xf32, #tpu.memory_space<hbm>>) target(%dma_start3A_102 : memref<128x32xf32, #tpu.memory_space<vmem>>) offsets(%dma_start3A_104 : memref<128xi32, #tpu.memory_space<vmem>>) semaphore(%arg15 : memref<!tpu.dma_semaphore, #tpu.memory_space<semaphore_mem>>)
    %dma_start3A_108 = arith.constant 896 : i32
    %dma_start3A_109 = tpu.memref_slice %arg10[%dma_start3A_108] : memref<3344xf32, #tpu.memory_space<vmem>> -> memref<128xf32, #tpu.memory_space<vmem>>
    %dma_start3A_110 = arith.constant 896 : i32
    %dma_start3A_111 = tpu.memref_slice %arg8[%dma_start3A_110] : memref<3328xi32, #tpu.memory_space<vmem>> -> memref<128xi32, #tpu.memory_space<vmem>>
    %dma_start3A_112 = arith.constant 0 : i32
    %dma_start3A_113 = tpu.memref_slice %arg3[%dma_start3A_112] : memref<100000xf32, #tpu.memory_space<hbm>> -> memref<100000xf32, #tpu.memory_space<hbm>>
    tpu.enqueue_indirect_dma source(%dma_start3A_113 : memref<100000xf32, #tpu.memory_space<hbm>>) target(%dma_start3A_109 : memref<128xf32, #tpu.memory_space<vmem>>) offsets(%dma_start3A_111 : memref<128xi32, #tpu.memory_space<vmem>>) semaphore(%arg15 : memref<!tpu.dma_semaphore, #tpu.memory_space<semaphore_mem>>)
    %dma_start3A_114 = arith.constant 1024 : i32
    %dma_start3A_115 = arith.constant 0 : i32
    %dma_start3A_116 = tpu.memref_slice %arg11[%dma_start3A_114, %dma_start3A_115] : memref<3328x32xf32, #tpu.memory_space<vmem>> -> memref<128x32xf32, #tpu.memory_space<vmem>>
    %dma_start3A_117 = arith.constant 1024 : i32
    %dma_start3A_118 = tpu.memref_slice %arg8[%dma_start3A_117] : memref<3328xi32, #tpu.memory_space<vmem>> -> memref<128xi32, #tpu.memory_space<vmem>>
    %dma_start3A_119 = arith.constant 0 : i32
    %dma_start3A_120 = arith.constant 0 : i32
    %dma_start3A_121 = tpu.memref_slice %arg2[%dma_start3A_119, %dma_start3A_120] : memref<100000x32xf32, #tpu.memory_space<hbm>> -> memref<100000x32xf32, #tpu.memory_space<hbm>>
    tpu.enqueue_indirect_dma source(%dma_start3A_121 : memref<100000x32xf32, #tpu.memory_space<hbm>>) target(%dma_start3A_116 : memref<128x32xf32, #tpu.memory_space<vmem>>) offsets(%dma_start3A_118 : memref<128xi32, #tpu.memory_space<vmem>>) semaphore(%arg15 : memref<!tpu.dma_semaphore, #tpu.memory_space<semaphore_mem>>)
    %dma_start3A_122 = arith.constant 1024 : i32
    %dma_start3A_123 = tpu.memref_slice %arg10[%dma_start3A_122] : memref<3344xf32, #tpu.memory_space<vmem>> -> memref<128xf32, #tpu.memory_space<vmem>>
    %dma_start3A_124 = arith.constant 1024 : i32
    %dma_start3A_125 = tpu.memref_slice %arg8[%dma_start3A_124] : memref<3328xi32, #tpu.memory_space<vmem>> -> memref<128xi32, #tpu.memory_space<vmem>>
    %dma_start3A_126 = arith.constant 0 : i32
    %dma_start3A_127 = tpu.memref_slice %arg3[%dma_start3A_126] : memref<100000xf32, #tpu.memory_space<hbm>> -> memref<100000xf32, #tpu.memory_space<hbm>>
    tpu.enqueue_indirect_dma source(%dma_start3A_127 : memref<100000xf32, #tpu.memory_space<hbm>>) target(%dma_start3A_123 : memref<128xf32, #tpu.memory_space<vmem>>) offsets(%dma_start3A_125 : memref<128xi32, #tpu.memory_space<vmem>>) semaphore(%arg15 : memref<!tpu.dma_semaphore, #tpu.memory_space<semaphore_mem>>)
    %dma_start3A_128 = arith.constant 1152 : i32
    %dma_start3A_129 = arith.constant 0 : i32
    %dma_start3A_130 = tpu.memref_slice %arg11[%dma_start3A_128, %dma_start3A_129] : memref<3328x32xf32, #tpu.memory_space<vmem>> -> memref<128x32xf32, #tpu.memory_space<vmem>>
    %dma_start3A_131 = arith.constant 1152 : i32
    %dma_start3A_132 = tpu.memref_slice %arg8[%dma_start3A_131] : memref<3328xi32, #tpu.memory_space<vmem>> -> memref<128xi32, #tpu.memory_space<vmem>>
    %dma_start3A_133 = arith.constant 0 : i32
    %dma_start3A_134 = arith.constant 0 : i32
    %dma_start3A_135 = tpu.memref_slice %arg2[%dma_start3A_133, %dma_start3A_134] : memref<100000x32xf32, #tpu.memory_space<hbm>> -> memref<100000x32xf32, #tpu.memory_space<hbm>>
    tpu.enqueue_indirect_dma source(%dma_start3A_135 : memref<100000x32xf32, #tpu.memory_space<hbm>>) target(%dma_start3A_130 : memref<128x32xf32, #tpu.memory_space<vmem>>) offsets(%dma_start3A_132 : memref<128xi32, #tpu.memory_space<vmem>>) semaphore(%arg15 : memref<!tpu.dma_semaphore, #tpu.memory_space<semaphore_mem>>)
    %dma_start3A_136 = arith.constant 1152 : i32
    %dma_start3A_137 = tpu.memref_slice %arg10[%dma_start3A_136] : memref<3344xf32, #tpu.memory_space<vmem>> -> memref<128xf32, #tpu.memory_space<vmem>>
    %dma_start3A_138 = arith.constant 1152 : i32
    %dma_start3A_139 = tpu.memref_slice %arg8[%dma_start3A_138] : memref<3328xi32, #tpu.memory_space<vmem>> -> memref<128xi32, #tpu.memory_space<vmem>>
    %dma_start3A_140 = arith.constant 0 : i32
    %dma_start3A_141 = tpu.memref_slice %arg3[%dma_start3A_140] : memref<100000xf32, #tpu.memory_space<hbm>> -> memref<100000xf32, #tpu.memory_space<hbm>>
    tpu.enqueue_indirect_dma source(%dma_start3A_141 : memref<100000xf32, #tpu.memory_space<hbm>>) target(%dma_start3A_137 : memref<128xf32, #tpu.memory_space<vmem>>) offsets(%dma_start3A_139 : memref<128xi32, #tpu.memory_space<vmem>>) semaphore(%arg15 : memref<!tpu.dma_semaphore, #tpu.memory_space<semaphore_mem>>)
    %dma_start3A_142 = arith.constant 1280 : i32
    %dma_start3A_143 = arith.constant 0 : i32
    %dma_start3A_144 = tpu.memref_slice %arg11[%dma_start3A_142, %dma_start3A_143] : memref<3328x32xf32, #tpu.memory_space<vmem>> -> memref<128x32xf32, #tpu.memory_space<vmem>>
    %dma_start3A_145 = arith.constant 1280 : i32
    %dma_start3A_146 = tpu.memref_slice %arg8[%dma_start3A_145] : memref<3328xi32, #tpu.memory_space<vmem>> -> memref<128xi32, #tpu.memory_space<vmem>>
    %dma_start3A_147 = arith.constant 0 : i32
    %dma_start3A_148 = arith.constant 0 : i32
    %dma_start3A_149 = tpu.memref_slice %arg2[%dma_start3A_147, %dma_start3A_148] : memref<100000x32xf32, #tpu.memory_space<hbm>> -> memref<100000x32xf32, #tpu.memory_space<hbm>>
    tpu.enqueue_indirect_dma source(%dma_start3A_149 : memref<100000x32xf32, #tpu.memory_space<hbm>>) target(%dma_start3A_144 : memref<128x32xf32, #tpu.memory_space<vmem>>) offsets(%dma_start3A_146 : memref<128xi32, #tpu.memory_space<vmem>>) semaphore(%arg15 : memref<!tpu.dma_semaphore, #tpu.memory_space<semaphore_mem>>)
    %dma_start3A_150 = arith.constant 1280 : i32
    %dma_start3A_151 = tpu.memref_slice %arg10[%dma_start3A_150] : memref<3344xf32, #tpu.memory_space<vmem>> -> memref<128xf32, #tpu.memory_space<vmem>>
    %dma_start3A_152 = arith.constant 1280 : i32
    %dma_start3A_153 = tpu.memref_slice %arg8[%dma_start3A_152] : memref<3328xi32, #tpu.memory_space<vmem>> -> memref<128xi32, #tpu.memory_space<vmem>>
    %dma_start3A_154 = arith.constant 0 : i32
    %dma_start3A_155 = tpu.memref_slice %arg3[%dma_start3A_154] : memref<100000xf32, #tpu.memory_space<hbm>> -> memref<100000xf32, #tpu.memory_space<hbm>>
    tpu.enqueue_indirect_dma source(%dma_start3A_155 : memref<100000xf32, #tpu.memory_space<hbm>>) target(%dma_start3A_151 : memref<128xf32, #tpu.memory_space<vmem>>) offsets(%dma_start3A_153 : memref<128xi32, #tpu.memory_space<vmem>>) semaphore(%arg15 : memref<!tpu.dma_semaphore, #tpu.memory_space<semaphore_mem>>)
    %dma_start3A_156 = arith.constant 1408 : i32
    %dma_start3A_157 = arith.constant 0 : i32
    %dma_start3A_158 = tpu.memref_slice %arg11[%dma_start3A_156, %dma_start3A_157] : memref<3328x32xf32, #tpu.memory_space<vmem>> -> memref<128x32xf32, #tpu.memory_space<vmem>>
    %dma_start3A_159 = arith.constant 1408 : i32
    %dma_start3A_160 = tpu.memref_slice %arg8[%dma_start3A_159] : memref<3328xi32, #tpu.memory_space<vmem>> -> memref<128xi32, #tpu.memory_space<vmem>>
    %dma_start3A_161 = arith.constant 0 : i32
    %dma_start3A_162 = arith.constant 0 : i32
    %dma_start3A_163 = tpu.memref_slice %arg2[%dma_start3A_161, %dma_start3A_162] : memref<100000x32xf32, #tpu.memory_space<hbm>> -> memref<100000x32xf32, #tpu.memory_space<hbm>>
    tpu.enqueue_indirect_dma source(%dma_start3A_163 : memref<100000x32xf32, #tpu.memory_space<hbm>>) target(%dma_start3A_158 : memref<128x32xf32, #tpu.memory_space<vmem>>) offsets(%dma_start3A_160 : memref<128xi32, #tpu.memory_space<vmem>>) semaphore(%arg15 : memref<!tpu.dma_semaphore, #tpu.memory_space<semaphore_mem>>)
    %dma_start3A_164 = arith.constant 1408 : i32
    %dma_start3A_165 = tpu.memref_slice %arg10[%dma_start3A_164] : memref<3344xf32, #tpu.memory_space<vmem>> -> memref<128xf32, #tpu.memory_space<vmem>>
    %dma_start3A_166 = arith.constant 1408 : i32
    %dma_start3A_167 = tpu.memref_slice %arg8[%dma_start3A_166] : memref<3328xi32, #tpu.memory_space<vmem>> -> memref<128xi32, #tpu.memory_space<vmem>>
    %dma_start3A_168 = arith.constant 0 : i32
    %dma_start3A_169 = tpu.memref_slice %arg3[%dma_start3A_168] : memref<100000xf32, #tpu.memory_space<hbm>> -> memref<100000xf32, #tpu.memory_space<hbm>>
    tpu.enqueue_indirect_dma source(%dma_start3A_169 : memref<100000xf32, #tpu.memory_space<hbm>>) target(%dma_start3A_165 : memref<128xf32, #tpu.memory_space<vmem>>) offsets(%dma_start3A_167 : memref<128xi32, #tpu.memory_space<vmem>>) semaphore(%arg15 : memref<!tpu.dma_semaphore, #tpu.memory_space<semaphore_mem>>)
    %dma_start3A_170 = arith.constant 1536 : i32
    %dma_start3A_171 = arith.constant 0 : i32
    %dma_start3A_172 = tpu.memref_slice %arg11[%dma_start3A_170, %dma_start3A_171] : memref<3328x32xf32, #tpu.memory_space<vmem>> -> memref<128x32xf32, #tpu.memory_space<vmem>>
    %dma_start3A_173 = arith.constant 1536 : i32
    %dma_start3A_174 = tpu.memref_slice %arg8[%dma_start3A_173] : memref<3328xi32, #tpu.memory_space<vmem>> -> memref<128xi32, #tpu.memory_space<vmem>>
    %dma_start3A_175 = arith.constant 0 : i32
    %dma_start3A_176 = arith.constant 0 : i32
    %dma_start3A_177 = tpu.memref_slice %arg2[%dma_start3A_175, %dma_start3A_176] : memref<100000x32xf32, #tpu.memory_space<hbm>> -> memref<100000x32xf32, #tpu.memory_space<hbm>>
    tpu.enqueue_indirect_dma source(%dma_start3A_177 : memref<100000x32xf32, #tpu.memory_space<hbm>>) target(%dma_start3A_172 : memref<128x32xf32, #tpu.memory_space<vmem>>) offsets(%dma_start3A_174 : memref<128xi32, #tpu.memory_space<vmem>>) semaphore(%arg15 : memref<!tpu.dma_semaphore, #tpu.memory_space<semaphore_mem>>)
    %dma_start3A_178 = arith.constant 1536 : i32
    %dma_start3A_179 = tpu.memref_slice %arg10[%dma_start3A_178] : memref<3344xf32, #tpu.memory_space<vmem>> -> memref<128xf32, #tpu.memory_space<vmem>>
    %dma_start3A_180 = arith.constant 1536 : i32
    %dma_start3A_181 = tpu.memref_slice %arg8[%dma_start3A_180] : memref<3328xi32, #tpu.memory_space<vmem>> -> memref<128xi32, #tpu.memory_space<vmem>>
    %dma_start3A_182 = arith.constant 0 : i32
    %dma_start3A_183 = tpu.memref_slice %arg3[%dma_start3A_182] : memref<100000xf32, #tpu.memory_space<hbm>> -> memref<100000xf32, #tpu.memory_space<hbm>>
    tpu.enqueue_indirect_dma source(%dma_start3A_183 : memref<100000xf32, #tpu.memory_space<hbm>>) target(%dma_start3A_179 : memref<128xf32, #tpu.memory_space<vmem>>) offsets(%dma_start3A_181 : memref<128xi32, #tpu.memory_space<vmem>>) semaphore(%arg15 : memref<!tpu.dma_semaphore, #tpu.memory_space<semaphore_mem>>)
    %dma_start3A_184 = arith.constant 1664 : i32
    %dma_start3A_185 = arith.constant 0 : i32
    %dma_start3A_186 = tpu.memref_slice %arg11[%dma_start3A_184, %dma_start3A_185] : memref<3328x32xf32, #tpu.memory_space<vmem>> -> memref<128x32xf32, #tpu.memory_space<vmem>>
    %dma_start3A_187 = arith.constant 1664 : i32
    %dma_start3A_188 = tpu.memref_slice %arg8[%dma_start3A_187] : memref<3328xi32, #tpu.memory_space<vmem>> -> memref<128xi32, #tpu.memory_space<vmem>>
    %dma_start3A_189 = arith.constant 0 : i32
    %dma_start3A_190 = arith.constant 0 : i32
    %dma_start3A_191 = tpu.memref_slice %arg2[%dma_start3A_189, %dma_start3A_190] : memref<100000x32xf32, #tpu.memory_space<hbm>> -> memref<100000x32xf32, #tpu.memory_space<hbm>>
    tpu.enqueue_indirect_dma source(%dma_start3A_191 : memref<100000x32xf32, #tpu.memory_space<hbm>>) target(%dma_start3A_186 : memref<128x32xf32, #tpu.memory_space<vmem>>) offsets(%dma_start3A_188 : memref<128xi32, #tpu.memory_space<vmem>>) semaphore(%arg15 : memref<!tpu.dma_semaphore, #tpu.memory_space<semaphore_mem>>)
    %dma_start3A_192 = arith.constant 1664 : i32
    %dma_start3A_193 = tpu.memref_slice %arg10[%dma_start3A_192] : memref<3344xf32, #tpu.memory_space<vmem>> -> memref<128xf32, #tpu.memory_space<vmem>>
    %dma_start3A_194 = arith.constant 1664 : i32
    %dma_start3A_195 = tpu.memref_slice %arg8[%dma_start3A_194] : memref<3328xi32, #tpu.memory_space<vmem>> -> memref<128xi32, #tpu.memory_space<vmem>>
    %dma_start3A_196 = arith.constant 0 : i32
    %dma_start3A_197 = tpu.memref_slice %arg3[%dma_start3A_196] : memref<100000xf32, #tpu.memory_space<hbm>> -> memref<100000xf32, #tpu.memory_space<hbm>>
    tpu.enqueue_indirect_dma source(%dma_start3A_197 : memref<100000xf32, #tpu.memory_space<hbm>>) target(%dma_start3A_193 : memref<128xf32, #tpu.memory_space<vmem>>) offsets(%dma_start3A_195 : memref<128xi32, #tpu.memory_space<vmem>>) semaphore(%arg15 : memref<!tpu.dma_semaphore, #tpu.memory_space<semaphore_mem>>)
    %dma_start3A_198 = arith.constant 1792 : i32
    %dma_start3A_199 = arith.constant 0 : i32
    %dma_start3A_200 = tpu.memref_slice %arg11[%dma_start3A_198, %dma_start3A_199] : memref<3328x32xf32, #tpu.memory_space<vmem>> -> memref<128x32xf32, #tpu.memory_space<vmem>>
    %dma_start3A_201 = arith.constant 1792 : i32
    %dma_start3A_202 = tpu.memref_slice %arg8[%dma_start3A_201] : memref<3328xi32, #tpu.memory_space<vmem>> -> memref<128xi32, #tpu.memory_space<vmem>>
    %dma_start3A_203 = arith.constant 0 : i32
    %dma_start3A_204 = arith.constant 0 : i32
    %dma_start3A_205 = tpu.memref_slice %arg2[%dma_start3A_203, %dma_start3A_204] : memref<100000x32xf32, #tpu.memory_space<hbm>> -> memref<100000x32xf32, #tpu.memory_space<hbm>>
    tpu.enqueue_indirect_dma source(%dma_start3A_205 : memref<100000x32xf32, #tpu.memory_space<hbm>>) target(%dma_start3A_200 : memref<128x32xf32, #tpu.memory_space<vmem>>) offsets(%dma_start3A_202 : memref<128xi32, #tpu.memory_space<vmem>>) semaphore(%arg15 : memref<!tpu.dma_semaphore, #tpu.memory_space<semaphore_mem>>)
    %dma_start3A_206 = arith.constant 1792 : i32
    %dma_start3A_207 = tpu.memref_slice %arg10[%dma_start3A_206] : memref<3344xf32, #tpu.memory_space<vmem>> -> memref<128xf32, #tpu.memory_space<vmem>>
    %dma_start3A_208 = arith.constant 1792 : i32
    %dma_start3A_209 = tpu.memref_slice %arg8[%dma_start3A_208] : memref<3328xi32, #tpu.memory_space<vmem>> -> memref<128xi32, #tpu.memory_space<vmem>>
    %dma_start3A_210 = arith.constant 0 : i32
    %dma_start3A_211 = tpu.memref_slice %arg3[%dma_start3A_210] : memref<100000xf32, #tpu.memory_space<hbm>> -> memref<100000xf32, #tpu.memory_space<hbm>>
    tpu.enqueue_indirect_dma source(%dma_start3A_211 : memref<100000xf32, #tpu.memory_space<hbm>>) target(%dma_start3A_207 : memref<128xf32, #tpu.memory_space<vmem>>) offsets(%dma_start3A_209 : memref<128xi32, #tpu.memory_space<vmem>>) semaphore(%arg15 : memref<!tpu.dma_semaphore, #tpu.memory_space<semaphore_mem>>)
    %dma_start3A_212 = arith.constant 1920 : i32
    %dma_start3A_213 = arith.constant 0 : i32
    %dma_start3A_214 = tpu.memref_slice %arg11[%dma_start3A_212, %dma_start3A_213] : memref<3328x32xf32, #tpu.memory_space<vmem>> -> memref<128x32xf32, #tpu.memory_space<vmem>>
    %dma_start3A_215 = arith.constant 1920 : i32
    %dma_start3A_216 = tpu.memref_slice %arg8[%dma_start3A_215] : memref<3328xi32, #tpu.memory_space<vmem>> -> memref<128xi32, #tpu.memory_space<vmem>>
    %dma_start3A_217 = arith.constant 0 : i32
    %dma_start3A_218 = arith.constant 0 : i32
    %dma_start3A_219 = tpu.memref_slice %arg2[%dma_start3A_217, %dma_start3A_218] : memref<100000x32xf32, #tpu.memory_space<hbm>> -> memref<100000x32xf32, #tpu.memory_space<hbm>>
    tpu.enqueue_indirect_dma source(%dma_start3A_219 : memref<100000x32xf32, #tpu.memory_space<hbm>>) target(%dma_start3A_214 : memref<128x32xf32, #tpu.memory_space<vmem>>) offsets(%dma_start3A_216 : memref<128xi32, #tpu.memory_space<vmem>>) semaphore(%arg15 : memref<!tpu.dma_semaphore, #tpu.memory_space<semaphore_mem>>)
    %dma_start3A_220 = arith.constant 1920 : i32
    %dma_start3A_221 = tpu.memref_slice %arg10[%dma_start3A_220] : memref<3344xf32, #tpu.memory_space<vmem>> -> memref<128xf32, #tpu.memory_space<vmem>>
    %dma_start3A_222 = arith.constant 1920 : i32
    %dma_start3A_223 = tpu.memref_slice %arg8[%dma_start3A_222] : memref<3328xi32, #tpu.memory_space<vmem>> -> memref<128xi32, #tpu.memory_space<vmem>>
    %dma_start3A_224 = arith.constant 0 : i32
    %dma_start3A_225 = tpu.memref_slice %arg3[%dma_start3A_224] : memref<100000xf32, #tpu.memory_space<hbm>> -> memref<100000xf32, #tpu.memory_space<hbm>>
    tpu.enqueue_indirect_dma source(%dma_start3A_225 : memref<100000xf32, #tpu.memory_space<hbm>>) target(%dma_start3A_221 : memref<128xf32, #tpu.memory_space<vmem>>) offsets(%dma_start3A_223 : memref<128xi32, #tpu.memory_space<vmem>>) semaphore(%arg15 : memref<!tpu.dma_semaphore, #tpu.memory_space<semaphore_mem>>)
    %dma_start3A_226 = arith.constant 2048 : i32
    %dma_start3A_227 = arith.constant 0 : i32
    %dma_start3A_228 = tpu.memref_slice %arg11[%dma_start3A_226, %dma_start3A_227] : memref<3328x32xf32, #tpu.memory_space<vmem>> -> memref<128x32xf32, #tpu.memory_space<vmem>>
    %dma_start3A_229 = arith.constant 2048 : i32
    %dma_start3A_230 = tpu.memref_slice %arg8[%dma_start3A_229] : memref<3328xi32, #tpu.memory_space<vmem>> -> memref<128xi32, #tpu.memory_space<vmem>>
    %dma_start3A_231 = arith.constant 0 : i32
    %dma_start3A_232 = arith.constant 0 : i32
    %dma_start3A_233 = tpu.memref_slice %arg2[%dma_start3A_231, %dma_start3A_232] : memref<100000x32xf32, #tpu.memory_space<hbm>> -> memref<100000x32xf32, #tpu.memory_space<hbm>>
    tpu.enqueue_indirect_dma source(%dma_start3A_233 : memref<100000x32xf32, #tpu.memory_space<hbm>>) target(%dma_start3A_228 : memref<128x32xf32, #tpu.memory_space<vmem>>) offsets(%dma_start3A_230 : memref<128xi32, #tpu.memory_space<vmem>>) semaphore(%arg15 : memref<!tpu.dma_semaphore, #tpu.memory_space<semaphore_mem>>)
    %dma_start3A_234 = arith.constant 2048 : i32
    %dma_start3A_235 = tpu.memref_slice %arg10[%dma_start3A_234] : memref<3344xf32, #tpu.memory_space<vmem>> -> memref<128xf32, #tpu.memory_space<vmem>>
    %dma_start3A_236 = arith.constant 2048 : i32
    %dma_start3A_237 = tpu.memref_slice %arg8[%dma_start3A_236] : memref<3328xi32, #tpu.memory_space<vmem>> -> memref<128xi32, #tpu.memory_space<vmem>>
    %dma_start3A_238 = arith.constant 0 : i32
    %dma_start3A_239 = tpu.memref_slice %arg3[%dma_start3A_238] : memref<100000xf32, #tpu.memory_space<hbm>> -> memref<100000xf32, #tpu.memory_space<hbm>>
    tpu.enqueue_indirect_dma source(%dma_start3A_239 : memref<100000xf32, #tpu.memory_space<hbm>>) target(%dma_start3A_235 : memref<128xf32, #tpu.memory_space<vmem>>) offsets(%dma_start3A_237 : memref<128xi32, #tpu.memory_space<vmem>>) semaphore(%arg15 : memref<!tpu.dma_semaphore, #tpu.memory_space<semaphore_mem>>)
    %dma_start3A_240 = arith.constant 2176 : i32
    %dma_start3A_241 = arith.constant 0 : i32
    %dma_start3A_242 = tpu.memref_slice %arg11[%dma_start3A_240, %dma_start3A_241] : memref<3328x32xf32, #tpu.memory_space<vmem>> -> memref<128x32xf32, #tpu.memory_space<vmem>>
    %dma_start3A_243 = arith.constant 2176 : i32
    %dma_start3A_244 = tpu.memref_slice %arg8[%dma_start3A_243] : memref<3328xi32, #tpu.memory_space<vmem>> -> memref<128xi32, #tpu.memory_space<vmem>>
    %dma_start3A_245 = arith.constant 0 : i32
    %dma_start3A_246 = arith.constant 0 : i32
    %dma_start3A_247 = tpu.memref_slice %arg2[%dma_start3A_245, %dma_start3A_246] : memref<100000x32xf32, #tpu.memory_space<hbm>> -> memref<100000x32xf32, #tpu.memory_space<hbm>>
    tpu.enqueue_indirect_dma source(%dma_start3A_247 : memref<100000x32xf32, #tpu.memory_space<hbm>>) target(%dma_start3A_242 : memref<128x32xf32, #tpu.memory_space<vmem>>) offsets(%dma_start3A_244 : memref<128xi32, #tpu.memory_space<vmem>>) semaphore(%arg15 : memref<!tpu.dma_semaphore, #tpu.memory_space<semaphore_mem>>)
    %dma_start3A_248 = arith.constant 2176 : i32
    %dma_start3A_249 = tpu.memref_slice %arg10[%dma_start3A_248] : memref<3344xf32, #tpu.memory_space<vmem>> -> memref<128xf32, #tpu.memory_space<vmem>>
    %dma_start3A_250 = arith.constant 2176 : i32
    %dma_start3A_251 = tpu.memref_slice %arg8[%dma_start3A_250] : memref<3328xi32, #tpu.memory_space<vmem>> -> memref<128xi32, #tpu.memory_space<vmem>>
    %dma_start3A_252 = arith.constant 0 : i32
    %dma_start3A_253 = tpu.memref_slice %arg3[%dma_start3A_252] : memref<100000xf32, #tpu.memory_space<hbm>> -> memref<100000xf32, #tpu.memory_space<hbm>>
    tpu.enqueue_indirect_dma source(%dma_start3A_253 : memref<100000xf32, #tpu.memory_space<hbm>>) target(%dma_start3A_249 : memref<128xf32, #tpu.memory_space<vmem>>) offsets(%dma_start3A_251 : memref<128xi32, #tpu.memory_space<vmem>>) semaphore(%arg15 : memref<!tpu.dma_semaphore, #tpu.memory_space<semaphore_mem>>)
    %dma_start3A_254 = arith.constant 2304 : i32
    %dma_start3A_255 = arith.constant 0 : i32
    %dma_start3A_256 = tpu.memref_slice %arg11[%dma_start3A_254, %dma_start3A_255] : memref<3328x32xf32, #tpu.memory_space<vmem>> -> memref<128x32xf32, #tpu.memory_space<vmem>>
    %dma_start3A_257 = arith.constant 2304 : i32
    %dma_start3A_258 = tpu.memref_slice %arg8[%dma_start3A_257] : memref<3328xi32, #tpu.memory_space<vmem>> -> memref<128xi32, #tpu.memory_space<vmem>>
    %dma_start3A_259 = arith.constant 0 : i32
    %dma_start3A_260 = arith.constant 0 : i32
    %dma_start3A_261 = tpu.memref_slice %arg2[%dma_start3A_259, %dma_start3A_260] : memref<100000x32xf32, #tpu.memory_space<hbm>> -> memref<100000x32xf32, #tpu.memory_space<hbm>>
    tpu.enqueue_indirect_dma source(%dma_start3A_261 : memref<100000x32xf32, #tpu.memory_space<hbm>>) target(%dma_start3A_256 : memref<128x32xf32, #tpu.memory_space<vmem>>) offsets(%dma_start3A_258 : memref<128xi32, #tpu.memory_space<vmem>>) semaphore(%arg15 : memref<!tpu.dma_semaphore, #tpu.memory_space<semaphore_mem>>)
    %dma_start3A_262 = arith.constant 2304 : i32
    %dma_start3A_263 = tpu.memref_slice %arg10[%dma_start3A_262] : memref<3344xf32, #tpu.memory_space<vmem>> -> memref<128xf32, #tpu.memory_space<vmem>>
    %dma_start3A_264 = arith.constant 2304 : i32
    %dma_start3A_265 = tpu.memref_slice %arg8[%dma_start3A_264] : memref<3328xi32, #tpu.memory_space<vmem>> -> memref<128xi32, #tpu.memory_space<vmem>>
    %dma_start3A_266 = arith.constant 0 : i32
    %dma_start3A_267 = tpu.memref_slice %arg3[%dma_start3A_266] : memref<100000xf32, #tpu.memory_space<hbm>> -> memref<100000xf32, #tpu.memory_space<hbm>>
    tpu.enqueue_indirect_dma source(%dma_start3A_267 : memref<100000xf32, #tpu.memory_space<hbm>>) target(%dma_start3A_263 : memref<128xf32, #tpu.memory_space<vmem>>) offsets(%dma_start3A_265 : memref<128xi32, #tpu.memory_space<vmem>>) semaphore(%arg15 : memref<!tpu.dma_semaphore, #tpu.memory_space<semaphore_mem>>)
    %dma_start3A_268 = arith.constant 2432 : i32
    %dma_start3A_269 = arith.constant 0 : i32
    %dma_start3A_270 = tpu.memref_slice %arg11[%dma_start3A_268, %dma_start3A_269] : memref<3328x32xf32, #tpu.memory_space<vmem>> -> memref<128x32xf32, #tpu.memory_space<vmem>>
    %dma_start3A_271 = arith.constant 2432 : i32
    %dma_start3A_272 = tpu.memref_slice %arg8[%dma_start3A_271] : memref<3328xi32, #tpu.memory_space<vmem>> -> memref<128xi32, #tpu.memory_space<vmem>>
    %dma_start3A_273 = arith.constant 0 : i32
    %dma_start3A_274 = arith.constant 0 : i32
    %dma_start3A_275 = tpu.memref_slice %arg2[%dma_start3A_273, %dma_start3A_274] : memref<100000x32xf32, #tpu.memory_space<hbm>> -> memref<100000x32xf32, #tpu.memory_space<hbm>>
    tpu.enqueue_indirect_dma source(%dma_start3A_275 : memref<100000x32xf32, #tpu.memory_space<hbm>>) target(%dma_start3A_270 : memref<128x32xf32, #tpu.memory_space<vmem>>) offsets(%dma_start3A_272 : memref<128xi32, #tpu.memory_space<vmem>>) semaphore(%arg15 : memref<!tpu.dma_semaphore, #tpu.memory_space<semaphore_mem>>)
    %dma_start3A_276 = arith.constant 2432 : i32
    %dma_start3A_277 = tpu.memref_slice %arg10[%dma_start3A_276] : memref<3344xf32, #tpu.memory_space<vmem>> -> memref<128xf32, #tpu.memory_space<vmem>>
    %dma_start3A_278 = arith.constant 2432 : i32
    %dma_start3A_279 = tpu.memref_slice %arg8[%dma_start3A_278] : memref<3328xi32, #tpu.memory_space<vmem>> -> memref<128xi32, #tpu.memory_space<vmem>>
    %dma_start3A_280 = arith.constant 0 : i32
    %dma_start3A_281 = tpu.memref_slice %arg3[%dma_start3A_280] : memref<100000xf32, #tpu.memory_space<hbm>> -> memref<100000xf32, #tpu.memory_space<hbm>>
    tpu.enqueue_indirect_dma source(%dma_start3A_281 : memref<100000xf32, #tpu.memory_space<hbm>>) target(%dma_start3A_277 : memref<128xf32, #tpu.memory_space<vmem>>) offsets(%dma_start3A_279 : memref<128xi32, #tpu.memory_space<vmem>>) semaphore(%arg15 : memref<!tpu.dma_semaphore, #tpu.memory_space<semaphore_mem>>)
    %dma_start3A_282 = arith.constant 2560 : i32
    %dma_start3A_283 = arith.constant 0 : i32
    %dma_start3A_284 = tpu.memref_slice %arg11[%dma_start3A_282, %dma_start3A_283] : memref<3328x32xf32, #tpu.memory_space<vmem>> -> memref<128x32xf32, #tpu.memory_space<vmem>>
    %dma_start3A_285 = arith.constant 2560 : i32
    %dma_start3A_286 = tpu.memref_slice %arg8[%dma_start3A_285] : memref<3328xi32, #tpu.memory_space<vmem>> -> memref<128xi32, #tpu.memory_space<vmem>>
    %dma_start3A_287 = arith.constant 0 : i32
    %dma_start3A_288 = arith.constant 0 : i32
    %dma_start3A_289 = tpu.memref_slice %arg2[%dma_start3A_287, %dma_start3A_288] : memref<100000x32xf32, #tpu.memory_space<hbm>> -> memref<100000x32xf32, #tpu.memory_space<hbm>>
    tpu.enqueue_indirect_dma source(%dma_start3A_289 : memref<100000x32xf32, #tpu.memory_space<hbm>>) target(%dma_start3A_284 : memref<128x32xf32, #tpu.memory_space<vmem>>) offsets(%dma_start3A_286 : memref<128xi32, #tpu.memory_space<vmem>>) semaphore(%arg15 : memref<!tpu.dma_semaphore, #tpu.memory_space<semaphore_mem>>)
    %dma_start3A_290 = arith.constant 2560 : i32
    %dma_start3A_291 = tpu.memref_slice %arg10[%dma_start3A_290] : memref<3344xf32, #tpu.memory_space<vmem>> -> memref<128xf32, #tpu.memory_space<vmem>>
    %dma_start3A_292 = arith.constant 2560 : i32
    %dma_start3A_293 = tpu.memref_slice %arg8[%dma_start3A_292] : memref<3328xi32, #tpu.memory_space<vmem>> -> memref<128xi32, #tpu.memory_space<vmem>>
    %dma_start3A_294 = arith.constant 0 : i32
    %dma_start3A_295 = tpu.memref_slice %arg3[%dma_start3A_294] : memref<100000xf32, #tpu.memory_space<hbm>> -> memref<100000xf32, #tpu.memory_space<hbm>>
    tpu.enqueue_indirect_dma source(%dma_start3A_295 : memref<100000xf32, #tpu.memory_space<hbm>>) target(%dma_start3A_291 : memref<128xf32, #tpu.memory_space<vmem>>) offsets(%dma_start3A_293 : memref<128xi32, #tpu.memory_space<vmem>>) semaphore(%arg15 : memref<!tpu.dma_semaphore, #tpu.memory_space<semaphore_mem>>)
    %dma_start3A_296 = arith.constant 2688 : i32
    %dma_start3A_297 = arith.constant 0 : i32
    %dma_start3A_298 = tpu.memref_slice %arg11[%dma_start3A_296, %dma_start3A_297] : memref<3328x32xf32, #tpu.memory_space<vmem>> -> memref<128x32xf32, #tpu.memory_space<vmem>>
    %dma_start3A_299 = arith.constant 2688 : i32
    %dma_start3A_300 = tpu.memref_slice %arg8[%dma_start3A_299] : memref<3328xi32, #tpu.memory_space<vmem>> -> memref<128xi32, #tpu.memory_space<vmem>>
    %dma_start3A_301 = arith.constant 0 : i32
    %dma_start3A_302 = arith.constant 0 : i32
    %dma_start3A_303 = tpu.memref_slice %arg2[%dma_start3A_301, %dma_start3A_302] : memref<100000x32xf32, #tpu.memory_space<hbm>> -> memref<100000x32xf32, #tpu.memory_space<hbm>>
    tpu.enqueue_indirect_dma source(%dma_start3A_303 : memref<100000x32xf32, #tpu.memory_space<hbm>>) target(%dma_start3A_298 : memref<128x32xf32, #tpu.memory_space<vmem>>) offsets(%dma_start3A_300 : memref<128xi32, #tpu.memory_space<vmem>>) semaphore(%arg15 : memref<!tpu.dma_semaphore, #tpu.memory_space<semaphore_mem>>)
    %dma_start3A_304 = arith.constant 2688 : i32
    %dma_start3A_305 = tpu.memref_slice %arg10[%dma_start3A_304] : memref<3344xf32, #tpu.memory_space<vmem>> -> memref<128xf32, #tpu.memory_space<vmem>>
    %dma_start3A_306 = arith.constant 2688 : i32
    %dma_start3A_307 = tpu.memref_slice %arg8[%dma_start3A_306] : memref<3328xi32, #tpu.memory_space<vmem>> -> memref<128xi32, #tpu.memory_space<vmem>>
    %dma_start3A_308 = arith.constant 0 : i32
    %dma_start3A_309 = tpu.memref_slice %arg3[%dma_start3A_308] : memref<100000xf32, #tpu.memory_space<hbm>> -> memref<100000xf32, #tpu.memory_space<hbm>>
    tpu.enqueue_indirect_dma source(%dma_start3A_309 : memref<100000xf32, #tpu.memory_space<hbm>>) target(%dma_start3A_305 : memref<128xf32, #tpu.memory_space<vmem>>) offsets(%dma_start3A_307 : memref<128xi32, #tpu.memory_space<vmem>>) semaphore(%arg15 : memref<!tpu.dma_semaphore, #tpu.memory_space<semaphore_mem>>)
    %dma_start3A_310 = arith.constant 2816 : i32
    %dma_start3A_311 = arith.constant 0 : i32
    %dma_start3A_312 = tpu.memref_slice %arg11[%dma_start3A_310, %dma_start3A_311] : memref<3328x32xf32, #tpu.memory_space<vmem>> -> memref<128x32xf32, #tpu.memory_space<vmem>>
    %dma_start3A_313 = arith.constant 2816 : i32
    %dma_start3A_314 = tpu.memref_slice %arg8[%dma_start3A_313] : memref<3328xi32, #tpu.memory_space<vmem>> -> memref<128xi32, #tpu.memory_space<vmem>>
    %dma_start3A_315 = arith.constant 0 : i32
    %dma_start3A_316 = arith.constant 0 : i32
    %dma_start3A_317 = tpu.memref_slice %arg2[%dma_start3A_315, %dma_start3A_316] : memref<100000x32xf32, #tpu.memory_space<hbm>> -> memref<100000x32xf32, #tpu.memory_space<hbm>>
    tpu.enqueue_indirect_dma source(%dma_start3A_317 : memref<100000x32xf32, #tpu.memory_space<hbm>>) target(%dma_start3A_312 : memref<128x32xf32, #tpu.memory_space<vmem>>) offsets(%dma_start3A_314 : memref<128xi32, #tpu.memory_space<vmem>>) semaphore(%arg15 : memref<!tpu.dma_semaphore, #tpu.memory_space<semaphore_mem>>)
    %dma_start3A_318 = arith.constant 2816 : i32
    %dma_start3A_319 = tpu.memref_slice %arg10[%dma_start3A_318] : memref<3344xf32, #tpu.memory_space<vmem>> -> memref<128xf32, #tpu.memory_space<vmem>>
    %dma_start3A_320 = arith.constant 2816 : i32
    %dma_start3A_321 = tpu.memref_slice %arg8[%dma_start3A_320] : memref<3328xi32, #tpu.memory_space<vmem>> -> memref<128xi32, #tpu.memory_space<vmem>>
    %dma_start3A_322 = arith.constant 0 : i32
    %dma_start3A_323 = tpu.memref_slice %arg3[%dma_start3A_322] : memref<100000xf32, #tpu.memory_space<hbm>> -> memref<100000xf32, #tpu.memory_space<hbm>>
    tpu.enqueue_indirect_dma source(%dma_start3A_323 : memref<100000xf32, #tpu.memory_space<hbm>>) target(%dma_start3A_319 : memref<128xf32, #tpu.memory_space<vmem>>) offsets(%dma_start3A_321 : memref<128xi32, #tpu.memory_space<vmem>>) semaphore(%arg15 : memref<!tpu.dma_semaphore, #tpu.memory_space<semaphore_mem>>)
    %dma_start3A_324 = arith.constant 2944 : i32
    %dma_start3A_325 = arith.constant 0 : i32
    %dma_start3A_326 = tpu.memref_slice %arg11[%dma_start3A_324, %dma_start3A_325] : memref<3328x32xf32, #tpu.memory_space<vmem>> -> memref<128x32xf32, #tpu.memory_space<vmem>>
    %dma_start3A_327 = arith.constant 2944 : i32
    %dma_start3A_328 = tpu.memref_slice %arg8[%dma_start3A_327] : memref<3328xi32, #tpu.memory_space<vmem>> -> memref<128xi32, #tpu.memory_space<vmem>>
    %dma_start3A_329 = arith.constant 0 : i32
    %dma_start3A_330 = arith.constant 0 : i32
    %dma_start3A_331 = tpu.memref_slice %arg2[%dma_start3A_329, %dma_start3A_330] : memref<100000x32xf32, #tpu.memory_space<hbm>> -> memref<100000x32xf32, #tpu.memory_space<hbm>>
    tpu.enqueue_indirect_dma source(%dma_start3A_331 : memref<100000x32xf32, #tpu.memory_space<hbm>>) target(%dma_start3A_326 : memref<128x32xf32, #tpu.memory_space<vmem>>) offsets(%dma_start3A_328 : memref<128xi32, #tpu.memory_space<vmem>>) semaphore(%arg15 : memref<!tpu.dma_semaphore, #tpu.memory_space<semaphore_mem>>)
    %dma_start3A_332 = arith.constant 2944 : i32
    %dma_start3A_333 = tpu.memref_slice %arg10[%dma_start3A_332] : memref<3344xf32, #tpu.memory_space<vmem>> -> memref<128xf32, #tpu.memory_space<vmem>>
    %dma_start3A_334 = arith.constant 2944 : i32
    %dma_start3A_335 = tpu.memref_slice %arg8[%dma_start3A_334] : memref<3328xi32, #tpu.memory_space<vmem>> -> memref<128xi32, #tpu.memory_space<vmem>>
    %dma_start3A_336 = arith.constant 0 : i32
    %dma_start3A_337 = tpu.memref_slice %arg3[%dma_start3A_336] : memref<100000xf32, #tpu.memory_space<hbm>> -> memref<100000xf32, #tpu.memory_space<hbm>>
    tpu.enqueue_indirect_dma source(%dma_start3A_337 : memref<100000xf32, #tpu.memory_space<hbm>>) target(%dma_start3A_333 : memref<128xf32, #tpu.memory_space<vmem>>) offsets(%dma_start3A_335 : memref<128xi32, #tpu.memory_space<vmem>>) semaphore(%arg15 : memref<!tpu.dma_semaphore, #tpu.memory_space<semaphore_mem>>)
    %dma_start3A_338 = arith.constant 3072 : i32
    %dma_start3A_339 = arith.constant 0 : i32
    %dma_start3A_340 = tpu.memref_slice %arg11[%dma_start3A_338, %dma_start3A_339] : memref<3328x32xf32, #tpu.memory_space<vmem>> -> memref<128x32xf32, #tpu.memory_space<vmem>>
    %dma_start3A_341 = arith.constant 3072 : i32
    %dma_start3A_342 = tpu.memref_slice %arg8[%dma_start3A_341] : memref<3328xi32, #tpu.memory_space<vmem>> -> memref<128xi32, #tpu.memory_space<vmem>>
    %dma_start3A_343 = arith.constant 0 : i32
    %dma_start3A_344 = arith.constant 0 : i32
    %dma_start3A_345 = tpu.memref_slice %arg2[%dma_start3A_343, %dma_start3A_344] : memref<100000x32xf32, #tpu.memory_space<hbm>> -> memref<100000x32xf32, #tpu.memory_space<hbm>>
    tpu.enqueue_indirect_dma source(%dma_start3A_345 : memref<100000x32xf32, #tpu.memory_space<hbm>>) target(%dma_start3A_340 : memref<128x32xf32, #tpu.memory_space<vmem>>) offsets(%dma_start3A_342 : memref<128xi32, #tpu.memory_space<vmem>>) semaphore(%arg15 : memref<!tpu.dma_semaphore, #tpu.memory_space<semaphore_mem>>)
    %dma_start3A_346 = arith.constant 3072 : i32
    %dma_start3A_347 = tpu.memref_slice %arg10[%dma_start3A_346] : memref<3344xf32, #tpu.memory_space<vmem>> -> memref<128xf32, #tpu.memory_space<vmem>>
    %dma_start3A_348 = arith.constant 3072 : i32
    %dma_start3A_349 = tpu.memref_slice %arg8[%dma_start3A_348] : memref<3328xi32, #tpu.memory_space<vmem>> -> memref<128xi32, #tpu.memory_space<vmem>>
    %dma_start3A_350 = arith.constant 0 : i32
    %dma_start3A_351 = tpu.memref_slice %arg3[%dma_start3A_350] : memref<100000xf32, #tpu.memory_space<hbm>> -> memref<100000xf32, #tpu.memory_space<hbm>>
    tpu.enqueue_indirect_dma source(%dma_start3A_351 : memref<100000xf32, #tpu.memory_space<hbm>>) target(%dma_start3A_347 : memref<128xf32, #tpu.memory_space<vmem>>) offsets(%dma_start3A_349 : memref<128xi32, #tpu.memory_space<vmem>>) semaphore(%arg15 : memref<!tpu.dma_semaphore, #tpu.memory_space<semaphore_mem>>)
    %dma_start3A_352 = arith.constant 3200 : i32
    %dma_start3A_353 = arith.constant 0 : i32
    %dma_start3A_354 = tpu.memref_slice %arg11[%dma_start3A_352, %dma_start3A_353] : memref<3328x32xf32, #tpu.memory_space<vmem>> -> memref<128x32xf32, #tpu.memory_space<vmem>>
    %dma_start3A_355 = arith.constant 3200 : i32
    %dma_start3A_356 = tpu.memref_slice %arg8[%dma_start3A_355] : memref<3328xi32, #tpu.memory_space<vmem>> -> memref<128xi32, #tpu.memory_space<vmem>>
    %dma_start3A_357 = arith.constant 0 : i32
    %dma_start3A_358 = arith.constant 0 : i32
    %dma_start3A_359 = tpu.memref_slice %arg2[%dma_start3A_357, %dma_start3A_358] : memref<100000x32xf32, #tpu.memory_space<hbm>> -> memref<100000x32xf32, #tpu.memory_space<hbm>>
    tpu.enqueue_indirect_dma source(%dma_start3A_359 : memref<100000x32xf32, #tpu.memory_space<hbm>>) target(%dma_start3A_354 : memref<128x32xf32, #tpu.memory_space<vmem>>) offsets(%dma_start3A_356 : memref<128xi32, #tpu.memory_space<vmem>>) semaphore(%arg15 : memref<!tpu.dma_semaphore, #tpu.memory_space<semaphore_mem>>)
    %dma_start3A_360 = arith.constant 3200 : i32
    %dma_start3A_361 = tpu.memref_slice %arg10[%dma_start3A_360] : memref<3344xf32, #tpu.memory_space<vmem>> -> memref<128xf32, #tpu.memory_space<vmem>>
    %dma_start3A_362 = arith.constant 3200 : i32
    %dma_start3A_363 = tpu.memref_slice %arg8[%dma_start3A_362] : memref<3328xi32, #tpu.memory_space<vmem>> -> memref<128xi32, #tpu.memory_space<vmem>>
    %dma_start3A_364 = arith.constant 0 : i32
    %dma_start3A_365 = tpu.memref_slice %arg3[%dma_start3A_364] : memref<100000xf32, #tpu.memory_space<hbm>> -> memref<100000xf32, #tpu.memory_space<hbm>>
    tpu.enqueue_indirect_dma source(%dma_start3A_365 : memref<100000xf32, #tpu.memory_space<hbm>>) target(%dma_start3A_361 : memref<128xf32, #tpu.memory_space<vmem>>) offsets(%dma_start3A_363 : memref<128xi32, #tpu.memory_space<vmem>>) semaphore(%arg15 : memref<!tpu.dma_semaphore, #tpu.memory_space<semaphore_mem>>)
    %dma_wait3A = arith.constant 0 : i32
    %dma_wait3A_366 = arith.constant 0 : i32
    %dma_wait3A_367 = tpu.memref_slice %arg11[%dma_wait3A, %dma_wait3A_366] : memref<3328x32xf32, #tpu.memory_space<vmem>> -> memref<128x32xf32, #tpu.memory_space<vmem>>
    %dma_wait3A_368 = arith.constant 0 : i32
    %dma_wait3A_369 = tpu.memref_slice %arg8[%dma_wait3A_368] : memref<3328xi32, #tpu.memory_space<vmem>> -> memref<128xi32, #tpu.memory_space<vmem>>
    %dma_wait3A_370 = arith.constant 0 : i32
    %dma_wait3A_371 = arith.constant 0 : i32
    %dma_wait3A_372 = tpu.memref_slice %arg2[%dma_wait3A_370, %dma_wait3A_371] : memref<100000x32xf32, #tpu.memory_space<hbm>> -> memref<100000x32xf32, #tpu.memory_space<hbm>>
    tpu.wait_indirect_dma semaphore(%arg15 : memref<!tpu.dma_semaphore, #tpu.memory_space<semaphore_mem>>) src(%dma_wait3A_372 : memref<100000x32xf32, #tpu.memory_space<hbm>>) dst(%dma_wait3A_367 : memref<128x32xf32, #tpu.memory_space<vmem>>)
    %dma_wait3A_373 = arith.constant 0 : i32
    %dma_wait3A_374 = tpu.memref_slice %arg10[%dma_wait3A_373] : memref<3344xf32, #tpu.memory_space<vmem>> -> memref<128xf32, #tpu.memory_space<vmem>>
    %dma_wait3A_375 = arith.constant 0 : i32
    %dma_wait3A_376 = tpu.memref_slice %arg8[%dma_wait3A_375] : memref<3328xi32, #tpu.memory_space<vmem>> -> memref<128xi32, #tpu.memory_space<vmem>>
    %dma_wait3A_377 = arith.constant 0 : i32
    %dma_wait3A_378 = tpu.memref_slice %arg3[%dma_wait3A_377] : memref<100000xf32, #tpu.memory_space<hbm>> -> memref<100000xf32, #tpu.memory_space<hbm>>
    tpu.wait_indirect_dma semaphore(%arg15 : memref<!tpu.dma_semaphore, #tpu.memory_space<semaphore_mem>>) src(%dma_wait3A_378 : memref<100000xf32, #tpu.memory_space<hbm>>) dst(%dma_wait3A_374 : memref<128xf32, #tpu.memory_space<vmem>>)
    %dma_wait3A_379 = arith.constant 128 : i32
    %dma_wait3A_380 = arith.constant 0 : i32
    %dma_wait3A_381 = tpu.memref_slice %arg11[%dma_wait3A_379, %dma_wait3A_380] : memref<3328x32xf32, #tpu.memory_space<vmem>> -> memref<128x32xf32, #tpu.memory_space<vmem>>
    %dma_wait3A_382 = arith.constant 128 : i32
    %dma_wait3A_383 = tpu.memref_slice %arg8[%dma_wait3A_382] : memref<3328xi32, #tpu.memory_space<vmem>> -> memref<128xi32, #tpu.memory_space<vmem>>
    %dma_wait3A_384 = arith.constant 0 : i32
    %dma_wait3A_385 = arith.constant 0 : i32
    %dma_wait3A_386 = tpu.memref_slice %arg2[%dma_wait3A_384, %dma_wait3A_385] : memref<100000x32xf32, #tpu.memory_space<hbm>> -> memref<100000x32xf32, #tpu.memory_space<hbm>>
    tpu.wait_indirect_dma semaphore(%arg15 : memref<!tpu.dma_semaphore, #tpu.memory_space<semaphore_mem>>) src(%dma_wait3A_386 : memref<100000x32xf32, #tpu.memory_space<hbm>>) dst(%dma_wait3A_381 : memref<128x32xf32, #tpu.memory_space<vmem>>)
    %dma_wait3A_387 = arith.constant 128 : i32
    %dma_wait3A_388 = tpu.memref_slice %arg10[%dma_wait3A_387] : memref<3344xf32, #tpu.memory_space<vmem>> -> memref<128xf32, #tpu.memory_space<vmem>>
    %dma_wait3A_389 = arith.constant 128 : i32
    %dma_wait3A_390 = tpu.memref_slice %arg8[%dma_wait3A_389] : memref<3328xi32, #tpu.memory_space<vmem>> -> memref<128xi32, #tpu.memory_space<vmem>>
    %dma_wait3A_391 = arith.constant 0 : i32
    %dma_wait3A_392 = tpu.memref_slice %arg3[%dma_wait3A_391] : memref<100000xf32, #tpu.memory_space<hbm>> -> memref<100000xf32, #tpu.memory_space<hbm>>
    tpu.wait_indirect_dma semaphore(%arg15 : memref<!tpu.dma_semaphore, #tpu.memory_space<semaphore_mem>>) src(%dma_wait3A_392 : memref<100000xf32, #tpu.memory_space<hbm>>) dst(%dma_wait3A_388 : memref<128xf32, #tpu.memory_space<vmem>>)
    %dma_wait3A_393 = arith.constant 256 : i32
    %dma_wait3A_394 = arith.constant 0 : i32
    %dma_wait3A_395 = tpu.memref_slice %arg11[%dma_wait3A_393, %dma_wait3A_394] : memref<3328x32xf32, #tpu.memory_space<vmem>> -> memref<128x32xf32, #tpu.memory_space<vmem>>
    %dma_wait3A_396 = arith.constant 256 : i32
    %dma_wait3A_397 = tpu.memref_slice %arg8[%dma_wait3A_396] : memref<3328xi32, #tpu.memory_space<vmem>> -> memref<128xi32, #tpu.memory_space<vmem>>
    %dma_wait3A_398 = arith.constant 0 : i32
    %dma_wait3A_399 = arith.constant 0 : i32
    %dma_wait3A_400 = tpu.memref_slice %arg2[%dma_wait3A_398, %dma_wait3A_399] : memref<100000x32xf32, #tpu.memory_space<hbm>> -> memref<100000x32xf32, #tpu.memory_space<hbm>>
    tpu.wait_indirect_dma semaphore(%arg15 : memref<!tpu.dma_semaphore, #tpu.memory_space<semaphore_mem>>) src(%dma_wait3A_400 : memref<100000x32xf32, #tpu.memory_space<hbm>>) dst(%dma_wait3A_395 : memref<128x32xf32, #tpu.memory_space<vmem>>)
    %dma_wait3A_401 = arith.constant 256 : i32
    %dma_wait3A_402 = tpu.memref_slice %arg10[%dma_wait3A_401] : memref<3344xf32, #tpu.memory_space<vmem>> -> memref<128xf32, #tpu.memory_space<vmem>>
    %dma_wait3A_403 = arith.constant 256 : i32
    %dma_wait3A_404 = tpu.memref_slice %arg8[%dma_wait3A_403] : memref<3328xi32, #tpu.memory_space<vmem>> -> memref<128xi32, #tpu.memory_space<vmem>>
    %dma_wait3A_405 = arith.constant 0 : i32
    %dma_wait3A_406 = tpu.memref_slice %arg3[%dma_wait3A_405] : memref<100000xf32, #tpu.memory_space<hbm>> -> memref<100000xf32, #tpu.memory_space<hbm>>
    tpu.wait_indirect_dma semaphore(%arg15 : memref<!tpu.dma_semaphore, #tpu.memory_space<semaphore_mem>>) src(%dma_wait3A_406 : memref<100000xf32, #tpu.memory_space<hbm>>) dst(%dma_wait3A_402 : memref<128xf32, #tpu.memory_space<vmem>>)
    %dma_wait3A_407 = arith.constant 384 : i32
    %dma_wait3A_408 = arith.constant 0 : i32
    %dma_wait3A_409 = tpu.memref_slice %arg11[%dma_wait3A_407, %dma_wait3A_408] : memref<3328x32xf32, #tpu.memory_space<vmem>> -> memref<128x32xf32, #tpu.memory_space<vmem>>
    %dma_wait3A_410 = arith.constant 384 : i32
    %dma_wait3A_411 = tpu.memref_slice %arg8[%dma_wait3A_410] : memref<3328xi32, #tpu.memory_space<vmem>> -> memref<128xi32, #tpu.memory_space<vmem>>
    %dma_wait3A_412 = arith.constant 0 : i32
    %dma_wait3A_413 = arith.constant 0 : i32
    %dma_wait3A_414 = tpu.memref_slice %arg2[%dma_wait3A_412, %dma_wait3A_413] : memref<100000x32xf32, #tpu.memory_space<hbm>> -> memref<100000x32xf32, #tpu.memory_space<hbm>>
    tpu.wait_indirect_dma semaphore(%arg15 : memref<!tpu.dma_semaphore, #tpu.memory_space<semaphore_mem>>) src(%dma_wait3A_414 : memref<100000x32xf32, #tpu.memory_space<hbm>>) dst(%dma_wait3A_409 : memref<128x32xf32, #tpu.memory_space<vmem>>)
    %dma_wait3A_415 = arith.constant 384 : i32
    %dma_wait3A_416 = tpu.memref_slice %arg10[%dma_wait3A_415] : memref<3344xf32, #tpu.memory_space<vmem>> -> memref<128xf32, #tpu.memory_space<vmem>>
    %dma_wait3A_417 = arith.constant 384 : i32
    %dma_wait3A_418 = tpu.memref_slice %arg8[%dma_wait3A_417] : memref<3328xi32, #tpu.memory_space<vmem>> -> memref<128xi32, #tpu.memory_space<vmem>>
    %dma_wait3A_419 = arith.constant 0 : i32
    %dma_wait3A_420 = tpu.memref_slice %arg3[%dma_wait3A_419] : memref<100000xf32, #tpu.memory_space<hbm>> -> memref<100000xf32, #tpu.memory_space<hbm>>
    tpu.wait_indirect_dma semaphore(%arg15 : memref<!tpu.dma_semaphore, #tpu.memory_space<semaphore_mem>>) src(%dma_wait3A_420 : memref<100000xf32, #tpu.memory_space<hbm>>) dst(%dma_wait3A_416 : memref<128xf32, #tpu.memory_space<vmem>>)
    %dma_wait3A_421 = arith.constant 512 : i32
    %dma_wait3A_422 = arith.constant 0 : i32
    %dma_wait3A_423 = tpu.memref_slice %arg11[%dma_wait3A_421, %dma_wait3A_422] : memref<3328x32xf32, #tpu.memory_space<vmem>> -> memref<128x32xf32, #tpu.memory_space<vmem>>
    %dma_wait3A_424 = arith.constant 512 : i32
    %dma_wait3A_425 = tpu.memref_slice %arg8[%dma_wait3A_424] : memref<3328xi32, #tpu.memory_space<vmem>> -> memref<128xi32, #tpu.memory_space<vmem>>
    %dma_wait3A_426 = arith.constant 0 : i32
    %dma_wait3A_427 = arith.constant 0 : i32
    %dma_wait3A_428 = tpu.memref_slice %arg2[%dma_wait3A_426, %dma_wait3A_427] : memref<100000x32xf32, #tpu.memory_space<hbm>> -> memref<100000x32xf32, #tpu.memory_space<hbm>>
    tpu.wait_indirect_dma semaphore(%arg15 : memref<!tpu.dma_semaphore, #tpu.memory_space<semaphore_mem>>) src(%dma_wait3A_428 : memref<100000x32xf32, #tpu.memory_space<hbm>>) dst(%dma_wait3A_423 : memref<128x32xf32, #tpu.memory_space<vmem>>)
    %dma_wait3A_429 = arith.constant 512 : i32
    %dma_wait3A_430 = tpu.memref_slice %arg10[%dma_wait3A_429] : memref<3344xf32, #tpu.memory_space<vmem>> -> memref<128xf32, #tpu.memory_space<vmem>>
    %dma_wait3A_431 = arith.constant 512 : i32
    %dma_wait3A_432 = tpu.memref_slice %arg8[%dma_wait3A_431] : memref<3328xi32, #tpu.memory_space<vmem>> -> memref<128xi32, #tpu.memory_space<vmem>>
    %dma_wait3A_433 = arith.constant 0 : i32
    %dma_wait3A_434 = tpu.memref_slice %arg3[%dma_wait3A_433] : memref<100000xf32, #tpu.memory_space<hbm>> -> memref<100000xf32, #tpu.memory_space<hbm>>
    tpu.wait_indirect_dma semaphore(%arg15 : memref<!tpu.dma_semaphore, #tpu.memory_space<semaphore_mem>>) src(%dma_wait3A_434 : memref<100000xf32, #tpu.memory_space<hbm>>) dst(%dma_wait3A_430 : memref<128xf32, #tpu.memory_space<vmem>>)
    %dma_wait3A_435 = arith.constant 640 : i32
    %dma_wait3A_436 = arith.constant 0 : i32
    %dma_wait3A_437 = tpu.memref_slice %arg11[%dma_wait3A_435, %dma_wait3A_436] : memref<3328x32xf32, #tpu.memory_space<vmem>> -> memref<128x32xf32, #tpu.memory_space<vmem>>
    %dma_wait3A_438 = arith.constant 640 : i32
    %dma_wait3A_439 = tpu.memref_slice %arg8[%dma_wait3A_438] : memref<3328xi32, #tpu.memory_space<vmem>> -> memref<128xi32, #tpu.memory_space<vmem>>
    %dma_wait3A_440 = arith.constant 0 : i32
    %dma_wait3A_441 = arith.constant 0 : i32
    %dma_wait3A_442 = tpu.memref_slice %arg2[%dma_wait3A_440, %dma_wait3A_441] : memref<100000x32xf32, #tpu.memory_space<hbm>> -> memref<100000x32xf32, #tpu.memory_space<hbm>>
    tpu.wait_indirect_dma semaphore(%arg15 : memref<!tpu.dma_semaphore, #tpu.memory_space<semaphore_mem>>) src(%dma_wait3A_442 : memref<100000x32xf32, #tpu.memory_space<hbm>>) dst(%dma_wait3A_437 : memref<128x32xf32, #tpu.memory_space<vmem>>)
    %dma_wait3A_443 = arith.constant 640 : i32
    %dma_wait3A_444 = tpu.memref_slice %arg10[%dma_wait3A_443] : memref<3344xf32, #tpu.memory_space<vmem>> -> memref<128xf32, #tpu.memory_space<vmem>>
    %dma_wait3A_445 = arith.constant 640 : i32
    %dma_wait3A_446 = tpu.memref_slice %arg8[%dma_wait3A_445] : memref<3328xi32, #tpu.memory_space<vmem>> -> memref<128xi32, #tpu.memory_space<vmem>>
    %dma_wait3A_447 = arith.constant 0 : i32
    %dma_wait3A_448 = tpu.memref_slice %arg3[%dma_wait3A_447] : memref<100000xf32, #tpu.memory_space<hbm>> -> memref<100000xf32, #tpu.memory_space<hbm>>
    tpu.wait_indirect_dma semaphore(%arg15 : memref<!tpu.dma_semaphore, #tpu.memory_space<semaphore_mem>>) src(%dma_wait3A_448 : memref<100000xf32, #tpu.memory_space<hbm>>) dst(%dma_wait3A_444 : memref<128xf32, #tpu.memory_space<vmem>>)
    %dma_wait3A_449 = arith.constant 768 : i32
    %dma_wait3A_450 = arith.constant 0 : i32
    %dma_wait3A_451 = tpu.memref_slice %arg11[%dma_wait3A_449, %dma_wait3A_450] : memref<3328x32xf32, #tpu.memory_space<vmem>> -> memref<128x32xf32, #tpu.memory_space<vmem>>
    %dma_wait3A_452 = arith.constant 768 : i32
    %dma_wait3A_453 = tpu.memref_slice %arg8[%dma_wait3A_452] : memref<3328xi32, #tpu.memory_space<vmem>> -> memref<128xi32, #tpu.memory_space<vmem>>
    %dma_wait3A_454 = arith.constant 0 : i32
    %dma_wait3A_455 = arith.constant 0 : i32
    %dma_wait3A_456 = tpu.memref_slice %arg2[%dma_wait3A_454, %dma_wait3A_455] : memref<100000x32xf32, #tpu.memory_space<hbm>> -> memref<100000x32xf32, #tpu.memory_space<hbm>>
    tpu.wait_indirect_dma semaphore(%arg15 : memref<!tpu.dma_semaphore, #tpu.memory_space<semaphore_mem>>) src(%dma_wait3A_456 : memref<100000x32xf32, #tpu.memory_space<hbm>>) dst(%dma_wait3A_451 : memref<128x32xf32, #tpu.memory_space<vmem>>)
    %dma_wait3A_457 = arith.constant 768 : i32
    %dma_wait3A_458 = tpu.memref_slice %arg10[%dma_wait3A_457] : memref<3344xf32, #tpu.memory_space<vmem>> -> memref<128xf32, #tpu.memory_space<vmem>>
    %dma_wait3A_459 = arith.constant 768 : i32
    %dma_wait3A_460 = tpu.memref_slice %arg8[%dma_wait3A_459] : memref<3328xi32, #tpu.memory_space<vmem>> -> memref<128xi32, #tpu.memory_space<vmem>>
    %dma_wait3A_461 = arith.constant 0 : i32
    %dma_wait3A_462 = tpu.memref_slice %arg3[%dma_wait3A_461] : memref<100000xf32, #tpu.memory_space<hbm>> -> memref<100000xf32, #tpu.memory_space<hbm>>
    tpu.wait_indirect_dma semaphore(%arg15 : memref<!tpu.dma_semaphore, #tpu.memory_space<semaphore_mem>>) src(%dma_wait3A_462 : memref<100000xf32, #tpu.memory_space<hbm>>) dst(%dma_wait3A_458 : memref<128xf32, #tpu.memory_space<vmem>>)
    %dma_wait3A_463 = arith.constant 896 : i32
    %dma_wait3A_464 = arith.constant 0 : i32
    %dma_wait3A_465 = tpu.memref_slice %arg11[%dma_wait3A_463, %dma_wait3A_464] : memref<3328x32xf32, #tpu.memory_space<vmem>> -> memref<128x32xf32, #tpu.memory_space<vmem>>
    %dma_wait3A_466 = arith.constant 896 : i32
    %dma_wait3A_467 = tpu.memref_slice %arg8[%dma_wait3A_466] : memref<3328xi32, #tpu.memory_space<vmem>> -> memref<128xi32, #tpu.memory_space<vmem>>
    %dma_wait3A_468 = arith.constant 0 : i32
    %dma_wait3A_469 = arith.constant 0 : i32
    %dma_wait3A_470 = tpu.memref_slice %arg2[%dma_wait3A_468, %dma_wait3A_469] : memref<100000x32xf32, #tpu.memory_space<hbm>> -> memref<100000x32xf32, #tpu.memory_space<hbm>>
    tpu.wait_indirect_dma semaphore(%arg15 : memref<!tpu.dma_semaphore, #tpu.memory_space<semaphore_mem>>) src(%dma_wait3A_470 : memref<100000x32xf32, #tpu.memory_space<hbm>>) dst(%dma_wait3A_465 : memref<128x32xf32, #tpu.memory_space<vmem>>)
    %dma_wait3A_471 = arith.constant 896 : i32
    %dma_wait3A_472 = tpu.memref_slice %arg10[%dma_wait3A_471] : memref<3344xf32, #tpu.memory_space<vmem>> -> memref<128xf32, #tpu.memory_space<vmem>>
    %dma_wait3A_473 = arith.constant 896 : i32
    %dma_wait3A_474 = tpu.memref_slice %arg8[%dma_wait3A_473] : memref<3328xi32, #tpu.memory_space<vmem>> -> memref<128xi32, #tpu.memory_space<vmem>>
    %dma_wait3A_475 = arith.constant 0 : i32
    %dma_wait3A_476 = tpu.memref_slice %arg3[%dma_wait3A_475] : memref<100000xf32, #tpu.memory_space<hbm>> -> memref<100000xf32, #tpu.memory_space<hbm>>
    tpu.wait_indirect_dma semaphore(%arg15 : memref<!tpu.dma_semaphore, #tpu.memory_space<semaphore_mem>>) src(%dma_wait3A_476 : memref<100000xf32, #tpu.memory_space<hbm>>) dst(%dma_wait3A_472 : memref<128xf32, #tpu.memory_space<vmem>>)
    %dma_wait3A_477 = arith.constant 1024 : i32
    %dma_wait3A_478 = arith.constant 0 : i32
    %dma_wait3A_479 = tpu.memref_slice %arg11[%dma_wait3A_477, %dma_wait3A_478] : memref<3328x32xf32, #tpu.memory_space<vmem>> -> memref<128x32xf32, #tpu.memory_space<vmem>>
    %dma_wait3A_480 = arith.constant 1024 : i32
    %dma_wait3A_481 = tpu.memref_slice %arg8[%dma_wait3A_480] : memref<3328xi32, #tpu.memory_space<vmem>> -> memref<128xi32, #tpu.memory_space<vmem>>
    %dma_wait3A_482 = arith.constant 0 : i32
    %dma_wait3A_483 = arith.constant 0 : i32
    %dma_wait3A_484 = tpu.memref_slice %arg2[%dma_wait3A_482, %dma_wait3A_483] : memref<100000x32xf32, #tpu.memory_space<hbm>> -> memref<100000x32xf32, #tpu.memory_space<hbm>>
    tpu.wait_indirect_dma semaphore(%arg15 : memref<!tpu.dma_semaphore, #tpu.memory_space<semaphore_mem>>) src(%dma_wait3A_484 : memref<100000x32xf32, #tpu.memory_space<hbm>>) dst(%dma_wait3A_479 : memref<128x32xf32, #tpu.memory_space<vmem>>)
    %dma_wait3A_485 = arith.constant 1024 : i32
    %dma_wait3A_486 = tpu.memref_slice %arg10[%dma_wait3A_485] : memref<3344xf32, #tpu.memory_space<vmem>> -> memref<128xf32, #tpu.memory_space<vmem>>
    %dma_wait3A_487 = arith.constant 1024 : i32
    %dma_wait3A_488 = tpu.memref_slice %arg8[%dma_wait3A_487] : memref<3328xi32, #tpu.memory_space<vmem>> -> memref<128xi32, #tpu.memory_space<vmem>>
    %dma_wait3A_489 = arith.constant 0 : i32
    %dma_wait3A_490 = tpu.memref_slice %arg3[%dma_wait3A_489] : memref<100000xf32, #tpu.memory_space<hbm>> -> memref<100000xf32, #tpu.memory_space<hbm>>
    tpu.wait_indirect_dma semaphore(%arg15 : memref<!tpu.dma_semaphore, #tpu.memory_space<semaphore_mem>>) src(%dma_wait3A_490 : memref<100000xf32, #tpu.memory_space<hbm>>) dst(%dma_wait3A_486 : memref<128xf32, #tpu.memory_space<vmem>>)
    %dma_wait3A_491 = arith.constant 1152 : i32
    %dma_wait3A_492 = arith.constant 0 : i32
    %dma_wait3A_493 = tpu.memref_slice %arg11[%dma_wait3A_491, %dma_wait3A_492] : memref<3328x32xf32, #tpu.memory_space<vmem>> -> memref<128x32xf32, #tpu.memory_space<vmem>>
    %dma_wait3A_494 = arith.constant 1152 : i32
    %dma_wait3A_495 = tpu.memref_slice %arg8[%dma_wait3A_494] : memref<3328xi32, #tpu.memory_space<vmem>> -> memref<128xi32, #tpu.memory_space<vmem>>
    %dma_wait3A_496 = arith.constant 0 : i32
    %dma_wait3A_497 = arith.constant 0 : i32
    %dma_wait3A_498 = tpu.memref_slice %arg2[%dma_wait3A_496, %dma_wait3A_497] : memref<100000x32xf32, #tpu.memory_space<hbm>> -> memref<100000x32xf32, #tpu.memory_space<hbm>>
    tpu.wait_indirect_dma semaphore(%arg15 : memref<!tpu.dma_semaphore, #tpu.memory_space<semaphore_mem>>) src(%dma_wait3A_498 : memref<100000x32xf32, #tpu.memory_space<hbm>>) dst(%dma_wait3A_493 : memref<128x32xf32, #tpu.memory_space<vmem>>)
    %dma_wait3A_499 = arith.constant 1152 : i32
    %dma_wait3A_500 = tpu.memref_slice %arg10[%dma_wait3A_499] : memref<3344xf32, #tpu.memory_space<vmem>> -> memref<128xf32, #tpu.memory_space<vmem>>
    %dma_wait3A_501 = arith.constant 1152 : i32
    %dma_wait3A_502 = tpu.memref_slice %arg8[%dma_wait3A_501] : memref<3328xi32, #tpu.memory_space<vmem>> -> memref<128xi32, #tpu.memory_space<vmem>>
    %dma_wait3A_503 = arith.constant 0 : i32
    %dma_wait3A_504 = tpu.memref_slice %arg3[%dma_wait3A_503] : memref<100000xf32, #tpu.memory_space<hbm>> -> memref<100000xf32, #tpu.memory_space<hbm>>
    tpu.wait_indirect_dma semaphore(%arg15 : memref<!tpu.dma_semaphore, #tpu.memory_space<semaphore_mem>>) src(%dma_wait3A_504 : memref<100000xf32, #tpu.memory_space<hbm>>) dst(%dma_wait3A_500 : memref<128xf32, #tpu.memory_space<vmem>>)
    %dma_wait3A_505 = arith.constant 1280 : i32
    %dma_wait3A_506 = arith.constant 0 : i32
    %dma_wait3A_507 = tpu.memref_slice %arg11[%dma_wait3A_505, %dma_wait3A_506] : memref<3328x32xf32, #tpu.memory_space<vmem>> -> memref<128x32xf32, #tpu.memory_space<vmem>>
    %dma_wait3A_508 = arith.constant 1280 : i32
    %dma_wait3A_509 = tpu.memref_slice %arg8[%dma_wait3A_508] : memref<3328xi32, #tpu.memory_space<vmem>> -> memref<128xi32, #tpu.memory_space<vmem>>
    %dma_wait3A_510 = arith.constant 0 : i32
    %dma_wait3A_511 = arith.constant 0 : i32
    %dma_wait3A_512 = tpu.memref_slice %arg2[%dma_wait3A_510, %dma_wait3A_511] : memref<100000x32xf32, #tpu.memory_space<hbm>> -> memref<100000x32xf32, #tpu.memory_space<hbm>>
    tpu.wait_indirect_dma semaphore(%arg15 : memref<!tpu.dma_semaphore, #tpu.memory_space<semaphore_mem>>) src(%dma_wait3A_512 : memref<100000x32xf32, #tpu.memory_space<hbm>>) dst(%dma_wait3A_507 : memref<128x32xf32, #tpu.memory_space<vmem>>)
    %dma_wait3A_513 = arith.constant 1280 : i32
    %dma_wait3A_514 = tpu.memref_slice %arg10[%dma_wait3A_513] : memref<3344xf32, #tpu.memory_space<vmem>> -> memref<128xf32, #tpu.memory_space<vmem>>
    %dma_wait3A_515 = arith.constant 1280 : i32
    %dma_wait3A_516 = tpu.memref_slice %arg8[%dma_wait3A_515] : memref<3328xi32, #tpu.memory_space<vmem>> -> memref<128xi32, #tpu.memory_space<vmem>>
    %dma_wait3A_517 = arith.constant 0 : i32
    %dma_wait3A_518 = tpu.memref_slice %arg3[%dma_wait3A_517] : memref<100000xf32, #tpu.memory_space<hbm>> -> memref<100000xf32, #tpu.memory_space<hbm>>
    tpu.wait_indirect_dma semaphore(%arg15 : memref<!tpu.dma_semaphore, #tpu.memory_space<semaphore_mem>>) src(%dma_wait3A_518 : memref<100000xf32, #tpu.memory_space<hbm>>) dst(%dma_wait3A_514 : memref<128xf32, #tpu.memory_space<vmem>>)
    %dma_wait3A_519 = arith.constant 1408 : i32
    %dma_wait3A_520 = arith.constant 0 : i32
    %dma_wait3A_521 = tpu.memref_slice %arg11[%dma_wait3A_519, %dma_wait3A_520] : memref<3328x32xf32, #tpu.memory_space<vmem>> -> memref<128x32xf32, #tpu.memory_space<vmem>>
    %dma_wait3A_522 = arith.constant 1408 : i32
    %dma_wait3A_523 = tpu.memref_slice %arg8[%dma_wait3A_522] : memref<3328xi32, #tpu.memory_space<vmem>> -> memref<128xi32, #tpu.memory_space<vmem>>
    %dma_wait3A_524 = arith.constant 0 : i32
    %dma_wait3A_525 = arith.constant 0 : i32
    %dma_wait3A_526 = tpu.memref_slice %arg2[%dma_wait3A_524, %dma_wait3A_525] : memref<100000x32xf32, #tpu.memory_space<hbm>> -> memref<100000x32xf32, #tpu.memory_space<hbm>>
    tpu.wait_indirect_dma semaphore(%arg15 : memref<!tpu.dma_semaphore, #tpu.memory_space<semaphore_mem>>) src(%dma_wait3A_526 : memref<100000x32xf32, #tpu.memory_space<hbm>>) dst(%dma_wait3A_521 : memref<128x32xf32, #tpu.memory_space<vmem>>)
    %dma_wait3A_527 = arith.constant 1408 : i32
    %dma_wait3A_528 = tpu.memref_slice %arg10[%dma_wait3A_527] : memref<3344xf32, #tpu.memory_space<vmem>> -> memref<128xf32, #tpu.memory_space<vmem>>
    %dma_wait3A_529 = arith.constant 1408 : i32
    %dma_wait3A_530 = tpu.memref_slice %arg8[%dma_wait3A_529] : memref<3328xi32, #tpu.memory_space<vmem>> -> memref<128xi32, #tpu.memory_space<vmem>>
    %dma_wait3A_531 = arith.constant 0 : i32
    %dma_wait3A_532 = tpu.memref_slice %arg3[%dma_wait3A_531] : memref<100000xf32, #tpu.memory_space<hbm>> -> memref<100000xf32, #tpu.memory_space<hbm>>
    tpu.wait_indirect_dma semaphore(%arg15 : memref<!tpu.dma_semaphore, #tpu.memory_space<semaphore_mem>>) src(%dma_wait3A_532 : memref<100000xf32, #tpu.memory_space<hbm>>) dst(%dma_wait3A_528 : memref<128xf32, #tpu.memory_space<vmem>>)
    %dma_wait3A_533 = arith.constant 1536 : i32
    %dma_wait3A_534 = arith.constant 0 : i32
    %dma_wait3A_535 = tpu.memref_slice %arg11[%dma_wait3A_533, %dma_wait3A_534] : memref<3328x32xf32, #tpu.memory_space<vmem>> -> memref<128x32xf32, #tpu.memory_space<vmem>>
    %dma_wait3A_536 = arith.constant 1536 : i32
    %dma_wait3A_537 = tpu.memref_slice %arg8[%dma_wait3A_536] : memref<3328xi32, #tpu.memory_space<vmem>> -> memref<128xi32, #tpu.memory_space<vmem>>
    %dma_wait3A_538 = arith.constant 0 : i32
    %dma_wait3A_539 = arith.constant 0 : i32
    %dma_wait3A_540 = tpu.memref_slice %arg2[%dma_wait3A_538, %dma_wait3A_539] : memref<100000x32xf32, #tpu.memory_space<hbm>> -> memref<100000x32xf32, #tpu.memory_space<hbm>>
    tpu.wait_indirect_dma semaphore(%arg15 : memref<!tpu.dma_semaphore, #tpu.memory_space<semaphore_mem>>) src(%dma_wait3A_540 : memref<100000x32xf32, #tpu.memory_space<hbm>>) dst(%dma_wait3A_535 : memref<128x32xf32, #tpu.memory_space<vmem>>)
    %dma_wait3A_541 = arith.constant 1536 : i32
    %dma_wait3A_542 = tpu.memref_slice %arg10[%dma_wait3A_541] : memref<3344xf32, #tpu.memory_space<vmem>> -> memref<128xf32, #tpu.memory_space<vmem>>
    %dma_wait3A_543 = arith.constant 1536 : i32
    %dma_wait3A_544 = tpu.memref_slice %arg8[%dma_wait3A_543] : memref<3328xi32, #tpu.memory_space<vmem>> -> memref<128xi32, #tpu.memory_space<vmem>>
    %dma_wait3A_545 = arith.constant 0 : i32
    %dma_wait3A_546 = tpu.memref_slice %arg3[%dma_wait3A_545] : memref<100000xf32, #tpu.memory_space<hbm>> -> memref<100000xf32, #tpu.memory_space<hbm>>
    tpu.wait_indirect_dma semaphore(%arg15 : memref<!tpu.dma_semaphore, #tpu.memory_space<semaphore_mem>>) src(%dma_wait3A_546 : memref<100000xf32, #tpu.memory_space<hbm>>) dst(%dma_wait3A_542 : memref<128xf32, #tpu.memory_space<vmem>>)
    %dma_wait3A_547 = arith.constant 1664 : i32
    %dma_wait3A_548 = arith.constant 0 : i32
    %dma_wait3A_549 = tpu.memref_slice %arg11[%dma_wait3A_547, %dma_wait3A_548] : memref<3328x32xf32, #tpu.memory_space<vmem>> -> memref<128x32xf32, #tpu.memory_space<vmem>>
    %dma_wait3A_550 = arith.constant 1664 : i32
    %dma_wait3A_551 = tpu.memref_slice %arg8[%dma_wait3A_550] : memref<3328xi32, #tpu.memory_space<vmem>> -> memref<128xi32, #tpu.memory_space<vmem>>
    %dma_wait3A_552 = arith.constant 0 : i32
    %dma_wait3A_553 = arith.constant 0 : i32
    %dma_wait3A_554 = tpu.memref_slice %arg2[%dma_wait3A_552, %dma_wait3A_553] : memref<100000x32xf32, #tpu.memory_space<hbm>> -> memref<100000x32xf32, #tpu.memory_space<hbm>>
    tpu.wait_indirect_dma semaphore(%arg15 : memref<!tpu.dma_semaphore, #tpu.memory_space<semaphore_mem>>) src(%dma_wait3A_554 : memref<100000x32xf32, #tpu.memory_space<hbm>>) dst(%dma_wait3A_549 : memref<128x32xf32, #tpu.memory_space<vmem>>)
    %dma_wait3A_555 = arith.constant 1664 : i32
    %dma_wait3A_556 = tpu.memref_slice %arg10[%dma_wait3A_555] : memref<3344xf32, #tpu.memory_space<vmem>> -> memref<128xf32, #tpu.memory_space<vmem>>
    %dma_wait3A_557 = arith.constant 1664 : i32
    %dma_wait3A_558 = tpu.memref_slice %arg8[%dma_wait3A_557] : memref<3328xi32, #tpu.memory_space<vmem>> -> memref<128xi32, #tpu.memory_space<vmem>>
    %dma_wait3A_559 = arith.constant 0 : i32
    %dma_wait3A_560 = tpu.memref_slice %arg3[%dma_wait3A_559] : memref<100000xf32, #tpu.memory_space<hbm>> -> memref<100000xf32, #tpu.memory_space<hbm>>
    tpu.wait_indirect_dma semaphore(%arg15 : memref<!tpu.dma_semaphore, #tpu.memory_space<semaphore_mem>>) src(%dma_wait3A_560 : memref<100000xf32, #tpu.memory_space<hbm>>) dst(%dma_wait3A_556 : memref<128xf32, #tpu.memory_space<vmem>>)
    %dma_wait3A_561 = arith.constant 1792 : i32
    %dma_wait3A_562 = arith.constant 0 : i32
    %dma_wait3A_563 = tpu.memref_slice %arg11[%dma_wait3A_561, %dma_wait3A_562] : memref<3328x32xf32, #tpu.memory_space<vmem>> -> memref<128x32xf32, #tpu.memory_space<vmem>>
    %dma_wait3A_564 = arith.constant 1792 : i32
    %dma_wait3A_565 = tpu.memref_slice %arg8[%dma_wait3A_564] : memref<3328xi32, #tpu.memory_space<vmem>> -> memref<128xi32, #tpu.memory_space<vmem>>
    %dma_wait3A_566 = arith.constant 0 : i32
    %dma_wait3A_567 = arith.constant 0 : i32
    %dma_wait3A_568 = tpu.memref_slice %arg2[%dma_wait3A_566, %dma_wait3A_567] : memref<100000x32xf32, #tpu.memory_space<hbm>> -> memref<100000x32xf32, #tpu.memory_space<hbm>>
    tpu.wait_indirect_dma semaphore(%arg15 : memref<!tpu.dma_semaphore, #tpu.memory_space<semaphore_mem>>) src(%dma_wait3A_568 : memref<100000x32xf32, #tpu.memory_space<hbm>>) dst(%dma_wait3A_563 : memref<128x32xf32, #tpu.memory_space<vmem>>)
    %dma_wait3A_569 = arith.constant 1792 : i32
    %dma_wait3A_570 = tpu.memref_slice %arg10[%dma_wait3A_569] : memref<3344xf32, #tpu.memory_space<vmem>> -> memref<128xf32, #tpu.memory_space<vmem>>
    %dma_wait3A_571 = arith.constant 1792 : i32
    %dma_wait3A_572 = tpu.memref_slice %arg8[%dma_wait3A_571] : memref<3328xi32, #tpu.memory_space<vmem>> -> memref<128xi32, #tpu.memory_space<vmem>>
    %dma_wait3A_573 = arith.constant 0 : i32
    %dma_wait3A_574 = tpu.memref_slice %arg3[%dma_wait3A_573] : memref<100000xf32, #tpu.memory_space<hbm>> -> memref<100000xf32, #tpu.memory_space<hbm>>
    tpu.wait_indirect_dma semaphore(%arg15 : memref<!tpu.dma_semaphore, #tpu.memory_space<semaphore_mem>>) src(%dma_wait3A_574 : memref<100000xf32, #tpu.memory_space<hbm>>) dst(%dma_wait3A_570 : memref<128xf32, #tpu.memory_space<vmem>>)
    %dma_wait3A_575 = arith.constant 1920 : i32
    %dma_wait3A_576 = arith.constant 0 : i32
    %dma_wait3A_577 = tpu.memref_slice %arg11[%dma_wait3A_575, %dma_wait3A_576] : memref<3328x32xf32, #tpu.memory_space<vmem>> -> memref<128x32xf32, #tpu.memory_space<vmem>>
    %dma_wait3A_578 = arith.constant 1920 : i32
    %dma_wait3A_579 = tpu.memref_slice %arg8[%dma_wait3A_578] : memref<3328xi32, #tpu.memory_space<vmem>> -> memref<128xi32, #tpu.memory_space<vmem>>
    %dma_wait3A_580 = arith.constant 0 : i32
    %dma_wait3A_581 = arith.constant 0 : i32
    %dma_wait3A_582 = tpu.memref_slice %arg2[%dma_wait3A_580, %dma_wait3A_581] : memref<100000x32xf32, #tpu.memory_space<hbm>> -> memref<100000x32xf32, #tpu.memory_space<hbm>>
    tpu.wait_indirect_dma semaphore(%arg15 : memref<!tpu.dma_semaphore, #tpu.memory_space<semaphore_mem>>) src(%dma_wait3A_582 : memref<100000x32xf32, #tpu.memory_space<hbm>>) dst(%dma_wait3A_577 : memref<128x32xf32, #tpu.memory_space<vmem>>)
    %dma_wait3A_583 = arith.constant 1920 : i32
    %dma_wait3A_584 = tpu.memref_slice %arg10[%dma_wait3A_583] : memref<3344xf32, #tpu.memory_space<vmem>> -> memref<128xf32, #tpu.memory_space<vmem>>
    %dma_wait3A_585 = arith.constant 1920 : i32
    %dma_wait3A_586 = tpu.memref_slice %arg8[%dma_wait3A_585] : memref<3328xi32, #tpu.memory_space<vmem>> -> memref<128xi32, #tpu.memory_space<vmem>>
    %dma_wait3A_587 = arith.constant 0 : i32
    %dma_wait3A_588 = tpu.memref_slice %arg3[%dma_wait3A_587] : memref<100000xf32, #tpu.memory_space<hbm>> -> memref<100000xf32, #tpu.memory_space<hbm>>
    tpu.wait_indirect_dma semaphore(%arg15 : memref<!tpu.dma_semaphore, #tpu.memory_space<semaphore_mem>>) src(%dma_wait3A_588 : memref<100000xf32, #tpu.memory_space<hbm>>) dst(%dma_wait3A_584 : memref<128xf32, #tpu.memory_space<vmem>>)
    %dma_wait3A_589 = arith.constant 2048 : i32
    %dma_wait3A_590 = arith.constant 0 : i32
    %dma_wait3A_591 = tpu.memref_slice %arg11[%dma_wait3A_589, %dma_wait3A_590] : memref<3328x32xf32, #tpu.memory_space<vmem>> -> memref<128x32xf32, #tpu.memory_space<vmem>>
    %dma_wait3A_592 = arith.constant 2048 : i32
    %dma_wait3A_593 = tpu.memref_slice %arg8[%dma_wait3A_592] : memref<3328xi32, #tpu.memory_space<vmem>> -> memref<128xi32, #tpu.memory_space<vmem>>
    %dma_wait3A_594 = arith.constant 0 : i32
    %dma_wait3A_595 = arith.constant 0 : i32
    %dma_wait3A_596 = tpu.memref_slice %arg2[%dma_wait3A_594, %dma_wait3A_595] : memref<100000x32xf32, #tpu.memory_space<hbm>> -> memref<100000x32xf32, #tpu.memory_space<hbm>>
    tpu.wait_indirect_dma semaphore(%arg15 : memref<!tpu.dma_semaphore, #tpu.memory_space<semaphore_mem>>) src(%dma_wait3A_596 : memref<100000x32xf32, #tpu.memory_space<hbm>>) dst(%dma_wait3A_591 : memref<128x32xf32, #tpu.memory_space<vmem>>)
    %dma_wait3A_597 = arith.constant 2048 : i32
    %dma_wait3A_598 = tpu.memref_slice %arg10[%dma_wait3A_597] : memref<3344xf32, #tpu.memory_space<vmem>> -> memref<128xf32, #tpu.memory_space<vmem>>
    %dma_wait3A_599 = arith.constant 2048 : i32
    %dma_wait3A_600 = tpu.memref_slice %arg8[%dma_wait3A_599] : memref<3328xi32, #tpu.memory_space<vmem>> -> memref<128xi32, #tpu.memory_space<vmem>>
    %dma_wait3A_601 = arith.constant 0 : i32
    %dma_wait3A_602 = tpu.memref_slice %arg3[%dma_wait3A_601] : memref<100000xf32, #tpu.memory_space<hbm>> -> memref<100000xf32, #tpu.memory_space<hbm>>
    tpu.wait_indirect_dma semaphore(%arg15 : memref<!tpu.dma_semaphore, #tpu.memory_space<semaphore_mem>>) src(%dma_wait3A_602 : memref<100000xf32, #tpu.memory_space<hbm>>) dst(%dma_wait3A_598 : memref<128xf32, #tpu.memory_space<vmem>>)
    %dma_wait3A_603 = arith.constant 2176 : i32
    %dma_wait3A_604 = arith.constant 0 : i32
    %dma_wait3A_605 = tpu.memref_slice %arg11[%dma_wait3A_603, %dma_wait3A_604] : memref<3328x32xf32, #tpu.memory_space<vmem>> -> memref<128x32xf32, #tpu.memory_space<vmem>>
    %dma_wait3A_606 = arith.constant 2176 : i32
    %dma_wait3A_607 = tpu.memref_slice %arg8[%dma_wait3A_606] : memref<3328xi32, #tpu.memory_space<vmem>> -> memref<128xi32, #tpu.memory_space<vmem>>
    %dma_wait3A_608 = arith.constant 0 : i32
    %dma_wait3A_609 = arith.constant 0 : i32
    %dma_wait3A_610 = tpu.memref_slice %arg2[%dma_wait3A_608, %dma_wait3A_609] : memref<100000x32xf32, #tpu.memory_space<hbm>> -> memref<100000x32xf32, #tpu.memory_space<hbm>>
    tpu.wait_indirect_dma semaphore(%arg15 : memref<!tpu.dma_semaphore, #tpu.memory_space<semaphore_mem>>) src(%dma_wait3A_610 : memref<100000x32xf32, #tpu.memory_space<hbm>>) dst(%dma_wait3A_605 : memref<128x32xf32, #tpu.memory_space<vmem>>)
    %dma_wait3A_611 = arith.constant 2176 : i32
    %dma_wait3A_612 = tpu.memref_slice %arg10[%dma_wait3A_611] : memref<3344xf32, #tpu.memory_space<vmem>> -> memref<128xf32, #tpu.memory_space<vmem>>
    %dma_wait3A_613 = arith.constant 2176 : i32
    %dma_wait3A_614 = tpu.memref_slice %arg8[%dma_wait3A_613] : memref<3328xi32, #tpu.memory_space<vmem>> -> memref<128xi32, #tpu.memory_space<vmem>>
    %dma_wait3A_615 = arith.constant 0 : i32
    %dma_wait3A_616 = tpu.memref_slice %arg3[%dma_wait3A_615] : memref<100000xf32, #tpu.memory_space<hbm>> -> memref<100000xf32, #tpu.memory_space<hbm>>
    tpu.wait_indirect_dma semaphore(%arg15 : memref<!tpu.dma_semaphore, #tpu.memory_space<semaphore_mem>>) src(%dma_wait3A_616 : memref<100000xf32, #tpu.memory_space<hbm>>) dst(%dma_wait3A_612 : memref<128xf32, #tpu.memory_space<vmem>>)
    %dma_wait3A_617 = arith.constant 2304 : i32
    %dma_wait3A_618 = arith.constant 0 : i32
    %dma_wait3A_619 = tpu.memref_slice %arg11[%dma_wait3A_617, %dma_wait3A_618] : memref<3328x32xf32, #tpu.memory_space<vmem>> -> memref<128x32xf32, #tpu.memory_space<vmem>>
    %dma_wait3A_620 = arith.constant 2304 : i32
    %dma_wait3A_621 = tpu.memref_slice %arg8[%dma_wait3A_620] : memref<3328xi32, #tpu.memory_space<vmem>> -> memref<128xi32, #tpu.memory_space<vmem>>
    %dma_wait3A_622 = arith.constant 0 : i32
    %dma_wait3A_623 = arith.constant 0 : i32
    %dma_wait3A_624 = tpu.memref_slice %arg2[%dma_wait3A_622, %dma_wait3A_623] : memref<100000x32xf32, #tpu.memory_space<hbm>> -> memref<100000x32xf32, #tpu.memory_space<hbm>>
    tpu.wait_indirect_dma semaphore(%arg15 : memref<!tpu.dma_semaphore, #tpu.memory_space<semaphore_mem>>) src(%dma_wait3A_624 : memref<100000x32xf32, #tpu.memory_space<hbm>>) dst(%dma_wait3A_619 : memref<128x32xf32, #tpu.memory_space<vmem>>)
    %dma_wait3A_625 = arith.constant 2304 : i32
    %dma_wait3A_626 = tpu.memref_slice %arg10[%dma_wait3A_625] : memref<3344xf32, #tpu.memory_space<vmem>> -> memref<128xf32, #tpu.memory_space<vmem>>
    %dma_wait3A_627 = arith.constant 2304 : i32
    %dma_wait3A_628 = tpu.memref_slice %arg8[%dma_wait3A_627] : memref<3328xi32, #tpu.memory_space<vmem>> -> memref<128xi32, #tpu.memory_space<vmem>>
    %dma_wait3A_629 = arith.constant 0 : i32
    %dma_wait3A_630 = tpu.memref_slice %arg3[%dma_wait3A_629] : memref<100000xf32, #tpu.memory_space<hbm>> -> memref<100000xf32, #tpu.memory_space<hbm>>
    tpu.wait_indirect_dma semaphore(%arg15 : memref<!tpu.dma_semaphore, #tpu.memory_space<semaphore_mem>>) src(%dma_wait3A_630 : memref<100000xf32, #tpu.memory_space<hbm>>) dst(%dma_wait3A_626 : memref<128xf32, #tpu.memory_space<vmem>>)
    %dma_wait3A_631 = arith.constant 2432 : i32
    %dma_wait3A_632 = arith.constant 0 : i32
    %dma_wait3A_633 = tpu.memref_slice %arg11[%dma_wait3A_631, %dma_wait3A_632] : memref<3328x32xf32, #tpu.memory_space<vmem>> -> memref<128x32xf32, #tpu.memory_space<vmem>>
    %dma_wait3A_634 = arith.constant 2432 : i32
    %dma_wait3A_635 = tpu.memref_slice %arg8[%dma_wait3A_634] : memref<3328xi32, #tpu.memory_space<vmem>> -> memref<128xi32, #tpu.memory_space<vmem>>
    %dma_wait3A_636 = arith.constant 0 : i32
    %dma_wait3A_637 = arith.constant 0 : i32
    %dma_wait3A_638 = tpu.memref_slice %arg2[%dma_wait3A_636, %dma_wait3A_637] : memref<100000x32xf32, #tpu.memory_space<hbm>> -> memref<100000x32xf32, #tpu.memory_space<hbm>>
    tpu.wait_indirect_dma semaphore(%arg15 : memref<!tpu.dma_semaphore, #tpu.memory_space<semaphore_mem>>) src(%dma_wait3A_638 : memref<100000x32xf32, #tpu.memory_space<hbm>>) dst(%dma_wait3A_633 : memref<128x32xf32, #tpu.memory_space<vmem>>)
    %dma_wait3A_639 = arith.constant 2432 : i32
    %dma_wait3A_640 = tpu.memref_slice %arg10[%dma_wait3A_639] : memref<3344xf32, #tpu.memory_space<vmem>> -> memref<128xf32, #tpu.memory_space<vmem>>
    %dma_wait3A_641 = arith.constant 2432 : i32
    %dma_wait3A_642 = tpu.memref_slice %arg8[%dma_wait3A_641] : memref<3328xi32, #tpu.memory_space<vmem>> -> memref<128xi32, #tpu.memory_space<vmem>>
    %dma_wait3A_643 = arith.constant 0 : i32
    %dma_wait3A_644 = tpu.memref_slice %arg3[%dma_wait3A_643] : memref<100000xf32, #tpu.memory_space<hbm>> -> memref<100000xf32, #tpu.memory_space<hbm>>
    tpu.wait_indirect_dma semaphore(%arg15 : memref<!tpu.dma_semaphore, #tpu.memory_space<semaphore_mem>>) src(%dma_wait3A_644 : memref<100000xf32, #tpu.memory_space<hbm>>) dst(%dma_wait3A_640 : memref<128xf32, #tpu.memory_space<vmem>>)
    %dma_wait3A_645 = arith.constant 2560 : i32
    %dma_wait3A_646 = arith.constant 0 : i32
    %dma_wait3A_647 = tpu.memref_slice %arg11[%dma_wait3A_645, %dma_wait3A_646] : memref<3328x32xf32, #tpu.memory_space<vmem>> -> memref<128x32xf32, #tpu.memory_space<vmem>>
    %dma_wait3A_648 = arith.constant 2560 : i32
    %dma_wait3A_649 = tpu.memref_slice %arg8[%dma_wait3A_648] : memref<3328xi32, #tpu.memory_space<vmem>> -> memref<128xi32, #tpu.memory_space<vmem>>
    %dma_wait3A_650 = arith.constant 0 : i32
    %dma_wait3A_651 = arith.constant 0 : i32
    %dma_wait3A_652 = tpu.memref_slice %arg2[%dma_wait3A_650, %dma_wait3A_651] : memref<100000x32xf32, #tpu.memory_space<hbm>> -> memref<100000x32xf32, #tpu.memory_space<hbm>>
    tpu.wait_indirect_dma semaphore(%arg15 : memref<!tpu.dma_semaphore, #tpu.memory_space<semaphore_mem>>) src(%dma_wait3A_652 : memref<100000x32xf32, #tpu.memory_space<hbm>>) dst(%dma_wait3A_647 : memref<128x32xf32, #tpu.memory_space<vmem>>)
    %dma_wait3A_653 = arith.constant 2560 : i32
    %dma_wait3A_654 = tpu.memref_slice %arg10[%dma_wait3A_653] : memref<3344xf32, #tpu.memory_space<vmem>> -> memref<128xf32, #tpu.memory_space<vmem>>
    %dma_wait3A_655 = arith.constant 2560 : i32
    %dma_wait3A_656 = tpu.memref_slice %arg8[%dma_wait3A_655] : memref<3328xi32, #tpu.memory_space<vmem>> -> memref<128xi32, #tpu.memory_space<vmem>>
    %dma_wait3A_657 = arith.constant 0 : i32
    %dma_wait3A_658 = tpu.memref_slice %arg3[%dma_wait3A_657] : memref<100000xf32, #tpu.memory_space<hbm>> -> memref<100000xf32, #tpu.memory_space<hbm>>
    tpu.wait_indirect_dma semaphore(%arg15 : memref<!tpu.dma_semaphore, #tpu.memory_space<semaphore_mem>>) src(%dma_wait3A_658 : memref<100000xf32, #tpu.memory_space<hbm>>) dst(%dma_wait3A_654 : memref<128xf32, #tpu.memory_space<vmem>>)
    %dma_wait3A_659 = arith.constant 2688 : i32
    %dma_wait3A_660 = arith.constant 0 : i32
    %dma_wait3A_661 = tpu.memref_slice %arg11[%dma_wait3A_659, %dma_wait3A_660] : memref<3328x32xf32, #tpu.memory_space<vmem>> -> memref<128x32xf32, #tpu.memory_space<vmem>>
    %dma_wait3A_662 = arith.constant 2688 : i32
    %dma_wait3A_663 = tpu.memref_slice %arg8[%dma_wait3A_662] : memref<3328xi32, #tpu.memory_space<vmem>> -> memref<128xi32, #tpu.memory_space<vmem>>
    %dma_wait3A_664 = arith.constant 0 : i32
    %dma_wait3A_665 = arith.constant 0 : i32
    %dma_wait3A_666 = tpu.memref_slice %arg2[%dma_wait3A_664, %dma_wait3A_665] : memref<100000x32xf32, #tpu.memory_space<hbm>> -> memref<100000x32xf32, #tpu.memory_space<hbm>>
    tpu.wait_indirect_dma semaphore(%arg15 : memref<!tpu.dma_semaphore, #tpu.memory_space<semaphore_mem>>) src(%dma_wait3A_666 : memref<100000x32xf32, #tpu.memory_space<hbm>>) dst(%dma_wait3A_661 : memref<128x32xf32, #tpu.memory_space<vmem>>)
    %dma_wait3A_667 = arith.constant 2688 : i32
    %dma_wait3A_668 = tpu.memref_slice %arg10[%dma_wait3A_667] : memref<3344xf32, #tpu.memory_space<vmem>> -> memref<128xf32, #tpu.memory_space<vmem>>
    %dma_wait3A_669 = arith.constant 2688 : i32
    %dma_wait3A_670 = tpu.memref_slice %arg8[%dma_wait3A_669] : memref<3328xi32, #tpu.memory_space<vmem>> -> memref<128xi32, #tpu.memory_space<vmem>>
    %dma_wait3A_671 = arith.constant 0 : i32
    %dma_wait3A_672 = tpu.memref_slice %arg3[%dma_wait3A_671] : memref<100000xf32, #tpu.memory_space<hbm>> -> memref<100000xf32, #tpu.memory_space<hbm>>
    tpu.wait_indirect_dma semaphore(%arg15 : memref<!tpu.dma_semaphore, #tpu.memory_space<semaphore_mem>>) src(%dma_wait3A_672 : memref<100000xf32, #tpu.memory_space<hbm>>) dst(%dma_wait3A_668 : memref<128xf32, #tpu.memory_space<vmem>>)
    %dma_wait3A_673 = arith.constant 2816 : i32
    %dma_wait3A_674 = arith.constant 0 : i32
    %dma_wait3A_675 = tpu.memref_slice %arg11[%dma_wait3A_673, %dma_wait3A_674] : memref<3328x32xf32, #tpu.memory_space<vmem>> -> memref<128x32xf32, #tpu.memory_space<vmem>>
    %dma_wait3A_676 = arith.constant 2816 : i32
    %dma_wait3A_677 = tpu.memref_slice %arg8[%dma_wait3A_676] : memref<3328xi32, #tpu.memory_space<vmem>> -> memref<128xi32, #tpu.memory_space<vmem>>
    %dma_wait3A_678 = arith.constant 0 : i32
    %dma_wait3A_679 = arith.constant 0 : i32
    %dma_wait3A_680 = tpu.memref_slice %arg2[%dma_wait3A_678, %dma_wait3A_679] : memref<100000x32xf32, #tpu.memory_space<hbm>> -> memref<100000x32xf32, #tpu.memory_space<hbm>>
    tpu.wait_indirect_dma semaphore(%arg15 : memref<!tpu.dma_semaphore, #tpu.memory_space<semaphore_mem>>) src(%dma_wait3A_680 : memref<100000x32xf32, #tpu.memory_space<hbm>>) dst(%dma_wait3A_675 : memref<128x32xf32, #tpu.memory_space<vmem>>)
    %dma_wait3A_681 = arith.constant 2816 : i32
    %dma_wait3A_682 = tpu.memref_slice %arg10[%dma_wait3A_681] : memref<3344xf32, #tpu.memory_space<vmem>> -> memref<128xf32, #tpu.memory_space<vmem>>
    %dma_wait3A_683 = arith.constant 2816 : i32
    %dma_wait3A_684 = tpu.memref_slice %arg8[%dma_wait3A_683] : memref<3328xi32, #tpu.memory_space<vmem>> -> memref<128xi32, #tpu.memory_space<vmem>>
    %dma_wait3A_685 = arith.constant 0 : i32
    %dma_wait3A_686 = tpu.memref_slice %arg3[%dma_wait3A_685] : memref<100000xf32, #tpu.memory_space<hbm>> -> memref<100000xf32, #tpu.memory_space<hbm>>
    tpu.wait_indirect_dma semaphore(%arg15 : memref<!tpu.dma_semaphore, #tpu.memory_space<semaphore_mem>>) src(%dma_wait3A_686 : memref<100000xf32, #tpu.memory_space<hbm>>) dst(%dma_wait3A_682 : memref<128xf32, #tpu.memory_space<vmem>>)
    %dma_wait3A_687 = arith.constant 2944 : i32
    %dma_wait3A_688 = arith.constant 0 : i32
    %dma_wait3A_689 = tpu.memref_slice %arg11[%dma_wait3A_687, %dma_wait3A_688] : memref<3328x32xf32, #tpu.memory_space<vmem>> -> memref<128x32xf32, #tpu.memory_space<vmem>>
    %dma_wait3A_690 = arith.constant 2944 : i32
    %dma_wait3A_691 = tpu.memref_slice %arg8[%dma_wait3A_690] : memref<3328xi32, #tpu.memory_space<vmem>> -> memref<128xi32, #tpu.memory_space<vmem>>
    %dma_wait3A_692 = arith.constant 0 : i32
    %dma_wait3A_693 = arith.constant 0 : i32
    %dma_wait3A_694 = tpu.memref_slice %arg2[%dma_wait3A_692, %dma_wait3A_693] : memref<100000x32xf32, #tpu.memory_space<hbm>> -> memref<100000x32xf32, #tpu.memory_space<hbm>>
    tpu.wait_indirect_dma semaphore(%arg15 : memref<!tpu.dma_semaphore, #tpu.memory_space<semaphore_mem>>) src(%dma_wait3A_694 : memref<100000x32xf32, #tpu.memory_space<hbm>>) dst(%dma_wait3A_689 : memref<128x32xf32, #tpu.memory_space<vmem>>)
    %dma_wait3A_695 = arith.constant 2944 : i32
    %dma_wait3A_696 = tpu.memref_slice %arg10[%dma_wait3A_695] : memref<3344xf32, #tpu.memory_space<vmem>> -> memref<128xf32, #tpu.memory_space<vmem>>
    %dma_wait3A_697 = arith.constant 2944 : i32
    %dma_wait3A_698 = tpu.memref_slice %arg8[%dma_wait3A_697] : memref<3328xi32, #tpu.memory_space<vmem>> -> memref<128xi32, #tpu.memory_space<vmem>>
    %dma_wait3A_699 = arith.constant 0 : i32
    %dma_wait3A_700 = tpu.memref_slice %arg3[%dma_wait3A_699] : memref<100000xf32, #tpu.memory_space<hbm>> -> memref<100000xf32, #tpu.memory_space<hbm>>
    tpu.wait_indirect_dma semaphore(%arg15 : memref<!tpu.dma_semaphore, #tpu.memory_space<semaphore_mem>>) src(%dma_wait3A_700 : memref<100000xf32, #tpu.memory_space<hbm>>) dst(%dma_wait3A_696 : memref<128xf32, #tpu.memory_space<vmem>>)
    %dma_wait3A_701 = arith.constant 3072 : i32
    %dma_wait3A_702 = arith.constant 0 : i32
    %dma_wait3A_703 = tpu.memref_slice %arg11[%dma_wait3A_701, %dma_wait3A_702] : memref<3328x32xf32, #tpu.memory_space<vmem>> -> memref<128x32xf32, #tpu.memory_space<vmem>>
    %dma_wait3A_704 = arith.constant 3072 : i32
    %dma_wait3A_705 = tpu.memref_slice %arg8[%dma_wait3A_704] : memref<3328xi32, #tpu.memory_space<vmem>> -> memref<128xi32, #tpu.memory_space<vmem>>
    %dma_wait3A_706 = arith.constant 0 : i32
    %dma_wait3A_707 = arith.constant 0 : i32
    %dma_wait3A_708 = tpu.memref_slice %arg2[%dma_wait3A_706, %dma_wait3A_707] : memref<100000x32xf32, #tpu.memory_space<hbm>> -> memref<100000x32xf32, #tpu.memory_space<hbm>>
    tpu.wait_indirect_dma semaphore(%arg15 : memref<!tpu.dma_semaphore, #tpu.memory_space<semaphore_mem>>) src(%dma_wait3A_708 : memref<100000x32xf32, #tpu.memory_space<hbm>>) dst(%dma_wait3A_703 : memref<128x32xf32, #tpu.memory_space<vmem>>)
    %dma_wait3A_709 = arith.constant 3072 : i32
    %dma_wait3A_710 = tpu.memref_slice %arg10[%dma_wait3A_709] : memref<3344xf32, #tpu.memory_space<vmem>> -> memref<128xf32, #tpu.memory_space<vmem>>
    %dma_wait3A_711 = arith.constant 3072 : i32
    %dma_wait3A_712 = tpu.memref_slice %arg8[%dma_wait3A_711] : memref<3328xi32, #tpu.memory_space<vmem>> -> memref<128xi32, #tpu.memory_space<vmem>>
    %dma_wait3A_713 = arith.constant 0 : i32
    %dma_wait3A_714 = tpu.memref_slice %arg3[%dma_wait3A_713] : memref<100000xf32, #tpu.memory_space<hbm>> -> memref<100000xf32, #tpu.memory_space<hbm>>
    tpu.wait_indirect_dma semaphore(%arg15 : memref<!tpu.dma_semaphore, #tpu.memory_space<semaphore_mem>>) src(%dma_wait3A_714 : memref<100000xf32, #tpu.memory_space<hbm>>) dst(%dma_wait3A_710 : memref<128xf32, #tpu.memory_space<vmem>>)
    %dma_wait3A_715 = arith.constant 3200 : i32
    %dma_wait3A_716 = arith.constant 0 : i32
    %dma_wait3A_717 = tpu.memref_slice %arg11[%dma_wait3A_715, %dma_wait3A_716] : memref<3328x32xf32, #tpu.memory_space<vmem>> -> memref<128x32xf32, #tpu.memory_space<vmem>>
    %dma_wait3A_718 = arith.constant 3200 : i32
    %dma_wait3A_719 = tpu.memref_slice %arg8[%dma_wait3A_718] : memref<3328xi32, #tpu.memory_space<vmem>> -> memref<128xi32, #tpu.memory_space<vmem>>
    %dma_wait3A_720 = arith.constant 0 : i32
    %dma_wait3A_721 = arith.constant 0 : i32
    %dma_wait3A_722 = tpu.memref_slice %arg2[%dma_wait3A_720, %dma_wait3A_721] : memref<100000x32xf32, #tpu.memory_space<hbm>> -> memref<100000x32xf32, #tpu.memory_space<hbm>>
    tpu.wait_indirect_dma semaphore(%arg15 : memref<!tpu.dma_semaphore, #tpu.memory_space<semaphore_mem>>) src(%dma_wait3A_722 : memref<100000x32xf32, #tpu.memory_space<hbm>>) dst(%dma_wait3A_717 : memref<128x32xf32, #tpu.memory_space<vmem>>)
    %dma_wait3A_723 = arith.constant 3200 : i32
    %dma_wait3A_724 = tpu.memref_slice %arg10[%dma_wait3A_723] : memref<3344xf32, #tpu.memory_space<vmem>> -> memref<128xf32, #tpu.memory_space<vmem>>
    %dma_wait3A_725 = arith.constant 3200 : i32
    %dma_wait3A_726 = tpu.memref_slice %arg8[%dma_wait3A_725] : memref<3328xi32, #tpu.memory_space<vmem>> -> memref<128xi32, #tpu.memory_space<vmem>>
    %dma_wait3A_727 = arith.constant 0 : i32
    %dma_wait3A_728 = tpu.memref_slice %arg3[%dma_wait3A_727] : memref<100000xf32, #tpu.memory_space<hbm>> -> memref<100000xf32, #tpu.memory_space<hbm>>
    tpu.wait_indirect_dma semaphore(%arg15 : memref<!tpu.dma_semaphore, #tpu.memory_space<semaphore_mem>>) src(%dma_wait3A_728 : memref<100000xf32, #tpu.memory_space<hbm>>) dst(%dma_wait3A_724 : memref<128xf32, #tpu.memory_space<vmem>>)
    %iota3A = tpu.iota {dimensions = array<i32: 0>} : vector<16xi32>
    %lt3A = arith.constant 10 : i32
    %lt3A_729 = vector.broadcast %lt3A : i32 to vector<16xi32>
    %lt3A_730 = arith.cmpi slt, %iota3A, %lt3A_729 : vector<16xi32>
    %broadcast_in_dim3A = arith.constant 0.000000e+00 : f32
    %broadcast_in_dim3A_731 = vector.broadcast %broadcast_in_dim3A : f32 to vector<16xf32>
    %scan3A = arith.constant 0 : i32
    %scan3A_732 = arith.constant 0 : i32
    %scan3A_733 = arith.constant 128 : i32
    %scan3A_734 = arith.addi %scan3A_732, %scan3A_733 : i32
    %scan3A_735 = arith.constant 1 : i32
    scf.for %scan3A_746 = %scan3A_732 to %scan3A_734 step %scan3A_735  : i32 {
      %mul3A_747 = arith.constant 26 : i32
      %mul3A_748 = arith.muli %scan3A_746, %mul3A_747 : i32
      %get3A_749 = arith.index_cast %mul3A_748 : i32 to index
      %get3A_750 = tpu.vector_load %arg9[%get3A_749] {strides = array<i32>} : memref<3344xf32, #tpu.memory_space<vmem>>, vector<16xf32>,
      %add3A_751 = arith.constant 16 : i32
      %add3A_752 = arith.addi %mul3A_748, %add3A_751 : i32
      %get3A_753 = arith.index_cast %add3A_752 : i32 to index
      %get3A_754 = tpu.vector_load %arg9[%get3A_753] {strides = array<i32>} : memref<3344xf32, #tpu.memory_space<vmem>>, vector<16xf32>,
      %add3A_755 = arith.constant 0 : i32
      %add3A_756 = arith.addi %mul3A_748, %add3A_755 : i32
      %get3A_757 = arith.index_cast %add3A_756 : i32 to index
      %get3A_758 = arith.constant 0 : index
      %get3A_759 = tpu.vector_load %arg11[%get3A_757, %get3A_758] {strides = array<i32>} : memref<3328x32xf32, #tpu.memory_space<vmem>>, vector<16xf32>,
      %add3A_760 = arith.constant 0 : i32
      %add3A_761 = arith.addi %mul3A_748, %add3A_760 : i32
      %get3A_762 = arith.index_cast %add3A_761 : i32 to index
      %get3A_763 = arith.constant 16 : index
      %get3A_764 = tpu.vector_load %arg11[%get3A_762, %get3A_763] {strides = array<i32>} : memref<3328x32xf32, #tpu.memory_space<vmem>>, vector<16xf32>,
      %slice3A = vector.extract_strided_slice %get3A_750 {offsets = [0], sizes = [1], strides = [1]} : vector<16xf32> to vector<1xf32>
      %squeeze3A = vector.extract %slice3A[0] : f32 from vector<1xf32>
      %mul3A_765 = vector.broadcast %squeeze3A : f32 to vector<16xf32>
      %mul3A_766 = arith.mulf %get3A_759, %mul3A_765 : vector<16xf32>
      %mul3A_767 = vector.broadcast %squeeze3A : f32 to vector<16xf32>
      %mul3A_768 = arith.mulf %get3A_764, %mul3A_767 : vector<16xf32>
      %add3A_769 = arith.addf %broadcast_in_dim3A_731, %mul3A_766 : vector<16xf32>
      %add3A_770 = arith.addf %broadcast_in_dim3A_731, %mul3A_768 : vector<16xf32>
      %mul3A_771 = arith.mulf %mul3A_766, %mul3A_766 : vector<16xf32>
      %add3A_772 = arith.addf %broadcast_in_dim3A_731, %mul3A_771 : vector<16xf32>
      %mul3A_773 = arith.mulf %mul3A_768, %mul3A_768 : vector<16xf32>
      %add3A_774 = arith.addf %broadcast_in_dim3A_731, %mul3A_773 : vector<16xf32>
      %add3A_775 = arith.constant 1 : i32
      %add3A_776 = arith.addi %mul3A_748, %add3A_775 : i32
      %get3A_777 = arith.index_cast %add3A_776 : i32 to index
      %get3A_778 = arith.constant 0 : index
      %get3A_779 = tpu.vector_load %arg11[%get3A_777, %get3A_778] {strides = array<i32>} : memref<3328x32xf32, #tpu.memory_space<vmem>>, vector<16xf32>,
      %add3A_780 = arith.constant 1 : i32
      %add3A_781 = arith.addi %mul3A_748, %add3A_780 : i32
      %get3A_782 = arith.index_cast %add3A_781 : i32 to index
      %get3A_783 = arith.constant 16 : index
      %get3A_784 = tpu.vector_load %arg11[%get3A_782, %get3A_783] {strides = array<i32>} : memref<3328x32xf32, #tpu.memory_space<vmem>>, vector<16xf32>,
      %slice3A_785 = vector.extract_strided_slice %get3A_750 {offsets = [1], sizes = [1], strides = [1]} : vector<16xf32> to vector<1xf32>
      %squeeze3A_786 = vector.extract %slice3A_785[0] : f32 from vector<1xf32>
      %mul3A_787 = vector.broadcast %squeeze3A_786 : f32 to vector<16xf32>
      %mul3A_788 = arith.mulf %get3A_779, %mul3A_787 : vector<16xf32>
      %mul3A_789 = vector.broadcast %squeeze3A_786 : f32 to vector<16xf32>
      %mul3A_790 = arith.mulf %get3A_784, %mul3A_789 : vector<16xf32>
      %add3A_791 = arith.addf %add3A_769, %mul3A_788 : vector<16xf32>
      %add3A_792 = arith.addf %add3A_770, %mul3A_790 : vector<16xf32>
      %mul3A_793 = arith.mulf %mul3A_788, %mul3A_788 : vector<16xf32>
      %add3A_794 = arith.addf %add3A_772, %mul3A_793 : vector<16xf32>
      %mul3A_795 = arith.mulf %mul3A_790, %mul3A_790 : vector<16xf32>
      %add3A_796 = arith.addf %add3A_774, %mul3A_795 : vector<16xf32>
      %add3A_797 = arith.constant 2 : i32
      %add3A_798 = arith.addi %mul3A_748, %add3A_797 : i32
      %get3A_799 = arith.index_cast %add3A_798 : i32 to index
      %get3A_800 = arith.constant 0 : index
      %get3A_801 = tpu.vector_load %arg11[%get3A_799, %get3A_800] {strides = array<i32>} : memref<3328x32xf32, #tpu.memory_space<vmem>>, vector<16xf32>,
      %add3A_802 = arith.constant 2 : i32
      %add3A_803 = arith.addi %mul3A_748, %add3A_802 : i32
      %get3A_804 = arith.index_cast %add3A_803 : i32 to index
      %get3A_805 = arith.constant 16 : index
      %get3A_806 = tpu.vector_load %arg11[%get3A_804, %get3A_805] {strides = array<i32>} : memref<3328x32xf32, #tpu.memory_space<vmem>>, vector<16xf32>,
      %slice3A_807 = vector.extract_strided_slice %get3A_750 {offsets = [2], sizes = [1], strides = [1]} : vector<16xf32> to vector<1xf32>
      %squeeze3A_808 = vector.extract %slice3A_807[0] : f32 from vector<1xf32>
      %mul3A_809 = vector.broadcast %squeeze3A_808 : f32 to vector<16xf32>
      %mul3A_810 = arith.mulf %get3A_801, %mul3A_809 : vector<16xf32>
      %mul3A_811 = vector.broadcast %squeeze3A_808 : f32 to vector<16xf32>
      %mul3A_812 = arith.mulf %get3A_806, %mul3A_811 : vector<16xf32>
      %add3A_813 = arith.addf %add3A_791, %mul3A_810 : vector<16xf32>
      %add3A_814 = arith.addf %add3A_792, %mul3A_812 : vector<16xf32>
      %mul3A_815 = arith.mulf %mul3A_810, %mul3A_810 : vector<16xf32>
      %add3A_816 = arith.addf %add3A_794, %mul3A_815 : vector<16xf32>
      %mul3A_817 = arith.mulf %mul3A_812, %mul3A_812 : vector<16xf32>
      %add3A_818 = arith.addf %add3A_796, %mul3A_817 : vector<16xf32>
      %add3A_819 = arith.constant 3 : i32
      %add3A_820 = arith.addi %mul3A_748, %add3A_819 : i32
      %get3A_821 = arith.index_cast %add3A_820 : i32 to index
      %get3A_822 = arith.constant 0 : index
      %get3A_823 = tpu.vector_load %arg11[%get3A_821, %get3A_822] {strides = array<i32>} : memref<3328x32xf32, #tpu.memory_space<vmem>>, vector<16xf32>,
      %add3A_824 = arith.constant 3 : i32
      %add3A_825 = arith.addi %mul3A_748, %add3A_824 : i32
      %get3A_826 = arith.index_cast %add3A_825 : i32 to index
      %get3A_827 = arith.constant 16 : index
      %get3A_828 = tpu.vector_load %arg11[%get3A_826, %get3A_827] {strides = array<i32>} : memref<3328x32xf32, #tpu.memory_space<vmem>>, vector<16xf32>,
      %slice3A_829 = vector.extract_strided_slice %get3A_750 {offsets = [3], sizes = [1], strides = [1]} : vector<16xf32> to vector<1xf32>
      %squeeze3A_830 = vector.extract %slice3A_829[0] : f32 from vector<1xf32>
      %mul3A_831 = vector.broadcast %squeeze3A_830 : f32 to vector<16xf32>
      %mul3A_832 = arith.mulf %get3A_823, %mul3A_831 : vector<16xf32>
      %mul3A_833 = vector.broadcast %squeeze3A_830 : f32 to vector<16xf32>
      %mul3A_834 = arith.mulf %get3A_828, %mul3A_833 : vector<16xf32>
      %add3A_835 = arith.addf %add3A_813, %mul3A_832 : vector<16xf32>
      %add3A_836 = arith.addf %add3A_814, %mul3A_834 : vector<16xf32>
      %mul3A_837 = arith.mulf %mul3A_832, %mul3A_832 : vector<16xf32>
      %add3A_838 = arith.addf %add3A_816, %mul3A_837 : vector<16xf32>
      %mul3A_839 = arith.mulf %mul3A_834, %mul3A_834 : vector<16xf32>
      %add3A_840 = arith.addf %add3A_818, %mul3A_839 : vector<16xf32>
      %add3A_841 = arith.constant 4 : i32
      %add3A_842 = arith.addi %mul3A_748, %add3A_841 : i32
      %get3A_843 = arith.index_cast %add3A_842 : i32 to index
      %get3A_844 = arith.constant 0 : index
      %get3A_845 = tpu.vector_load %arg11[%get3A_843, %get3A_844] {strides = array<i32>} : memref<3328x32xf32, #tpu.memory_space<vmem>>, vector<16xf32>,
      %add3A_846 = arith.constant 4 : i32
      %add3A_847 = arith.addi %mul3A_748, %add3A_846 : i32
      %get3A_848 = arith.index_cast %add3A_847 : i32 to index
      %get3A_849 = arith.constant 16 : index
      %get3A_850 = tpu.vector_load %arg11[%get3A_848, %get3A_849] {strides = array<i32>} : memref<3328x32xf32, #tpu.memory_space<vmem>>, vector<16xf32>,
      %slice3A_851 = vector.extract_strided_slice %get3A_750 {offsets = [4], sizes = [1], strides = [1]} : vector<16xf32> to vector<1xf32>
      %squeeze3A_852 = vector.extract %slice3A_851[0] : f32 from vector<1xf32>
      %mul3A_853 = vector.broadcast %squeeze3A_852 : f32 to vector<16xf32>
      %mul3A_854 = arith.mulf %get3A_845, %mul3A_853 : vector<16xf32>
      %mul3A_855 = vector.broadcast %squeeze3A_852 : f32 to vector<16xf32>
      %mul3A_856 = arith.mulf %get3A_850, %mul3A_855 : vector<16xf32>
      %add3A_857 = arith.addf %add3A_835, %mul3A_854 : vector<16xf32>
      %add3A_858 = arith.addf %add3A_836, %mul3A_856 : vector<16xf32>
      %mul3A_859 = arith.mulf %mul3A_854, %mul3A_854 : vector<16xf32>
      %add3A_860 = arith.addf %add3A_838, %mul3A_859 : vector<16xf32>
      %mul3A_861 = arith.mulf %mul3A_856, %mul3A_856 : vector<16xf32>
      %add3A_862 = arith.addf %add3A_840, %mul3A_861 : vector<16xf32>
      %add3A_863 = arith.constant 5 : i32
      %add3A_864 = arith.addi %mul3A_748, %add3A_863 : i32
      %get3A_865 = arith.index_cast %add3A_864 : i32 to index
      %get3A_866 = arith.constant 0 : index
      %get3A_867 = tpu.vector_load %arg11[%get3A_865, %get3A_866] {strides = array<i32>} : memref<3328x32xf32, #tpu.memory_space<vmem>>, vector<16xf32>,
      %add3A_868 = arith.constant 5 : i32
      %add3A_869 = arith.addi %mul3A_748, %add3A_868 : i32
      %get3A_870 = arith.index_cast %add3A_869 : i32 to index
      %get3A_871 = arith.constant 16 : index
      %get3A_872 = tpu.vector_load %arg11[%get3A_870, %get3A_871] {strides = array<i32>} : memref<3328x32xf32, #tpu.memory_space<vmem>>, vector<16xf32>,
      %slice3A_873 = vector.extract_strided_slice %get3A_750 {offsets = [5], sizes = [1], strides = [1]} : vector<16xf32> to vector<1xf32>
      %squeeze3A_874 = vector.extract %slice3A_873[0] : f32 from vector<1xf32>
      %mul3A_875 = vector.broadcast %squeeze3A_874 : f32 to vector<16xf32>
      %mul3A_876 = arith.mulf %get3A_867, %mul3A_875 : vector<16xf32>
      %mul3A_877 = vector.broadcast %squeeze3A_874 : f32 to vector<16xf32>
      %mul3A_878 = arith.mulf %get3A_872, %mul3A_877 : vector<16xf32>
      %add3A_879 = arith.addf %add3A_857, %mul3A_876 : vector<16xf32>
      %add3A_880 = arith.addf %add3A_858, %mul3A_878 : vector<16xf32>
      %mul3A_881 = arith.mulf %mul3A_876, %mul3A_876 : vector<16xf32>
      %add3A_882 = arith.addf %add3A_860, %mul3A_881 : vector<16xf32>
      %mul3A_883 = arith.mulf %mul3A_878, %mul3A_878 : vector<16xf32>
      %add3A_884 = arith.addf %add3A_862, %mul3A_883 : vector<16xf32>
      %add3A_885 = arith.constant 6 : i32
      %add3A_886 = arith.addi %mul3A_748, %add3A_885 : i32
      %get3A_887 = arith.index_cast %add3A_886 : i32 to index
      %get3A_888 = arith.constant 0 : index
      %get3A_889 = tpu.vector_load %arg11[%get3A_887, %get3A_888] {strides = array<i32>} : memref<3328x32xf32, #tpu.memory_space<vmem>>, vector<16xf32>,
      %add3A_890 = arith.constant 6 : i32
      %add3A_891 = arith.addi %mul3A_748, %add3A_890 : i32
      %get3A_892 = arith.index_cast %add3A_891 : i32 to index
      %get3A_893 = arith.constant 16 : index
      %get3A_894 = tpu.vector_load %arg11[%get3A_892, %get3A_893] {strides = array<i32>} : memref<3328x32xf32, #tpu.memory_space<vmem>>, vector<16xf32>,
      %slice3A_895 = vector.extract_strided_slice %get3A_750 {offsets = [6], sizes = [1], strides = [1]} : vector<16xf32> to vector<1xf32>
      %squeeze3A_896 = vector.extract %slice3A_895[0] : f32 from vector<1xf32>
      %mul3A_897 = vector.broadcast %squeeze3A_896 : f32 to vector<16xf32>
      %mul3A_898 = arith.mulf %get3A_889, %mul3A_897 : vector<16xf32>
      %mul3A_899 = vector.broadcast %squeeze3A_896 : f32 to vector<16xf32>
      %mul3A_900 = arith.mulf %get3A_894, %mul3A_899 : vector<16xf32>
      %add3A_901 = arith.addf %add3A_879, %mul3A_898 : vector<16xf32>
      %add3A_902 = arith.addf %add3A_880, %mul3A_900 : vector<16xf32>
      %mul3A_903 = arith.mulf %mul3A_898, %mul3A_898 : vector<16xf32>
      %add3A_904 = arith.addf %add3A_882, %mul3A_903 : vector<16xf32>
      %mul3A_905 = arith.mulf %mul3A_900, %mul3A_900 : vector<16xf32>
      %add3A_906 = arith.addf %add3A_884, %mul3A_905 : vector<16xf32>
      %add3A_907 = arith.constant 7 : i32
      %add3A_908 = arith.addi %mul3A_748, %add3A_907 : i32
      %get3A_909 = arith.index_cast %add3A_908 : i32 to index
      %get3A_910 = arith.constant 0 : index
      %get3A_911 = tpu.vector_load %arg11[%get3A_909, %get3A_910] {strides = array<i32>} : memref<3328x32xf32, #tpu.memory_space<vmem>>, vector<16xf32>,
      %add3A_912 = arith.constant 7 : i32
      %add3A_913 = arith.addi %mul3A_748, %add3A_912 : i32
      %get3A_914 = arith.index_cast %add3A_913 : i32 to index
      %get3A_915 = arith.constant 16 : index
      %get3A_916 = tpu.vector_load %arg11[%get3A_914, %get3A_915] {strides = array<i32>} : memref<3328x32xf32, #tpu.memory_space<vmem>>, vector<16xf32>,
      %slice3A_917 = vector.extract_strided_slice %get3A_750 {offsets = [7], sizes = [1], strides = [1]} : vector<16xf32> to vector<1xf32>
      %squeeze3A_918 = vector.extract %slice3A_917[0] : f32 from vector<1xf32>
      %mul3A_919 = vector.broadcast %squeeze3A_918 : f32 to vector<16xf32>
      %mul3A_920 = arith.mulf %get3A_911, %mul3A_919 : vector<16xf32>
      %mul3A_921 = vector.broadcast %squeeze3A_918 : f32 to vector<16xf32>
      %mul3A_922 = arith.mulf %get3A_916, %mul3A_921 : vector<16xf32>
      %add3A_923 = arith.addf %add3A_901, %mul3A_920 : vector<16xf32>
      %add3A_924 = arith.addf %add3A_902, %mul3A_922 : vector<16xf32>
      %mul3A_925 = arith.mulf %mul3A_920, %mul3A_920 : vector<16xf32>
      %add3A_926 = arith.addf %add3A_904, %mul3A_925 : vector<16xf32>
      %mul3A_927 = arith.mulf %mul3A_922, %mul3A_922 : vector<16xf32>
      %add3A_928 = arith.addf %add3A_906, %mul3A_927 : vector<16xf32>
      %add3A_929 = arith.constant 8 : i32
      %add3A_930 = arith.addi %mul3A_748, %add3A_929 : i32
      %get3A_931 = arith.index_cast %add3A_930 : i32 to index
      %get3A_932 = arith.constant 0 : index
      %get3A_933 = tpu.vector_load %arg11[%get3A_931, %get3A_932] {strides = array<i32>} : memref<3328x32xf32, #tpu.memory_space<vmem>>, vector<16xf32>,
      %add3A_934 = arith.constant 8 : i32
      %add3A_935 = arith.addi %mul3A_748, %add3A_934 : i32
      %get3A_936 = arith.index_cast %add3A_935 : i32 to index
      %get3A_937 = arith.constant 16 : index
      %get3A_938 = tpu.vector_load %arg11[%get3A_936, %get3A_937] {strides = array<i32>} : memref<3328x32xf32, #tpu.memory_space<vmem>>, vector<16xf32>,
      %slice3A_939 = vector.extract_strided_slice %get3A_750 {offsets = [8], sizes = [1], strides = [1]} : vector<16xf32> to vector<1xf32>
      %squeeze3A_940 = vector.extract %slice3A_939[0] : f32 from vector<1xf32>
      %mul3A_941 = vector.broadcast %squeeze3A_940 : f32 to vector<16xf32>
      %mul3A_942 = arith.mulf %get3A_933, %mul3A_941 : vector<16xf32>
      %mul3A_943 = vector.broadcast %squeeze3A_940 : f32 to vector<16xf32>
      %mul3A_944 = arith.mulf %get3A_938, %mul3A_943 : vector<16xf32>
      %add3A_945 = arith.addf %add3A_923, %mul3A_942 : vector<16xf32>
      %add3A_946 = arith.addf %add3A_924, %mul3A_944 : vector<16xf32>
      %mul3A_947 = arith.mulf %mul3A_942, %mul3A_942 : vector<16xf32>
      %add3A_948 = arith.addf %add3A_926, %mul3A_947 : vector<16xf32>
      %mul3A_949 = arith.mulf %mul3A_944, %mul3A_944 : vector<16xf32>
      %add3A_950 = arith.addf %add3A_928, %mul3A_949 : vector<16xf32>
      %add3A_951 = arith.constant 9 : i32
      %add3A_952 = arith.addi %mul3A_748, %add3A_951 : i32
      %get3A_953 = arith.index_cast %add3A_952 : i32 to index
      %get3A_954 = arith.constant 0 : index
      %get3A_955 = tpu.vector_load %arg11[%get3A_953, %get3A_954] {strides = array<i32>} : memref<3328x32xf32, #tpu.memory_space<vmem>>, vector<16xf32>,
      %add3A_956 = arith.constant 9 : i32
      %add3A_957 = arith.addi %mul3A_748, %add3A_956 : i32
      %get3A_958 = arith.index_cast %add3A_957 : i32 to index
      %get3A_959 = arith.constant 16 : index
      %get3A_960 = tpu.vector_load %arg11[%get3A_958, %get3A_959] {strides = array<i32>} : memref<3328x32xf32, #tpu.memory_space<vmem>>, vector<16xf32>,
      %slice3A_961 = vector.extract_strided_slice %get3A_750 {offsets = [9], sizes = [1], strides = [1]} : vector<16xf32> to vector<1xf32>
      %squeeze3A_962 = vector.extract %slice3A_961[0] : f32 from vector<1xf32>
      %mul3A_963 = vector.broadcast %squeeze3A_962 : f32 to vector<16xf32>
      %mul3A_964 = arith.mulf %get3A_955, %mul3A_963 : vector<16xf32>
      %mul3A_965 = vector.broadcast %squeeze3A_962 : f32 to vector<16xf32>
      %mul3A_966 = arith.mulf %get3A_960, %mul3A_965 : vector<16xf32>
      %add3A_967 = arith.addf %add3A_945, %mul3A_964 : vector<16xf32>
      %add3A_968 = arith.addf %add3A_946, %mul3A_966 : vector<16xf32>
      %mul3A_969 = arith.mulf %mul3A_964, %mul3A_964 : vector<16xf32>
      %add3A_970 = arith.addf %add3A_948, %mul3A_969 : vector<16xf32>
      %mul3A_971 = arith.mulf %mul3A_966, %mul3A_966 : vector<16xf32>
      %add3A_972 = arith.addf %add3A_950, %mul3A_971 : vector<16xf32>
      %add3A_973 = arith.constant 10 : i32
      %add3A_974 = arith.addi %mul3A_748, %add3A_973 : i32
      %get3A_975 = arith.index_cast %add3A_974 : i32 to index
      %get3A_976 = arith.constant 0 : index
      %get3A_977 = tpu.vector_load %arg11[%get3A_975, %get3A_976] {strides = array<i32>} : memref<3328x32xf32, #tpu.memory_space<vmem>>, vector<16xf32>,
      %add3A_978 = arith.constant 10 : i32
      %add3A_979 = arith.addi %mul3A_748, %add3A_978 : i32
      %get3A_980 = arith.index_cast %add3A_979 : i32 to index
      %get3A_981 = arith.constant 16 : index
      %get3A_982 = tpu.vector_load %arg11[%get3A_980, %get3A_981] {strides = array<i32>} : memref<3328x32xf32, #tpu.memory_space<vmem>>, vector<16xf32>,
      %slice3A_983 = vector.extract_strided_slice %get3A_750 {offsets = [10], sizes = [1], strides = [1]} : vector<16xf32> to vector<1xf32>
      %squeeze3A_984 = vector.extract %slice3A_983[0] : f32 from vector<1xf32>
      %mul3A_985 = vector.broadcast %squeeze3A_984 : f32 to vector<16xf32>
      %mul3A_986 = arith.mulf %get3A_977, %mul3A_985 : vector<16xf32>
      %mul3A_987 = vector.broadcast %squeeze3A_984 : f32 to vector<16xf32>
      %mul3A_988 = arith.mulf %get3A_982, %mul3A_987 : vector<16xf32>
      %add3A_989 = arith.addf %add3A_967, %mul3A_986 : vector<16xf32>
      %add3A_990 = arith.addf %add3A_968, %mul3A_988 : vector<16xf32>
      %mul3A_991 = arith.mulf %mul3A_986, %mul3A_986 : vector<16xf32>
      %add3A_992 = arith.addf %add3A_970, %mul3A_991 : vector<16xf32>
      %mul3A_993 = arith.mulf %mul3A_988, %mul3A_988 : vector<16xf32>
      %add3A_994 = arith.addf %add3A_972, %mul3A_993 : vector<16xf32>
      %add3A_995 = arith.constant 11 : i32
      %add3A_996 = arith.addi %mul3A_748, %add3A_995 : i32
      %get3A_997 = arith.index_cast %add3A_996 : i32 to index
      %get3A_998 = arith.constant 0 : index
      %get3A_999 = tpu.vector_load %arg11[%get3A_997, %get3A_998] {strides = array<i32>} : memref<3328x32xf32, #tpu.memory_space<vmem>>, vector<16xf32>,
      %add3A_1000 = arith.constant 11 : i32
      %add3A_1001 = arith.addi %mul3A_748, %add3A_1000 : i32
      %get3A_1002 = arith.index_cast %add3A_1001 : i32 to index
      %get3A_1003 = arith.constant 16 : index
      %get3A_1004 = tpu.vector_load %arg11[%get3A_1002, %get3A_1003] {strides = array<i32>} : memref<3328x32xf32, #tpu.memory_space<vmem>>, vector<16xf32>,
      %slice3A_1005 = vector.extract_strided_slice %get3A_750 {offsets = [11], sizes = [1], strides = [1]} : vector<16xf32> to vector<1xf32>
      %squeeze3A_1006 = vector.extract %slice3A_1005[0] : f32 from vector<1xf32>
      %mul3A_1007 = vector.broadcast %squeeze3A_1006 : f32 to vector<16xf32>
      %mul3A_1008 = arith.mulf %get3A_999, %mul3A_1007 : vector<16xf32>
      %mul3A_1009 = vector.broadcast %squeeze3A_1006 : f32 to vector<16xf32>
      %mul3A_1010 = arith.mulf %get3A_1004, %mul3A_1009 : vector<16xf32>
      %add3A_1011 = arith.addf %add3A_989, %mul3A_1008 : vector<16xf32>
      %add3A_1012 = arith.addf %add3A_990, %mul3A_1010 : vector<16xf32>
      %mul3A_1013 = arith.mulf %mul3A_1008, %mul3A_1008 : vector<16xf32>
      %add3A_1014 = arith.addf %add3A_992, %mul3A_1013 : vector<16xf32>
      %mul3A_1015 = arith.mulf %mul3A_1010, %mul3A_1010 : vector<16xf32>
      %add3A_1016 = arith.addf %add3A_994, %mul3A_1015 : vector<16xf32>
      %add3A_1017 = arith.constant 12 : i32
      %add3A_1018 = arith.addi %mul3A_748, %add3A_1017 : i32
      %get3A_1019 = arith.index_cast %add3A_1018 : i32 to index
      %get3A_1020 = arith.constant 0 : index
      %get3A_1021 = tpu.vector_load %arg11[%get3A_1019, %get3A_1020] {strides = array<i32>} : memref<3328x32xf32, #tpu.memory_space<vmem>>, vector<16xf32>,
      %add3A_1022 = arith.constant 12 : i32
      %add3A_1023 = arith.addi %mul3A_748, %add3A_1022 : i32
      %get3A_1024 = arith.index_cast %add3A_1023 : i32 to index
      %get3A_1025 = arith.constant 16 : index
      %get3A_1026 = tpu.vector_load %arg11[%get3A_1024, %get3A_1025] {strides = array<i32>} : memref<3328x32xf32, #tpu.memory_space<vmem>>, vector<16xf32>,
      %slice3A_1027 = vector.extract_strided_slice %get3A_750 {offsets = [12], sizes = [1], strides = [1]} : vector<16xf32> to vector<1xf32>
      %squeeze3A_1028 = vector.extract %slice3A_1027[0] : f32 from vector<1xf32>
      %mul3A_1029 = vector.broadcast %squeeze3A_1028 : f32 to vector<16xf32>
      %mul3A_1030 = arith.mulf %get3A_1021, %mul3A_1029 : vector<16xf32>
      %mul3A_1031 = vector.broadcast %squeeze3A_1028 : f32 to vector<16xf32>
      %mul3A_1032 = arith.mulf %get3A_1026, %mul3A_1031 : vector<16xf32>
      %add3A_1033 = arith.addf %add3A_1011, %mul3A_1030 : vector<16xf32>
      %add3A_1034 = arith.addf %add3A_1012, %mul3A_1032 : vector<16xf32>
      %mul3A_1035 = arith.mulf %mul3A_1030, %mul3A_1030 : vector<16xf32>
      %add3A_1036 = arith.addf %add3A_1014, %mul3A_1035 : vector<16xf32>
      %mul3A_1037 = arith.mulf %mul3A_1032, %mul3A_1032 : vector<16xf32>
      %add3A_1038 = arith.addf %add3A_1016, %mul3A_1037 : vector<16xf32>
      %add3A_1039 = arith.constant 13 : i32
      %add3A_1040 = arith.addi %mul3A_748, %add3A_1039 : i32
      %get3A_1041 = arith.index_cast %add3A_1040 : i32 to index
      %get3A_1042 = arith.constant 0 : index
      %get3A_1043 = tpu.vector_load %arg11[%get3A_1041, %get3A_1042] {strides = array<i32>} : memref<3328x32xf32, #tpu.memory_space<vmem>>, vector<16xf32>,
      %add3A_1044 = arith.constant 13 : i32
      %add3A_1045 = arith.addi %mul3A_748, %add3A_1044 : i32
      %get3A_1046 = arith.index_cast %add3A_1045 : i32 to index
      %get3A_1047 = arith.constant 16 : index
      %get3A_1048 = tpu.vector_load %arg11[%get3A_1046, %get3A_1047] {strides = array<i32>} : memref<3328x32xf32, #tpu.memory_space<vmem>>, vector<16xf32>,
      %slice3A_1049 = vector.extract_strided_slice %get3A_750 {offsets = [13], sizes = [1], strides = [1]} : vector<16xf32> to vector<1xf32>
      %squeeze3A_1050 = vector.extract %slice3A_1049[0] : f32 from vector<1xf32>
      %mul3A_1051 = vector.broadcast %squeeze3A_1050 : f32 to vector<16xf32>
      %mul3A_1052 = arith.mulf %get3A_1043, %mul3A_1051 : vector<16xf32>
      %mul3A_1053 = vector.broadcast %squeeze3A_1050 : f32 to vector<16xf32>
      %mul3A_1054 = arith.mulf %get3A_1048, %mul3A_1053 : vector<16xf32>
      %add3A_1055 = arith.addf %add3A_1033, %mul3A_1052 : vector<16xf32>
      %add3A_1056 = arith.addf %add3A_1034, %mul3A_1054 : vector<16xf32>
      %mul3A_1057 = arith.mulf %mul3A_1052, %mul3A_1052 : vector<16xf32>
      %add3A_1058 = arith.addf %add3A_1036, %mul3A_1057 : vector<16xf32>
      %mul3A_1059 = arith.mulf %mul3A_1054, %mul3A_1054 : vector<16xf32>
      %add3A_1060 = arith.addf %add3A_1038, %mul3A_1059 : vector<16xf32>
      %add3A_1061 = arith.constant 14 : i32
      %add3A_1062 = arith.addi %mul3A_748, %add3A_1061 : i32
      %get3A_1063 = arith.index_cast %add3A_1062 : i32 to index
      %get3A_1064 = arith.constant 0 : index
      %get3A_1065 = tpu.vector_load %arg11[%get3A_1063, %get3A_1064] {strides = array<i32>} : memref<3328x32xf32, #tpu.memory_space<vmem>>, vector<16xf32>,
      %add3A_1066 = arith.constant 14 : i32
      %add3A_1067 = arith.addi %mul3A_748, %add3A_1066 : i32
      %get3A_1068 = arith.index_cast %add3A_1067 : i32 to index
      %get3A_1069 = arith.constant 16 : index
      %get3A_1070 = tpu.vector_load %arg11[%get3A_1068, %get3A_1069] {strides = array<i32>} : memref<3328x32xf32, #tpu.memory_space<vmem>>, vector<16xf32>,
      %slice3A_1071 = vector.extract_strided_slice %get3A_750 {offsets = [14], sizes = [1], strides = [1]} : vector<16xf32> to vector<1xf32>
      %squeeze3A_1072 = vector.extract %slice3A_1071[0] : f32 from vector<1xf32>
      %mul3A_1073 = vector.broadcast %squeeze3A_1072 : f32 to vector<16xf32>
      %mul3A_1074 = arith.mulf %get3A_1065, %mul3A_1073 : vector<16xf32>
      %mul3A_1075 = vector.broadcast %squeeze3A_1072 : f32 to vector<16xf32>
      %mul3A_1076 = arith.mulf %get3A_1070, %mul3A_1075 : vector<16xf32>
      %add3A_1077 = arith.addf %add3A_1055, %mul3A_1074 : vector<16xf32>
      %add3A_1078 = arith.addf %add3A_1056, %mul3A_1076 : vector<16xf32>
      %mul3A_1079 = arith.mulf %mul3A_1074, %mul3A_1074 : vector<16xf32>
      %add3A_1080 = arith.addf %add3A_1058, %mul3A_1079 : vector<16xf32>
      %mul3A_1081 = arith.mulf %mul3A_1076, %mul3A_1076 : vector<16xf32>
      %add3A_1082 = arith.addf %add3A_1060, %mul3A_1081 : vector<16xf32>
      %add3A_1083 = arith.constant 15 : i32
      %add3A_1084 = arith.addi %mul3A_748, %add3A_1083 : i32
      %get3A_1085 = arith.index_cast %add3A_1084 : i32 to index
      %get3A_1086 = arith.constant 0 : index
      %get3A_1087 = tpu.vector_load %arg11[%get3A_1085, %get3A_1086] {strides = array<i32>} : memref<3328x32xf32, #tpu.memory_space<vmem>>, vector<16xf32>,
      %add3A_1088 = arith.constant 15 : i32
      %add3A_1089 = arith.addi %mul3A_748, %add3A_1088 : i32
      %get3A_1090 = arith.index_cast %add3A_1089 : i32 to index
      %get3A_1091 = arith.constant 16 : index
      %get3A_1092 = tpu.vector_load %arg11[%get3A_1090, %get3A_1091] {strides = array<i32>} : memref<3328x32xf32, #tpu.memory_space<vmem>>, vector<16xf32>,
      %slice3A_1093 = vector.extract_strided_slice %get3A_750 {offsets = [15], sizes = [1], strides = [1]} : vector<16xf32> to vector<1xf32>
      %squeeze3A_1094 = vector.extract %slice3A_1093[0] : f32 from vector<1xf32>
      %mul3A_1095 = vector.broadcast %squeeze3A_1094 : f32 to vector<16xf32>
      %mul3A_1096 = arith.mulf %get3A_1087, %mul3A_1095 : vector<16xf32>
      %mul3A_1097 = vector.broadcast %squeeze3A_1094 : f32 to vector<16xf32>
      %mul3A_1098 = arith.mulf %get3A_1092, %mul3A_1097 : vector<16xf32>
      %add3A_1099 = arith.addf %add3A_1077, %mul3A_1096 : vector<16xf32>
      %add3A_1100 = arith.addf %add3A_1078, %mul3A_1098 : vector<16xf32>
      %mul3A_1101 = arith.mulf %mul3A_1096, %mul3A_1096 : vector<16xf32>
      %add3A_1102 = arith.addf %add3A_1080, %mul3A_1101 : vector<16xf32>
      %mul3A_1103 = arith.mulf %mul3A_1098, %mul3A_1098 : vector<16xf32>
      %add3A_1104 = arith.addf %add3A_1082, %mul3A_1103 : vector<16xf32>
      %add3A_1105 = arith.constant 16 : i32
      %add3A_1106 = arith.addi %mul3A_748, %add3A_1105 : i32
      %get3A_1107 = arith.index_cast %add3A_1106 : i32 to index
      %get3A_1108 = arith.constant 0 : index
      %get3A_1109 = tpu.vector_load %arg11[%get3A_1107, %get3A_1108] {strides = array<i32>} : memref<3328x32xf32, #tpu.memory_space<vmem>>, vector<16xf32>,
      %add3A_1110 = arith.constant 16 : i32
      %add3A_1111 = arith.addi %mul3A_748, %add3A_1110 : i32
      %get3A_1112 = arith.index_cast %add3A_1111 : i32 to index
      %get3A_1113 = arith.constant 16 : index
      %get3A_1114 = tpu.vector_load %arg11[%get3A_1112, %get3A_1113] {strides = array<i32>} : memref<3328x32xf32, #tpu.memory_space<vmem>>, vector<16xf32>,
      %slice3A_1115 = vector.extract_strided_slice %get3A_754 {offsets = [0], sizes = [1], strides = [1]} : vector<16xf32> to vector<1xf32>
      %squeeze3A_1116 = vector.extract %slice3A_1115[0] : f32 from vector<1xf32>
      %mul3A_1117 = vector.broadcast %squeeze3A_1116 : f32 to vector<16xf32>
      %mul3A_1118 = arith.mulf %get3A_1109, %mul3A_1117 : vector<16xf32>
      %mul3A_1119 = vector.broadcast %squeeze3A_1116 : f32 to vector<16xf32>
      %mul3A_1120 = arith.mulf %get3A_1114, %mul3A_1119 : vector<16xf32>
      %add3A_1121 = arith.addf %add3A_1099, %mul3A_1118 : vector<16xf32>
      %add3A_1122 = arith.addf %add3A_1100, %mul3A_1120 : vector<16xf32>
      %mul3A_1123 = arith.mulf %mul3A_1118, %mul3A_1118 : vector<16xf32>
      %add3A_1124 = arith.addf %add3A_1102, %mul3A_1123 : vector<16xf32>
      %mul3A_1125 = arith.mulf %mul3A_1120, %mul3A_1120 : vector<16xf32>
      %add3A_1126 = arith.addf %add3A_1104, %mul3A_1125 : vector<16xf32>
      %add3A_1127 = arith.constant 17 : i32
      %add3A_1128 = arith.addi %mul3A_748, %add3A_1127 : i32
      %get3A_1129 = arith.index_cast %add3A_1128 : i32 to index
      %get3A_1130 = arith.constant 0 : index
      %get3A_1131 = tpu.vector_load %arg11[%get3A_1129, %get3A_1130] {strides = array<i32>} : memref<3328x32xf32, #tpu.memory_space<vmem>>, vector<16xf32>,
      %add3A_1132 = arith.constant 17 : i32
      %add3A_1133 = arith.addi %mul3A_748, %add3A_1132 : i32
      %get3A_1134 = arith.index_cast %add3A_1133 : i32 to index
      %get3A_1135 = arith.constant 16 : index
      %get3A_1136 = tpu.vector_load %arg11[%get3A_1134, %get3A_1135] {strides = array<i32>} : memref<3328x32xf32, #tpu.memory_space<vmem>>, vector<16xf32>,
      %slice3A_1137 = vector.extract_strided_slice %get3A_754 {offsets = [1], sizes = [1], strides = [1]} : vector<16xf32> to vector<1xf32>
      %squeeze3A_1138 = vector.extract %slice3A_1137[0] : f32 from vector<1xf32>
      %mul3A_1139 = vector.broadcast %squeeze3A_1138 : f32 to vector<16xf32>
      %mul3A_1140 = arith.mulf %get3A_1131, %mul3A_1139 : vector<16xf32>
      %mul3A_1141 = vector.broadcast %squeeze3A_1138 : f32 to vector<16xf32>
      %mul3A_1142 = arith.mulf %get3A_1136, %mul3A_1141 : vector<16xf32>
      %add3A_1143 = arith.addf %add3A_1121, %mul3A_1140 : vector<16xf32>
      %add3A_1144 = arith.addf %add3A_1122, %mul3A_1142 : vector<16xf32>
      %mul3A_1145 = arith.mulf %mul3A_1140, %mul3A_1140 : vector<16xf32>
      %add3A_1146 = arith.addf %add3A_1124, %mul3A_1145 : vector<16xf32>
      %mul3A_1147 = arith.mulf %mul3A_1142, %mul3A_1142 : vector<16xf32>
      %add3A_1148 = arith.addf %add3A_1126, %mul3A_1147 : vector<16xf32>
      %add3A_1149 = arith.constant 18 : i32
      %add3A_1150 = arith.addi %mul3A_748, %add3A_1149 : i32
      %get3A_1151 = arith.index_cast %add3A_1150 : i32 to index
      %get3A_1152 = arith.constant 0 : index
      %get3A_1153 = tpu.vector_load %arg11[%get3A_1151, %get3A_1152] {strides = array<i32>} : memref<3328x32xf32, #tpu.memory_space<vmem>>, vector<16xf32>,
      %add3A_1154 = arith.constant 18 : i32
      %add3A_1155 = arith.addi %mul3A_748, %add3A_1154 : i32
      %get3A_1156 = arith.index_cast %add3A_1155 : i32 to index
      %get3A_1157 = arith.constant 16 : index
      %get3A_1158 = tpu.vector_load %arg11[%get3A_1156, %get3A_1157] {strides = array<i32>} : memref<3328x32xf32, #tpu.memory_space<vmem>>, vector<16xf32>,
      %slice3A_1159 = vector.extract_strided_slice %get3A_754 {offsets = [2], sizes = [1], strides = [1]} : vector<16xf32> to vector<1xf32>
      %squeeze3A_1160 = vector.extract %slice3A_1159[0] : f32 from vector<1xf32>
      %mul3A_1161 = vector.broadcast %squeeze3A_1160 : f32 to vector<16xf32>
      %mul3A_1162 = arith.mulf %get3A_1153, %mul3A_1161 : vector<16xf32>
      %mul3A_1163 = vector.broadcast %squeeze3A_1160 : f32 to vector<16xf32>
      %mul3A_1164 = arith.mulf %get3A_1158, %mul3A_1163 : vector<16xf32>
      %add3A_1165 = arith.addf %add3A_1143, %mul3A_1162 : vector<16xf32>
      %add3A_1166 = arith.addf %add3A_1144, %mul3A_1164 : vector<16xf32>
      %mul3A_1167 = arith.mulf %mul3A_1162, %mul3A_1162 : vector<16xf32>
      %add3A_1168 = arith.addf %add3A_1146, %mul3A_1167 : vector<16xf32>
      %mul3A_1169 = arith.mulf %mul3A_1164, %mul3A_1164 : vector<16xf32>
      %add3A_1170 = arith.addf %add3A_1148, %mul3A_1169 : vector<16xf32>
      %add3A_1171 = arith.constant 19 : i32
      %add3A_1172 = arith.addi %mul3A_748, %add3A_1171 : i32
      %get3A_1173 = arith.index_cast %add3A_1172 : i32 to index
      %get3A_1174 = arith.constant 0 : index
      %get3A_1175 = tpu.vector_load %arg11[%get3A_1173, %get3A_1174] {strides = array<i32>} : memref<3328x32xf32, #tpu.memory_space<vmem>>, vector<16xf32>,
      %add3A_1176 = arith.constant 19 : i32
      %add3A_1177 = arith.addi %mul3A_748, %add3A_1176 : i32
      %get3A_1178 = arith.index_cast %add3A_1177 : i32 to index
      %get3A_1179 = arith.constant 16 : index
      %get3A_1180 = tpu.vector_load %arg11[%get3A_1178, %get3A_1179] {strides = array<i32>} : memref<3328x32xf32, #tpu.memory_space<vmem>>, vector<16xf32>,
      %slice3A_1181 = vector.extract_strided_slice %get3A_754 {offsets = [3], sizes = [1], strides = [1]} : vector<16xf32> to vector<1xf32>
      %squeeze3A_1182 = vector.extract %slice3A_1181[0] : f32 from vector<1xf32>
      %mul3A_1183 = vector.broadcast %squeeze3A_1182 : f32 to vector<16xf32>
      %mul3A_1184 = arith.mulf %get3A_1175, %mul3A_1183 : vector<16xf32>
      %mul3A_1185 = vector.broadcast %squeeze3A_1182 : f32 to vector<16xf32>
      %mul3A_1186 = arith.mulf %get3A_1180, %mul3A_1185 : vector<16xf32>
      %add3A_1187 = arith.addf %add3A_1165, %mul3A_1184 : vector<16xf32>
      %add3A_1188 = arith.addf %add3A_1166, %mul3A_1186 : vector<16xf32>
      %mul3A_1189 = arith.mulf %mul3A_1184, %mul3A_1184 : vector<16xf32>
      %add3A_1190 = arith.addf %add3A_1168, %mul3A_1189 : vector<16xf32>
      %mul3A_1191 = arith.mulf %mul3A_1186, %mul3A_1186 : vector<16xf32>
      %add3A_1192 = arith.addf %add3A_1170, %mul3A_1191 : vector<16xf32>
      %add3A_1193 = arith.constant 20 : i32
      %add3A_1194 = arith.addi %mul3A_748, %add3A_1193 : i32
      %get3A_1195 = arith.index_cast %add3A_1194 : i32 to index
      %get3A_1196 = arith.constant 0 : index
      %get3A_1197 = tpu.vector_load %arg11[%get3A_1195, %get3A_1196] {strides = array<i32>} : memref<3328x32xf32, #tpu.memory_space<vmem>>, vector<16xf32>,
      %add3A_1198 = arith.constant 20 : i32
      %add3A_1199 = arith.addi %mul3A_748, %add3A_1198 : i32
      %get3A_1200 = arith.index_cast %add3A_1199 : i32 to index
      %get3A_1201 = arith.constant 16 : index
      %get3A_1202 = tpu.vector_load %arg11[%get3A_1200, %get3A_1201] {strides = array<i32>} : memref<3328x32xf32, #tpu.memory_space<vmem>>, vector<16xf32>,
      %slice3A_1203 = vector.extract_strided_slice %get3A_754 {offsets = [4], sizes = [1], strides = [1]} : vector<16xf32> to vector<1xf32>
      %squeeze3A_1204 = vector.extract %slice3A_1203[0] : f32 from vector<1xf32>
      %mul3A_1205 = vector.broadcast %squeeze3A_1204 : f32 to vector<16xf32>
      %mul3A_1206 = arith.mulf %get3A_1197, %mul3A_1205 : vector<16xf32>
      %mul3A_1207 = vector.broadcast %squeeze3A_1204 : f32 to vector<16xf32>
      %mul3A_1208 = arith.mulf %get3A_1202, %mul3A_1207 : vector<16xf32>
      %add3A_1209 = arith.addf %add3A_1187, %mul3A_1206 : vector<16xf32>
      %add3A_1210 = arith.addf %add3A_1188, %mul3A_1208 : vector<16xf32>
      %mul3A_1211 = arith.mulf %mul3A_1206, %mul3A_1206 : vector<16xf32>
      %add3A_1212 = arith.addf %add3A_1190, %mul3A_1211 : vector<16xf32>
      %mul3A_1213 = arith.mulf %mul3A_1208, %mul3A_1208 : vector<16xf32>
      %add3A_1214 = arith.addf %add3A_1192, %mul3A_1213 : vector<16xf32>
      %add3A_1215 = arith.constant 21 : i32
      %add3A_1216 = arith.addi %mul3A_748, %add3A_1215 : i32
      %get3A_1217 = arith.index_cast %add3A_1216 : i32 to index
      %get3A_1218 = arith.constant 0 : index
      %get3A_1219 = tpu.vector_load %arg11[%get3A_1217, %get3A_1218] {strides = array<i32>} : memref<3328x32xf32, #tpu.memory_space<vmem>>, vector<16xf32>,
      %add3A_1220 = arith.constant 21 : i32
      %add3A_1221 = arith.addi %mul3A_748, %add3A_1220 : i32
      %get3A_1222 = arith.index_cast %add3A_1221 : i32 to index
      %get3A_1223 = arith.constant 16 : index
      %get3A_1224 = tpu.vector_load %arg11[%get3A_1222, %get3A_1223] {strides = array<i32>} : memref<3328x32xf32, #tpu.memory_space<vmem>>, vector<16xf32>,
      %slice3A_1225 = vector.extract_strided_slice %get3A_754 {offsets = [5], sizes = [1], strides = [1]} : vector<16xf32> to vector<1xf32>
      %squeeze3A_1226 = vector.extract %slice3A_1225[0] : f32 from vector<1xf32>
      %mul3A_1227 = vector.broadcast %squeeze3A_1226 : f32 to vector<16xf32>
      %mul3A_1228 = arith.mulf %get3A_1219, %mul3A_1227 : vector<16xf32>
      %mul3A_1229 = vector.broadcast %squeeze3A_1226 : f32 to vector<16xf32>
      %mul3A_1230 = arith.mulf %get3A_1224, %mul3A_1229 : vector<16xf32>
      %add3A_1231 = arith.addf %add3A_1209, %mul3A_1228 : vector<16xf32>
      %add3A_1232 = arith.addf %add3A_1210, %mul3A_1230 : vector<16xf32>
      %mul3A_1233 = arith.mulf %mul3A_1228, %mul3A_1228 : vector<16xf32>
      %add3A_1234 = arith.addf %add3A_1212, %mul3A_1233 : vector<16xf32>
      %mul3A_1235 = arith.mulf %mul3A_1230, %mul3A_1230 : vector<16xf32>
      %add3A_1236 = arith.addf %add3A_1214, %mul3A_1235 : vector<16xf32>
      %add3A_1237 = arith.constant 22 : i32
      %add3A_1238 = arith.addi %mul3A_748, %add3A_1237 : i32
      %get3A_1239 = arith.index_cast %add3A_1238 : i32 to index
      %get3A_1240 = arith.constant 0 : index
      %get3A_1241 = tpu.vector_load %arg11[%get3A_1239, %get3A_1240] {strides = array<i32>} : memref<3328x32xf32, #tpu.memory_space<vmem>>, vector<16xf32>,
      %add3A_1242 = arith.constant 22 : i32
      %add3A_1243 = arith.addi %mul3A_748, %add3A_1242 : i32
      %get3A_1244 = arith.index_cast %add3A_1243 : i32 to index
      %get3A_1245 = arith.constant 16 : index
      %get3A_1246 = tpu.vector_load %arg11[%get3A_1244, %get3A_1245] {strides = array<i32>} : memref<3328x32xf32, #tpu.memory_space<vmem>>, vector<16xf32>,
      %slice3A_1247 = vector.extract_strided_slice %get3A_754 {offsets = [6], sizes = [1], strides = [1]} : vector<16xf32> to vector<1xf32>
      %squeeze3A_1248 = vector.extract %slice3A_1247[0] : f32 from vector<1xf32>
      %mul3A_1249 = vector.broadcast %squeeze3A_1248 : f32 to vector<16xf32>
      %mul3A_1250 = arith.mulf %get3A_1241, %mul3A_1249 : vector<16xf32>
      %mul3A_1251 = vector.broadcast %squeeze3A_1248 : f32 to vector<16xf32>
      %mul3A_1252 = arith.mulf %get3A_1246, %mul3A_1251 : vector<16xf32>
      %add3A_1253 = arith.addf %add3A_1231, %mul3A_1250 : vector<16xf32>
      %add3A_1254 = arith.addf %add3A_1232, %mul3A_1252 : vector<16xf32>
      %mul3A_1255 = arith.mulf %mul3A_1250, %mul3A_1250 : vector<16xf32>
      %add3A_1256 = arith.addf %add3A_1234, %mul3A_1255 : vector<16xf32>
      %mul3A_1257 = arith.mulf %mul3A_1252, %mul3A_1252 : vector<16xf32>
      %add3A_1258 = arith.addf %add3A_1236, %mul3A_1257 : vector<16xf32>
      %add3A_1259 = arith.constant 23 : i32
      %add3A_1260 = arith.addi %mul3A_748, %add3A_1259 : i32
      %get3A_1261 = arith.index_cast %add3A_1260 : i32 to index
      %get3A_1262 = arith.constant 0 : index
      %get3A_1263 = tpu.vector_load %arg11[%get3A_1261, %get3A_1262] {strides = array<i32>} : memref<3328x32xf32, #tpu.memory_space<vmem>>, vector<16xf32>,
      %add3A_1264 = arith.constant 23 : i32
      %add3A_1265 = arith.addi %mul3A_748, %add3A_1264 : i32
      %get3A_1266 = arith.index_cast %add3A_1265 : i32 to index
      %get3A_1267 = arith.constant 16 : index
      %get3A_1268 = tpu.vector_load %arg11[%get3A_1266, %get3A_1267] {strides = array<i32>} : memref<3328x32xf32, #tpu.memory_space<vmem>>, vector<16xf32>,
      %slice3A_1269 = vector.extract_strided_slice %get3A_754 {offsets = [7], sizes = [1], strides = [1]} : vector<16xf32> to vector<1xf32>
      %squeeze3A_1270 = vector.extract %slice3A_1269[0] : f32 from vector<1xf32>
      %mul3A_1271 = vector.broadcast %squeeze3A_1270 : f32 to vector<16xf32>
      %mul3A_1272 = arith.mulf %get3A_1263, %mul3A_1271 : vector<16xf32>
      %mul3A_1273 = vector.broadcast %squeeze3A_1270 : f32 to vector<16xf32>
      %mul3A_1274 = arith.mulf %get3A_1268, %mul3A_1273 : vector<16xf32>
      %add3A_1275 = arith.addf %add3A_1253, %mul3A_1272 : vector<16xf32>
      %add3A_1276 = arith.addf %add3A_1254, %mul3A_1274 : vector<16xf32>
      %mul3A_1277 = arith.mulf %mul3A_1272, %mul3A_1272 : vector<16xf32>
      %add3A_1278 = arith.addf %add3A_1256, %mul3A_1277 : vector<16xf32>
      %mul3A_1279 = arith.mulf %mul3A_1274, %mul3A_1274 : vector<16xf32>
      %add3A_1280 = arith.addf %add3A_1258, %mul3A_1279 : vector<16xf32>
      %add3A_1281 = arith.constant 24 : i32
      %add3A_1282 = arith.addi %mul3A_748, %add3A_1281 : i32
      %get3A_1283 = arith.index_cast %add3A_1282 : i32 to index
      %get3A_1284 = arith.constant 0 : index
      %get3A_1285 = tpu.vector_load %arg11[%get3A_1283, %get3A_1284] {strides = array<i32>} : memref<3328x32xf32, #tpu.memory_space<vmem>>, vector<16xf32>,
      %add3A_1286 = arith.constant 24 : i32
      %add3A_1287 = arith.addi %mul3A_748, %add3A_1286 : i32
      %get3A_1288 = arith.index_cast %add3A_1287 : i32 to index
      %get3A_1289 = arith.constant 16 : index
      %get3A_1290 = tpu.vector_load %arg11[%get3A_1288, %get3A_1289] {strides = array<i32>} : memref<3328x32xf32, #tpu.memory_space<vmem>>, vector<16xf32>,
      %slice3A_1291 = vector.extract_strided_slice %get3A_754 {offsets = [8], sizes = [1], strides = [1]} : vector<16xf32> to vector<1xf32>
      %squeeze3A_1292 = vector.extract %slice3A_1291[0] : f32 from vector<1xf32>
      %mul3A_1293 = vector.broadcast %squeeze3A_1292 : f32 to vector<16xf32>
      %mul3A_1294 = arith.mulf %get3A_1285, %mul3A_1293 : vector<16xf32>
      %mul3A_1295 = vector.broadcast %squeeze3A_1292 : f32 to vector<16xf32>
      %mul3A_1296 = arith.mulf %get3A_1290, %mul3A_1295 : vector<16xf32>
      %add3A_1297 = arith.addf %add3A_1275, %mul3A_1294 : vector<16xf32>
      %add3A_1298 = arith.addf %add3A_1276, %mul3A_1296 : vector<16xf32>
      %mul3A_1299 = arith.mulf %mul3A_1294, %mul3A_1294 : vector<16xf32>
      %add3A_1300 = arith.addf %add3A_1278, %mul3A_1299 : vector<16xf32>
      %mul3A_1301 = arith.mulf %mul3A_1296, %mul3A_1296 : vector<16xf32>
      %add3A_1302 = arith.addf %add3A_1280, %mul3A_1301 : vector<16xf32>
      %add3A_1303 = arith.constant 25 : i32
      %add3A_1304 = arith.addi %mul3A_748, %add3A_1303 : i32
      %get3A_1305 = arith.index_cast %add3A_1304 : i32 to index
      %get3A_1306 = arith.constant 0 : index
      %get3A_1307 = tpu.vector_load %arg11[%get3A_1305, %get3A_1306] {strides = array<i32>} : memref<3328x32xf32, #tpu.memory_space<vmem>>, vector<16xf32>,
      %add3A_1308 = arith.constant 25 : i32
      %add3A_1309 = arith.addi %mul3A_748, %add3A_1308 : i32
      %get3A_1310 = arith.index_cast %add3A_1309 : i32 to index
      %get3A_1311 = arith.constant 16 : index
      %get3A_1312 = tpu.vector_load %arg11[%get3A_1310, %get3A_1311] {strides = array<i32>} : memref<3328x32xf32, #tpu.memory_space<vmem>>, vector<16xf32>,
      %slice3A_1313 = vector.extract_strided_slice %get3A_754 {offsets = [9], sizes = [1], strides = [1]} : vector<16xf32> to vector<1xf32>
      %squeeze3A_1314 = vector.extract %slice3A_1313[0] : f32 from vector<1xf32>
      %mul3A_1315 = vector.broadcast %squeeze3A_1314 : f32 to vector<16xf32>
      %mul3A_1316 = arith.mulf %get3A_1307, %mul3A_1315 : vector<16xf32>
      %mul3A_1317 = vector.broadcast %squeeze3A_1314 : f32 to vector<16xf32>
      %mul3A_1318 = arith.mulf %get3A_1312, %mul3A_1317 : vector<16xf32>
      %add3A_1319 = arith.addf %add3A_1297, %mul3A_1316 : vector<16xf32>
      %add3A_1320 = arith.addf %add3A_1298, %mul3A_1318 : vector<16xf32>
      %mul3A_1321 = arith.mulf %mul3A_1316, %mul3A_1316 : vector<16xf32>
      %add3A_1322 = arith.addf %add3A_1300, %mul3A_1321 : vector<16xf32>
      %mul3A_1323 = arith.mulf %mul3A_1318, %mul3A_1318 : vector<16xf32>
      %add3A_1324 = arith.addf %add3A_1302, %mul3A_1323 : vector<16xf32>
      %mul3A_1325 = arith.mulf %add3A_1319, %add3A_1319 : vector<16xf32>
      %mul3A_1326 = arith.mulf %add3A_1320, %add3A_1320 : vector<16xf32>
      %add3A_1327 = arith.addf %mul3A_1325, %mul3A_1326 : vector<16xf32>
      %sub3A = arith.subf %add3A_1327, %add3A_1322 : vector<16xf32>
      %sub3A_1328 = arith.subf %sub3A, %add3A_1324 : vector<16xf32>
      %mul3A_1329 = arith.constant 5.000000e-01 : f32
      %mul3A_1330 = vector.broadcast %mul3A_1329 : f32 to vector<16xf32>
      %mul3A_1331 = arith.mulf %sub3A_1328, %mul3A_1330 : vector<16xf32>
      %add3A_1332 = vector.broadcast %mul3A_748 : i32 to vector<16xi32>
      %add3A_1333 = arith.addi %add3A_1332, %iota3A : vector<16xi32>
      %add3A_1334 = arith.constant 16 : i32
      %add3A_1335 = vector.broadcast %add3A_1334 : i32 to vector<16xi32>
      %add3A_1336 = arith.addi %add3A_1333, %add3A_1335 : vector<16xi32>
      %gather3A = tpu.vector_load_idx %arg9[%add3A_1333] : memref<3344xf32, #tpu.memory_space<vmem>>[vector<16xi32>], vector<16xf32>,
      %gather3A_1337 = tpu.vector_load_idx %arg10[%add3A_1333] : memref<3344xf32, #tpu.memory_space<vmem>>[vector<16xi32>], vector<16xf32>,
      %mul3A_1338 = arith.mulf %gather3A, %gather3A_1337 : vector<16xf32>
      %gather3A_1339 = tpu.vector_load_idx %arg9[%add3A_1336] : memref<3344xf32, #tpu.memory_space<vmem>>[vector<16xi32>], vector<16xf32>,
      %gather3A_1340 = tpu.vector_load_idx %arg10[%add3A_1336] : memref<3344xf32, #tpu.memory_space<vmem>>[vector<16xi32>], vector<16xf32>,
      %mul3A_1341 = arith.mulf %gather3A_1339, %gather3A_1340 : vector<16xf32>
      %add3A_1342 = arith.addf %mul3A_1331, %mul3A_1338 : vector<16xf32>
      %jit3A = arith.constant 0.000000e+00 : f32
      %broadcast_in_dim3A_1343 = vector.broadcast %jit3A : f32 to vector<16xf32>
      %select_n3A = arith.select %lt3A_730, %mul3A_1341, %broadcast_in_dim3A_1343 : vector<16xi1>, vector<16xf32>
      %add3A_1344 = arith.addf %add3A_1342, %select_n3A : vector<16xf32>
      %swap3A = arith.index_cast %scan3A_746 : i32 to index
      %swap3A_1345 = arith.constant 0 : index
      %swap3A_1346 = tpu.vector_load %arg12[%swap3A, %swap3A_1345] {strides = array<i32>} : memref<128x16xf32, #tpu.memory_space<vmem>>, vector<16xf32>,
      tpu.vector_store %arg12[%swap3A, %swap3A_1345], %add3A_1344 {strides = array<i32>} : memref<128x16xf32, #tpu.memory_space<vmem>>, vector<16xf32>,
    }
    %scan3A_736 = arith.constant 128 : i32
    %get3A = arith.constant 0 : index
    %get3A_737 = tpu.vector_load %arg14[%get3A] {strides = array<i32>} : memref<16xf32, #tpu.memory_space<vmem>>, vector<16xf32>,
    %scan3A_738 = arith.constant 0 : i32
    %scan3A_739 = arith.constant 0 : i32
    %scan3A_740 = arith.constant 8 : i32
    %scan3A_741 = arith.addi %scan3A_739, %scan3A_740 : i32
    %scan3A_742 = arith.constant 1 : i32
    scf.for %scan3A_746 = %scan3A_739 to %scan3A_741 step %scan3A_742  : i32 {
      %mul3A_747 = arith.constant 16 : i32
      %mul3A_748 = arith.muli %scan3A_746, %mul3A_747 : i32
      %add3A_749 = vector.broadcast %mul3A_748 : i32 to vector<16xi32>
      %add3A_750 = arith.addi %add3A_749, %iota3A : vector<16xi32>
      %broadcast_in_dim3A_751 = arith.constant 0 : i32
      %broadcast_in_dim3A_752 = vector.broadcast %broadcast_in_dim3A_751 : i32 to vector<16xi32>
      %gather3A = tpu.vector_load_idx %arg12[%add3A_750, %broadcast_in_dim3A_752] : memref<128x16xf32, #tpu.memory_space<vmem>>[vector<16xi32>, vector<16xi32>], vector<16xf32>,
      %add3A_753 = arith.addf %broadcast_in_dim3A_731, %gather3A : vector<16xf32>
      %broadcast_in_dim3A_754 = arith.constant 1 : i32
      %broadcast_in_dim3A_755 = vector.broadcast %broadcast_in_dim3A_754 : i32 to vector<16xi32>
      %gather3A_756 = tpu.vector_load_idx %arg12[%add3A_750, %broadcast_in_dim3A_755] : memref<128x16xf32, #tpu.memory_space<vmem>>[vector<16xi32>, vector<16xi32>], vector<16xf32>,
      %add3A_757 = arith.addf %add3A_753, %gather3A_756 : vector<16xf32>
      %broadcast_in_dim3A_758 = arith.constant 2 : i32
      %broadcast_in_dim3A_759 = vector.broadcast %broadcast_in_dim3A_758 : i32 to vector<16xi32>
      %gather3A_760 = tpu.vector_load_idx %arg12[%add3A_750, %broadcast_in_dim3A_759] : memref<128x16xf32, #tpu.memory_space<vmem>>[vector<16xi32>, vector<16xi32>], vector<16xf32>,
      %add3A_761 = arith.addf %add3A_757, %gather3A_760 : vector<16xf32>
      %broadcast_in_dim3A_762 = arith.constant 3 : i32
      %broadcast_in_dim3A_763 = vector.broadcast %broadcast_in_dim3A_762 : i32 to vector<16xi32>
      %gather3A_764 = tpu.vector_load_idx %arg12[%add3A_750, %broadcast_in_dim3A_763] : memref<128x16xf32, #tpu.memory_space<vmem>>[vector<16xi32>, vector<16xi32>], vector<16xf32>,
      %add3A_765 = arith.addf %add3A_761, %gather3A_764 : vector<16xf32>
      %broadcast_in_dim3A_766 = arith.constant 4 : i32
      %broadcast_in_dim3A_767 = vector.broadcast %broadcast_in_dim3A_766 : i32 to vector<16xi32>
      %gather3A_768 = tpu.vector_load_idx %arg12[%add3A_750, %broadcast_in_dim3A_767] : memref<128x16xf32, #tpu.memory_space<vmem>>[vector<16xi32>, vector<16xi32>], vector<16xf32>,
      %add3A_769 = arith.addf %add3A_765, %gather3A_768 : vector<16xf32>
      %broadcast_in_dim3A_770 = arith.constant 5 : i32
      %broadcast_in_dim3A_771 = vector.broadcast %broadcast_in_dim3A_770 : i32 to vector<16xi32>
      %gather3A_772 = tpu.vector_load_idx %arg12[%add3A_750, %broadcast_in_dim3A_771] : memref<128x16xf32, #tpu.memory_space<vmem>>[vector<16xi32>, vector<16xi32>], vector<16xf32>,
      %add3A_773 = arith.addf %add3A_769, %gather3A_772 : vector<16xf32>
      %broadcast_in_dim3A_774 = arith.constant 6 : i32
      %broadcast_in_dim3A_775 = vector.broadcast %broadcast_in_dim3A_774 : i32 to vector<16xi32>
      %gather3A_776 = tpu.vector_load_idx %arg12[%add3A_750, %broadcast_in_dim3A_775] : memref<128x16xf32, #tpu.memory_space<vmem>>[vector<16xi32>, vector<16xi32>], vector<16xf32>,
      %add3A_777 = arith.addf %add3A_773, %gather3A_776 : vector<16xf32>
      %broadcast_in_dim3A_778 = arith.constant 7 : i32
      %broadcast_in_dim3A_779 = vector.broadcast %broadcast_in_dim3A_778 : i32 to vector<16xi32>
      %gather3A_780 = tpu.vector_load_idx %arg12[%add3A_750, %broadcast_in_dim3A_779] : memref<128x16xf32, #tpu.memory_space<vmem>>[vector<16xi32>, vector<16xi32>], vector<16xf32>,
      %add3A_781 = arith.addf %add3A_777, %gather3A_780 : vector<16xf32>
      %broadcast_in_dim3A_782 = arith.constant 8 : i32
      %broadcast_in_dim3A_783 = vector.broadcast %broadcast_in_dim3A_782 : i32 to vector<16xi32>
      %gather3A_784 = tpu.vector_load_idx %arg12[%add3A_750, %broadcast_in_dim3A_783] : memref<128x16xf32, #tpu.memory_space<vmem>>[vector<16xi32>, vector<16xi32>], vector<16xf32>,
      %add3A_785 = arith.addf %add3A_781, %gather3A_784 : vector<16xf32>
      %broadcast_in_dim3A_786 = arith.constant 9 : i32
      %broadcast_in_dim3A_787 = vector.broadcast %broadcast_in_dim3A_786 : i32 to vector<16xi32>
      %gather3A_788 = tpu.vector_load_idx %arg12[%add3A_750, %broadcast_in_dim3A_787] : memref<128x16xf32, #tpu.memory_space<vmem>>[vector<16xi32>, vector<16xi32>], vector<16xf32>,
      %add3A_789 = arith.addf %add3A_785, %gather3A_788 : vector<16xf32>
      %broadcast_in_dim3A_790 = arith.constant 10 : i32
      %broadcast_in_dim3A_791 = vector.broadcast %broadcast_in_dim3A_790 : i32 to vector<16xi32>
      %gather3A_792 = tpu.vector_load_idx %arg12[%add3A_750, %broadcast_in_dim3A_791] : memref<128x16xf32, #tpu.memory_space<vmem>>[vector<16xi32>, vector<16xi32>], vector<16xf32>,
      %add3A_793 = arith.addf %add3A_789, %gather3A_792 : vector<16xf32>
      %broadcast_in_dim3A_794 = arith.constant 11 : i32
      %broadcast_in_dim3A_795 = vector.broadcast %broadcast_in_dim3A_794 : i32 to vector<16xi32>
      %gather3A_796 = tpu.vector_load_idx %arg12[%add3A_750, %broadcast_in_dim3A_795] : memref<128x16xf32, #tpu.memory_space<vmem>>[vector<16xi32>, vector<16xi32>], vector<16xf32>,
      %add3A_797 = arith.addf %add3A_793, %gather3A_796 : vector<16xf32>
      %broadcast_in_dim3A_798 = arith.constant 12 : i32
      %broadcast_in_dim3A_799 = vector.broadcast %broadcast_in_dim3A_798 : i32 to vector<16xi32>
      %gather3A_800 = tpu.vector_load_idx %arg12[%add3A_750, %broadcast_in_dim3A_799] : memref<128x16xf32, #tpu.memory_space<vmem>>[vector<16xi32>, vector<16xi32>], vector<16xf32>,
      %add3A_801 = arith.addf %add3A_797, %gather3A_800 : vector<16xf32>
      %broadcast_in_dim3A_802 = arith.constant 13 : i32
      %broadcast_in_dim3A_803 = vector.broadcast %broadcast_in_dim3A_802 : i32 to vector<16xi32>
      %gather3A_804 = tpu.vector_load_idx %arg12[%add3A_750, %broadcast_in_dim3A_803] : memref<128x16xf32, #tpu.memory_space<vmem>>[vector<16xi32>, vector<16xi32>], vector<16xf32>,
      %add3A_805 = arith.addf %add3A_801, %gather3A_804 : vector<16xf32>
      %broadcast_in_dim3A_806 = arith.constant 14 : i32
      %broadcast_in_dim3A_807 = vector.broadcast %broadcast_in_dim3A_806 : i32 to vector<16xi32>
      %gather3A_808 = tpu.vector_load_idx %arg12[%add3A_750, %broadcast_in_dim3A_807] : memref<128x16xf32, #tpu.memory_space<vmem>>[vector<16xi32>, vector<16xi32>], vector<16xf32>,
      %add3A_809 = arith.addf %add3A_805, %gather3A_808 : vector<16xf32>
      %broadcast_in_dim3A_810 = arith.constant 15 : i32
      %broadcast_in_dim3A_811 = vector.broadcast %broadcast_in_dim3A_810 : i32 to vector<16xi32>
      %gather3A_812 = tpu.vector_load_idx %arg12[%add3A_750, %broadcast_in_dim3A_811] : memref<128x16xf32, #tpu.memory_space<vmem>>[vector<16xi32>, vector<16xi32>], vector<16xf32>,
      %add3A_813 = arith.addf %add3A_809, %gather3A_812 : vector<16xf32>
      %add3A_814 = arith.addf %add3A_813, %get3A_737 : vector<16xf32>
      %neg3A = arith.constant 0.000000e+00 : f32
      %neg3A_815 = vector.broadcast %neg3A : f32 to vector<16xf32>
      %neg3A_816 = arith.subf %neg3A_815, %add3A_814 : vector<16xf32>
      %exp3A = math.exp %neg3A_816 : vector<16xf32>
      %add3A_817 = arith.constant 1.000000e+00 : f32
      %add3A_818 = vector.broadcast %add3A_817 : f32 to vector<16xf32>
      %add3A_819 = arith.addf %add3A_818, %exp3A : vector<16xf32>
      %div3A = arith.constant 1.000000e+00 : f32
      %div3A_820 = vector.broadcast %div3A : f32 to vector<16xf32>
      %div3A_821 = arith.divf %div3A_820, %add3A_819 : vector<16xf32>
      %mul3A_822 = arith.constant 16 : i32
      %mul3A_823 = arith.muli %scan3A_746, %mul3A_822 : i32
      %swap3A = arith.index_cast %mul3A_823 : i32 to index
      %swap3A_824 = tpu.vector_load %arg13[%swap3A] {strides = array<i32>} : memref<128xf32, #tpu.memory_space<vmem>>, vector<16xf32>,
      tpu.vector_store %arg13[%swap3A], %div3A_821 {strides = array<i32>} : memref<128xf32, #tpu.memory_space<vmem>>, vector<16xf32>,
    }
    %scan3A_743 = arith.constant 8 : i32
    %mul3A_744 = arith.constant 128 : i32
    %mul3A_745 = arith.muli %add3A, %mul3A_744 : i32
    "tpu.region"() ({
      %run_scoped3A = tpu.sem_alloc : memref<!tpu.dma_semaphore, #tpu.memory_space<semaphore_mem>>
      %dma_start3A_746 = tpu.memref_slice %arg7[%mul3A_745] : memref<4096xf32, #tpu.memory_space<hbm>> -> memref<128xf32, #tpu.memory_space<hbm>>
      %dma_start3A_747 = tpu.memref_slice %arg7[%mul3A_745] : memref<4096xf32, #tpu.memory_space<hbm>> -> memref<128xf32, #tpu.memory_space<hbm>>
      tpu.enqueue_dma source(%arg13 : memref<128xf32, #tpu.memory_space<vmem>>) target(%dma_start3A_747 : memref<128xf32, #tpu.memory_space<hbm>>) target_semaphore(%run_scoped3A : memref<!tpu.dma_semaphore, #tpu.memory_space<semaphore_mem>>)
      %dma_wait3A_748 = tpu.memref_slice %arg7[%mul3A_745] : memref<4096xf32, #tpu.memory_space<hbm>> -> memref<128xf32, #tpu.memory_space<hbm>>
      %dma_wait3A_749 = tpu.memref_slice %arg7[%mul3A_745] : memref<4096xf32, #tpu.memory_space<hbm>> -> memref<128xf32, #tpu.memory_space<hbm>>
      tpu.wait_dma2 semaphore(%run_scoped3A : memref<!tpu.dma_semaphore, #tpu.memory_space<semaphore_mem>>) src(%arg13 : memref<128xf32, #tpu.memory_space<vmem>>) dst(%dma_wait3A_749 : memref<128xf32, #tpu.memory_space<hbm>>)
      tpu.yield
    }) : () -> ()
    return
  }
}

module attributes {stable_mosaic.version = 14 : i64} {
  func.func @_transpose_body(%arg0: i32, %arg1: memref<32x8192xf32, #tpu.memory_space<vmem>>, %arg2: memref<2048x128xf32, #tpu.memory_space<vmem>>) attributes {dimension_semantics = [#tpu.dimension_semantics<arbitrary>], iteration_bounds = array<i64: 13>, scalar_prefetch = 0 : i64, scratch_operands = 0 : i64, tpu.core_type = #tpu.core_type<tc>, window_params = [{transform_indices = @transform_0, window_bounds = array<i64: 32, 8192>}, {transform_indices = @transform_1, window_bounds = array<i64: 2048, 128>}]} {
    %get3A = arith.constant 0 : index
    %get3A_0 = arith.constant 0 : index
    %get3A_1 = vector.load %arg1[%get3A, %get3A_0] : memref<32x8192xf32, #tpu.memory_space<vmem>>, vector<32x8192xf32>
    %transpose3A = tpu.transpose %get3A_1, [1, 0] : vector<32x8192xf32> -> vector<8192x32xf32>
    %reshape3A = vector.shape_cast %transpose3A : vector<8192x32xf32> to vector<2048x4x32xf32>
    %slice3A = vector.extract_strided_slice %reshape3A {offsets = [0, 0, 0], sizes = [2048, 1, 32], strides = [1, 1, 1]} : vector<2048x4x32xf32> to vector<2048x1x32xf32>
    %squeeze3A = vector.shape_cast %slice3A : vector<2048x1x32xf32> to vector<2048x32xf32>
    %swap3A = arith.constant 0 : index
    %swap3A_2 = arith.constant 0 : index
    %swap3A_3 = vector.load %arg2[%swap3A, %swap3A_2] : memref<2048x128xf32, #tpu.memory_space<vmem>>, vector<2048x32xf32>
    tpu.vector_store %arg2[%swap3A, %swap3A_2], %squeeze3A {strides = array<i32>} : memref<2048x128xf32, #tpu.memory_space<vmem>>, vector<2048x32xf32>,
    %slice3A_4 = vector.extract_strided_slice %reshape3A {offsets = [0, 1, 0], sizes = [2048, 1, 32], strides = [1, 1, 1]} : vector<2048x4x32xf32> to vector<2048x1x32xf32>
    %squeeze3A_5 = vector.shape_cast %slice3A_4 : vector<2048x1x32xf32> to vector<2048x32xf32>
    %swap3A_6 = arith.constant 0 : index
    %swap3A_7 = arith.constant 32 : index
    %swap3A_8 = vector.load %arg2[%swap3A_6, %swap3A_7] : memref<2048x128xf32, #tpu.memory_space<vmem>>, vector<2048x32xf32>
    tpu.vector_store %arg2[%swap3A_6, %swap3A_7], %squeeze3A_5 {strides = array<i32>} : memref<2048x128xf32, #tpu.memory_space<vmem>>, vector<2048x32xf32>,
    %slice3A_9 = vector.extract_strided_slice %reshape3A {offsets = [0, 2, 0], sizes = [2048, 1, 32], strides = [1, 1, 1]} : vector<2048x4x32xf32> to vector<2048x1x32xf32>
    %squeeze3A_10 = vector.shape_cast %slice3A_9 : vector<2048x1x32xf32> to vector<2048x32xf32>
    %swap3A_11 = arith.constant 0 : index
    %swap3A_12 = arith.constant 64 : index
    %swap3A_13 = vector.load %arg2[%swap3A_11, %swap3A_12] : memref<2048x128xf32, #tpu.memory_space<vmem>>, vector<2048x32xf32>
    tpu.vector_store %arg2[%swap3A_11, %swap3A_12], %squeeze3A_10 {strides = array<i32>} : memref<2048x128xf32, #tpu.memory_space<vmem>>, vector<2048x32xf32>,
    %slice3A_14 = vector.extract_strided_slice %reshape3A {offsets = [0, 3, 0], sizes = [2048, 1, 32], strides = [1, 1, 1]} : vector<2048x4x32xf32> to vector<2048x1x32xf32>
    %squeeze3A_15 = vector.shape_cast %slice3A_14 : vector<2048x1x32xf32> to vector<2048x32xf32>
    %swap3A_16 = arith.constant 0 : index
    %swap3A_17 = arith.constant 96 : index
    %swap3A_18 = vector.load %arg2[%swap3A_16, %swap3A_17] : memref<2048x128xf32, #tpu.memory_space<vmem>>, vector<2048x32xf32>
    tpu.vector_store %arg2[%swap3A_16, %swap3A_17], %squeeze3A_15 {strides = array<i32>} : memref<2048x128xf32, #tpu.memory_space<vmem>>, vector<2048x32xf32>,
    return
  }
  func.func @transform_0(%arg0: i32) -> (i32, i32) {
    %c0_i32 = arith.constant 0 : i32
    %c0_i32_0 = arith.constant 0 : i32
    return %c0_i32, %arg0 : i32, i32
  }
  func.func @transform_1(%arg0: i32) -> (i32, i32) {
    %c0_i32 = arith.constant 0 : i32
    %c0_i32_0 = arith.constant 0 : i32
    return %arg0, %c0_i32 : i32, i32
  }
}

</mosaic_0001>

<sc_bundles>
// kernel: kernel.4.cloned.1.call-start
scs
__scs_entry_jumppad:
0x0: {  	(pc) =	sbr.rel $0x88, $3  }
0x1: {  	(tag) =	ssettag $0x0;
	lr =	simm.s32 $0x1  }
0x2: {  	[smem:$0x3F9C] =	sst lr;
	_ =	strace $0xD0000000  }
0x3: {  	_ = 	snop  }
0x4: {  	_ = 	snop  }
0x5: {  	_ = 	snop  }
0x6: {  	_ = 	snop  }
0x7: {  	_ = 	snop  }
__scs_overlays_trampoline_lowered:
0x8: {  	[smem:$0x3FAB] =	sst s0  }
0x9: {  	[smem:$0x3FAC] =	sst s1  }
0xa: {  	[smem:$0x3FAD] =	sst s2  }
0xb: {  	[smem:$0x3FAE] =	sst s3  }
0xc: {  	[smem:$0x3FAF] =	sst s4  }
0xd: {  	[smem:$0x3FB0] =	sst s5  }
0xe: {  	[smem:$0x3FB1] =	sst s6  }
0xf: {  	[smem:$0x3FB2] =	sst s7  }
0x10: {  	[smem:$0x3FB3] =	sst s8  }
0x11: {  	[smem:$0x3FB4] =	sst s9;
	s0 =	simm.s32 @!p0 $0x0  }
0x12: {  	s1 =	sld [smem:$0x3F9A];
	s0 =	simm.s32 @p0 $0x1  }
0x13: {  	[smem:$0x3FB5] =	sst s0;
	s0 =	simm.s32 @!p1 $0x0  }
0x14: {  	s2 =	sld [smem:$0x3F99];
	s0 =	simm.s32 @p1 $0x1  }
0x15: {  	[smem:$0x3FB6] =	sst s0;
	s0 =	simm.s32 @!p2 $0x0  }
0x16: {  	s3 =	sld [smem:$0x3FDB];
	s0 =	simm.s32 @p2 $0x1  }
0x17: {  	s4 =	simm.s32 $0x1BF5;
	[smem:$0x3FB8] =	sst s0  }
0x18: {  	s0 =	sld [smem:$0x3F9B];
	_ =	swait.ge [sflag:s4], $0x0  }
0x19: {  	s7 =	sld [smem:$0x3F9C]  }
0x1a: {  	s8 =	sadd.s32 $0xFFFFE003, lr  }
0x1b: {  	s9 =	sadd.s32 $0xFFFFFEF7, lr;
	s5 =	simm.s32 $0xFFFFFFFF;
	p2 =	slt.u32 s8, $0xFFFFF086  }
0x1c: {  	p1 =	slt.u32 s9, $0xF7A;
	s5 =	simm.s32 @!p2 $0x0  }
0x1d: {  	s5 =	simm.s32 @p1 $0x1;
	p0 =	seq.s32 s7, s2  }
0x1e: {  	s7 =	smul.u32 @!p0 $0xF7A, s2;
	p2 =	seq.s32 @!p0 s5, $0x0  }
0x1f: {  	s9 =	smul.u32 $0xF7A, s1;
	s8 =	simm.s32 @!p0 $0x1BF5;
	p2 =	por !p2, p0  }
0x20: {  	[sflag:s8] =	ssyncset.s32 @!p0 $0xFFFFF086;
	s6 =	sadd.s32 @!p0 s3, s7;
	s7 =	simm.s32 @!p0 $0x108  }
0x21: {  	s3 =	sadd.s32 s3, s9;
	s6 =	sadd.s32 @!p0 $0x88, s6;
	s7 =	simm.s32 @p2 $0x1082  }
0x22: {  	[simem:s7], [sflag:s8] =	dma.local @!p0 [hbm:s6], $0xF7A  }
0x23: {  	s9 =	sor.u32 $0xD0000000, s2;
	s6 =	simm.s32 $0x108;
	_ =	swait.ge @!p0 [sflag:s8], $0x0  }
0x24: {  	s3 =	sadd.s32 $0x88, s3;
	s6 =	simm.s32 @!p1 $0x1082;
	[sflag:s4] =	ssyncset.s32 $0xFFFFF086  }
0x25: {  	[simem:s6], [sflag:s4] =	dma.local [hbm:s3], $0xF7A  }
0x26: {  	[smem:$0x3F9C] =	sst s1;
	(tag) =	ssettag s2;
	_ =	strace s9  }
0x27: {  	s1 =	sld [smem:$0x3FAC]  }
0x28: {  	s2 =	sld [smem:$0x3FAD]  }
0x29: {  	s4 =	sld [smem:$0x3FAF]  }
0x2a: {  	p0 =	seq.s32 s5, $0x0;
	s5 =	sld [smem:$0x3FB0]  }
0x2b: {  	s6 =	sld [smem:$0x3FB1]  }
0x2c: {  	s7 =	sld [smem:$0x3FB2]  }
0x2d: {  	s3 =	simm.s32 $0x108;
	s8 =	sld [smem:$0x3FB3]  }
0x2e: {  	s3 =	simm.s32 @!p0 $0x1082;
	s9 =	sld [smem:$0x3FB4]  }
0x2f: {  	lr =	sadd.s32 s0, s3;
	s0 =	sld [smem:$0x3FAB]  }
0x30: {  	s3 =	sld [smem:$0x3FAE]  }
0x31: {  	[smem:$0x3FB7] =	sst s10  }
0x32: {  	s10 =	sld [smem:$0x3FB5];
	_ =	sdelay $0x3  }
0x33: {  	p0 =	seq.s32 s10, $0x1;
	s10 =	sld [smem:$0x3FB7];
	_ =	sdelay $0x3  }
0x34: {  	[smem:$0x3FB7] =	sst s10  }
0x35: {  	s10 =	sld [smem:$0x3FB6];
	_ =	sdelay $0x3  }
0x36: {  	p1 =	seq.s32 s10, $0x1;
	s10 =	sld [smem:$0x3FB7];
	_ =	sdelay $0x3  }
0x37: {  	[smem:$0x3FB7] =	sst s10  }
0x38: {  	s10 =	sld [smem:$0x3FB8]  }
0x39: {  	_ = 	snop;
	(pc) =	sbr.ind lr, $3  }
0x3a: {  	_ = 	snop  }
0x3b: {  	_ = 	snop  }
0x3c: {  	p2 =	seq.s32 s10, $0x1;
	s10 =	sld [smem:$0x3FB7]  }
0x3d: {  	_ =	shalt  }
0x3e: {  	_ =	shalt  }
0x3f: {  	_ =	shalt  }
0x40: {  	_ =	shalt  }
0x41: {  	_ =	shalt  }
0x42: {  	_ =	shalt  }
0x43: {  	_ =	shalt  }
0x44: {  	_ =	shalt  }
0x45: {  	_ =	shalt  }
0x46: {  	_ =	shalt  }
0x47: {  	_ =	shalt  }
0x48: {  	_ =	shalt  }
0x49: {  	_ =	shalt  }
0x4a: {  	_ =	shalt  }
0x4b: {  	_ =	shalt  }
0x4c: {  	_ =	shalt  }
0x4d: {  	_ =	shalt  }
0x4e: {  	_ =	shalt  }
0x4f: {  	_ =	shalt  }
0x50: {  	_ =	shalt  }
0x51: {  	_ =	shalt  }
0x52: {  	_ =	shalt  }
0x53: {  	_ =	shalt  }
0x54: {  	_ =	shalt  }
0x55: {  	_ =	shalt  }
0x56: {  	_ =	shalt  }
0x57: {  	_ =	shalt  }
0x58: {  	_ =	shalt  }
0x59: {  	_ =	shalt  }
0x5a: {  	_ =	shalt  }
0x5b: {  	_ =	shalt  }
0x5c: {  	_ =	shalt  }
0x5d: {  	_ =	shalt  }
0x5e: {  	_ =	shalt  }
0x5f: {  	_ =	shalt  }
0x60: {  	_ =	shalt  }
0x61: {  	_ =	shalt  }
0x62: {  	_ =	shalt  }
0x63: {  	_ =	shalt  }
0x64: {  	_ =	shalt  }
0x65: {  	_ =	shalt  }
0x66: {  	_ =	shalt  }
0x67: {  	_ =	shalt  }
0x68: {  	_ =	shalt  }
0x69: {  	_ =	shalt  }
0x6a: {  	_ =	shalt  }
0x6b: {  	_ =	shalt  }
0x6c: {  	_ =	shalt  }
0x6d: {  	_ =	shalt  }
0x6e: {  	_ =	shalt  }
0x6f: {  	_ =	shalt  }
0x70: {  	_ =	shalt  }
0x71: {  	_ =	shalt  }
0x72: {  	_ =	shalt  }
0x73: {  	_ =	shalt  }
0x74: {  	_ =	shalt  }
0x75: {  	_ =	shalt  }
0x76: {  	_ =	shalt  }
0x77: {  	_ =	shalt  }
0x78: {  	_ =	shalt  }
0x79: {  	_ =	shalt  }
0x7a: {  	_ =	shalt  }
0x7b: {  	_ =	shalt  }
0x7c: {  	_ =	shalt  }
0x7d: {  	_ =	shalt  }
0x7e: {  	_ =	shalt  }
0x7f: {  	_ =	shalt  }
0x80: {  	_ =	shalt  }
0x81: {  	_ =	shalt  }
0x82: {  	_ =	shalt  }
0x83: {  	_ =	shalt  }
0x84: {  	_ =	shalt  }
0x85: {  	_ =	shalt  }
0x86: {  	_ =	shalt  }
0x87: {  	_ =	shalt  }
.Lfunc_end0:
.L_simem_size_0:
called_computation_lowered:
.L_overlay_start_0:
0x88: {  	s2 =	sld [smem:$0x3FD9]  }
0x89: {  	s3 =	sld [smem:$0x3FFE];
	_ =	sdelay $0x1  }
0x8a: {  	s1 =	srdreg.scid  }
0x8b: {  	s0 =	sand.u32 $0x1, s1  }
0x8c: {  	s17 =	sshll.u32 s0, $0xA;
	s2 =	sadd.s32 s3, s2  }
0x8d: {  	s2 =	sadd.s32 s2, s17  }
0x8e: {  	[smem:$0x3FC3] =	sst s2  }
0x8f: {  	_ = 	snop  }
0x90: {  	s2 =	sld [smem:$0x3FD0];
	(tm) =	ssettm $0x1  }
0x91: {  	s18 =	sld [smem:$0x3FFB];
	_ =	sdelay $0x3  }
0x92: {  	_ =	strace s18  }
0x93: {  	s3 =	sld [smem:$0x3FFC];
	_ =	sdelay $0x3  }
0x94: {  	_ =	strace s3  }
0x95: {  	s3 =	sld [smem:$0x3FFD];
	_ =	sdelay $0x3  }
0x96: {  	_ =	strace s3  }
0x97: {  	_ =	strace $0x8FFFFFFF  }
0x98: {  	s19 =	sld [smem:$0x3FDB];
	_ =	sdelay $0x1  }
0x99: {  	s4 =	simm.s32 $_scs_section_size  }
0x9a: {  	s5 =	simm.s32 $_size__tile_overlayer_lowered;
	s6 =	simm.s32 $_tile_overlayer_lowered  }
0x9b: {  	s22 =	simm.s32 $0x1BFF;
	s21 =	sshll.u32 s6, $0x1;
	s3 =	sadd.s32 s4, s19  }
0x9c: {  	s7 =	simm.s32 $0x0;
	s20 =	sshll.u32 s5, $0x1;
	s5 =	sadd.s32 s21, s3  }
0x9d: {  	[timem:s7], [sflag:s22] =	dma.local [hbm:s5], s20  }
0x9e: {  	_ =	swait.ge [sflag:s22], s20  }
0x9f: {  	s4 =	ssub.s32 $0x0, s20;
	[sflag:s22] =	ssyncset.done $0x0  }
0xa0: {  	[sflag:s22] =	ssyncadd.s32 s4;
	_ =	sdelay $0x1  }
0xa1: {  	s23 =	simm.s32 $0x1B8B  }
0xa2: {  	_ =	swait.ge [sflag:s23], $0x1  }
0xa3: {  	[sflag:s23] =	ssyncset.done $0x0  }
0xa4: {  	s25 =	simm.s32 $0x1B8E;
	s24 =	sld [smem:$0x3FFE];
	[sflag:s23] =	ssyncadd.s32 $0xFFFFFFFF  }
0xa5: {  	s26 =	simm.s32 $execute0_lowered;
	[smem:$0x3FD2] =	sst s25  }
0xa6: {  	s5 =	sshll.u32 s26, $0x1;
	_ =	strace $0x80000046;
	[dreg:$0x1] =	wrdreg $0xFFFFFFFF  }
0xa7: {  	s28 =	simm.s32 $_size_execute0_lowered;
	s3 =	sadd.s32 s3, s5;
	[dreg:$0x0] =	wrdreg $0x0  }
0xa8: {  	s5 =	sshll.u32 s28, $0x1;
	[dreg:$0x2] =	wrdreg s3  }
0xa9: {  	[dreg:$0x3] =	wrdreg s5  }
0xaa: {  	[dreg:$0x4] =	wrdreg $0xC0  }
0xab: {  	_ =	task [dreg:s7], $0x5FFFF  }
0xac: {  	[dreg:$0x1] =	wrdreg $0xFFFFFFFF  }
0xad: {  	[dreg:$0x0] =	wrdreg $0x60  }
0xae: {  	[dreg:$0x2] =	wrdreg s24  }
0xaf: {  	[dreg:$0x3] =	wrdreg s2  }
0xb0: {  	[dreg:$0x4] =	wrdreg $0x9  }
0xb1: {  	_ =	task.clear_ibuf [dreg:s7], $0x5FFFF;
	_ =	strace $0x90000046  }
0xb2: {  	s29 =	simm.s32 $0x9;
	_ =	strace $0x80000048  }
0xb3: {  	_ =	swait.ge [sflag:s29], $0x1  }
0xb4: {  	[sflag:s29] =	ssyncadd.s32 $0xFFFFFFFF  }
0xb5: {  	_ =	strace $0x90000048  }
0xb6: {  	_ =	sfence  }
0xb7: {  	s30 =	sld [smem:$0x0];
	_ =	sdelay $0x2  }
0xb8: {  	s31 =	sshll.u32 s1, $0xD;
	s1 =	sshrl.u32 s1, $0x2  }
0xb9: {  	s3 =	sand.u32 $0x4000, s31;
	s1 =	sadd.s32 s1, s30  }
0xba: {  	s0 =	sor.u32 s3, s0;
	s1 =	sshll.u32 s1, $0x11  }
0xbb: {  	s0 =	sor.u32 s1, s0  }
0xbc: {  	s0 =	sadd.s32 $0x8F2B, s0  }
0xbd: {  	[sflag:s0] =	ssyncadd.remote.s32 $0x1  }
0xbe: {  	_ =	sfence.sel $0xFFFF  }
0xbf: {  	[dreg:$0x0] =	wrdreg $0xFFFFFFFF;
	(pc) =	sbr.abs _section_cstart, $3  }
0xc0: {  	[dreg:$0x1] =	wrdreg $0xFFFFFFFF  }
0xc1: {  	_ =	task.clear_ibuf [dreg:s7], $0x2FFFF;
	_ =	strace $0x9FFFFFFF  }
0xc2: {  	(tm) =	ssettm $0x7FFFFFFF  }
0xc3: {  	_ =	shalt  }
tec
execute0_lowered:
.L_overlay_start_1:
0x0: {  	(tag) =	ssettag $0x1  }
0x1: {  	s0 =	rddreg [dreg:$0x0]  }
0x2: {  	s1 =	rddreg [dreg:$0x1];
	s3 =	srdreg.scid  }
0x3: {  	s4 =	stileid.u32;
	s2 =	simm.s32 $0x0;
	s10 =	simm.s32 $0x2  }
0x4: {  	s12 =	simm.s32 $0x80;
	s14 =	simm.s32 $0x1A10;
	s18 =	simm.s32 $0x680  }
0x5: {  	s21 =	simm.s32 $0x800;
	s31 =	simm.s32 $0x880;
	s22 =	simm.s32 $0x900  }
0x6: {  	s16 =	simm.s32 $0x980;
	s28 =	simm.s32 $0xA00;
	s13 =	simm.s32 $0xA80  }
0x7: {  	s17 =	simm.s32 $0xB00;
	s20 =	simm.s32 $0xB80;
	s30 =	simm.s32 $0x0  }
0x8: {  	s5 =	sand.u32 $0x1, s3;
	s23 =	sshll.u32 s4, $0x1;
	[smem:$0x7FF] =	sst s2  }
0x9: {  	s3 =	sadd.s32 $0x6C00, s0;
	s4 =	sadd.s32 $0x68800, s0;
	s6 =	sor.u32 s5, s23  }
0xa: {  	_ =	strace $0x80000047;
	s5 =	ssub.s32 $0x2, s5;
	s23 =	simm.s32 $0xC00  }
0xb: {  	s7 =	smul.u32 $0x1A0, s6;
	s24 =	sshrl.u32 s5, $0x1;
	s26 =	sshll.u32 s6, $0x4  }
0xc: {  	s6 =	simm.s32 $0xD00;
	s1 =	sadd.s32 s1, s26;
	s26 =	simm.s32 $0x1  }
0xd: {  	s7 =	sadd.s32 s7, s0;
	s0 =	sadd.s32 $0x6BA00, s0;
	[dreg:$0x6] =	wrdreg s1  }
0xe: {  	[dreg:$0x3] =	wrdreg s0;
	s0 =	ssub.s32 s5, s24;
	s25 =	sadd.s32 $0x400, s7  }
0xf: {  	s29 =	sadd.s32 $0x3800, s7;
	s5 =	simm.s32 $0xC80;
	[dreg:$0x4] =	wrdreg s25  }
0x10: {  	v0 =	vlaneseq.u32;
	s7 =	simm.s32 $0x1C720;
	[dreg:$0x5] =	wrdreg s29;
	s0 =	smax.u32 s0, $0x1  }
0x11: {  	vm0 =	vmmov $0x3ff;
	v1 =	vor.u32 $0x10, v0;
	s25 =	simm.s32 $0x700;
	[dreg:$0x7] =	wrdreg s0;
	s0 =	simm.s32 $0x780  }
.LBB2_1:
0x12: {  	s1 =	rddreg [dreg:$0x4]  }
0x13: {  	[tilespmem:s2], [sflag:$0x2] =	stream.linear.gather [hbm4b:s1+s2], $0xD00, $0x38;
	[tilespmem:$0x1CFB0] =	vst v63  }
0x14: {  	_ =	swait.ge [sflag:s10], $0xD00  }
0x15: {  	[sflag:s10] =	ssyncset.done $0x0  }
0x16: {  	s24 =	rddreg [dreg:$0x5];
	[sflag:s10] =	ssyncadd.s32 $0xFFFFF300  }
0x17: {  	[tilespmem:s6], [sflag:$0x2] =	stream.linear.gather [hbm4b:s24+s2], $0xD00, $0x38;
	[tilespmem:$0x1CFB0] =	vst v63  }
0x18: {  	_ =	swait.ge [sflag:s10], $0xD00  }
0x19: {  	[sflag:s10] =	ssyncset.done $0x0  }
0x1a: {  	s8 =	simm.s32 $0x1CFA0;
	s29 =	rddreg [dreg:$0x3];
	[sflag:s10] =	ssyncadd.s32 $0xFFFFF300  }
0x1b: {  	[tilespmem:s8], [sflag:$0x2] =	stream.linear.gather [hbm4b:s29+s2], $0x10, $0x38;
	[tilespmem:$0x1CFB0] =	vst v63  }
0x1c: {  	_ =	swait.ge [sflag:s10], $0x10  }
0x1d: {  	[sflag:s10] =	ssyncset.done $0x0  }
0x1e: {  	s9 =	simm.s32 $0x2720;
	[sflag:s10] =	ssyncadd.s32 $0xFFFFFFF0  }
0x1f: {  	[tilespmem:s9], [sflag:$0x1] =	stream.indirect.gather [hbm4b:s3+s12], $0x20, s2, s12, $0xb8;
	[tilespmem:$0x1CFB0] =	vst v63  }
0x20: {  	_ = 	snop  }
0x21: {  	[tilespmem:s14], [sflag:$0x1] =	stream.indirect.gather [hbm4b:s4+s12], $0x1, s2, s12, $0xb8;
	[tilespmem:$0x1CFB0] =	vst v63  }
0x22: {  	s11 =	simm.s32 $0x3720  }
0x23: {  	[tilespmem:s11], [sflag:$0x1] =	stream.indirect.gather [hbm4b:s3+s12], $0x20, s12, s12, $0xb8;
	[tilespmem:$0x1CFB0] =	vst v63  }
0x24: {  	s15 =	simm.s32 $0x1A90  }
0x25: {  	[tilespmem:s15], [sflag:$0x1] =	stream.indirect.gather [hbm4b:s4+s12], $0x1, s12, s12, $0xb8;
	[tilespmem:$0x1CFB0] =	vst v63  }
0x26: {  	s19 =	simm.s32 $0x100;
	s24 =	simm.s32 $0x4720  }
0x27: {  	[tilespmem:s24], [sflag:$0x1] =	stream.indirect.gather [hbm4b:s3+s12], $0x20, s19, s12, $0xb8;
	[tilespmem:$0x1CFB0] =	vst v63  }
0x28: {  	s29 =	simm.s32 $0x1B10  }
0x29: {  	[tilespmem:s29], [sflag:$0x1] =	stream.indirect.gather [hbm4b:s4+s12], $0x1, s19, s12, $0xb8;
	[tilespmem:$0x1CFB0] =	vst v63  }
0x2a: {  	s9 =	simm.s32 $0x180;
	s11 =	simm.s32 $0x5720  }
0x2b: {  	[tilespmem:s11], [sflag:$0x1] =	stream.indirect.gather [hbm4b:s3+s12], $0x20, s9, s12, $0xb8;
	[tilespmem:$0x1CFB0] =	vst v63  }
0x2c: {  	s15 =	simm.s32 $0x1B90  }
0x2d: {  	[tilespmem:s15], [sflag:$0x1] =	stream.indirect.gather [hbm4b:s4+s12], $0x1, s9, s12, $0xb8;
	[tilespmem:$0x1CFB0] =	vst v63  }
0x2e: {  	s24 =	simm.s32 $0x6720;
	s19 =	simm.s32 $0x200  }
0x2f: {  	[tilespmem:s24], [sflag:$0x1] =	stream.indirect.gather [hbm4b:s3+s12], $0x20, s19, s12, $0xb8;
	[tilespmem:$0x1CFB0] =	vst v63  }
0x30: {  	s29 =	simm.s32 $0x1C10  }
0x31: {  	[tilespmem:s29], [sflag:$0x1] =	stream.indirect.gather [hbm4b:s4+s12], $0x1, s19, s12, $0xb8;
	[tilespmem:$0x1CFB0] =	vst v63  }
0x32: {  	s11 =	simm.s32 $0x7720;
	s9 =	simm.s32 $0x280  }
0x33: {  	[tilespmem:s11], [sflag:$0x1] =	stream.indirect.gather [hbm4b:s3+s12], $0x20, s9, s12, $0xb8;
	[tilespmem:$0x1CFB0] =	vst v63  }
0x34: {  	s15 =	simm.s32 $0x1C90  }
0x35: {  	[tilespmem:s15], [sflag:$0x1] =	stream.indirect.gather [hbm4b:s4+s12], $0x1, s9, s12, $0xb8;
	[tilespmem:$0x1CFB0] =	vst v63  }
0x36: {  	s24 =	simm.s32 $0x8720;
	s19 =	simm.s32 $0x300  }
0x37: {  	[tilespmem:s24], [sflag:$0x1] =	stream.indirect.gather [hbm4b:s3+s12], $0x20, s19, s12, $0xb8;
	[tilespmem:$0x1CFB0] =	vst v63  }
0x38: {  	s29 =	simm.s32 $0x1D10  }
0x39: {  	[tilespmem:s29], [sflag:$0x1] =	stream.indirect.gather [hbm4b:s4+s12], $0x1, s19, s12, $0xb8;
	[tilespmem:$0x1CFB0] =	vst v63  }
0x3a: {  	s11 =	simm.s32 $0x9720;
	s9 =	simm.s32 $0x380  }
0x3b: {  	[tilespmem:s11], [sflag:$0x1] =	stream.indirect.gather [hbm4b:s3+s12], $0x20, s9, s12, $0xb8;
	[tilespmem:$0x1CFB0] =	vst v63  }
0x3c: {  	s15 =	simm.s32 $0x1D90  }
0x3d: {  	[tilespmem:s15], [sflag:$0x1] =	stream.indirect.gather [hbm4b:s4+s12], $0x1, s9, s12, $0xb8;
	[tilespmem:$0x1CFB0] =	vst v63  }
0x3e: {  	s24 =	simm.s32 $0xA720;
	s19 =	simm.s32 $0x400  }
0x3f: {  	[tilespmem:s24], [sflag:$0x1] =	stream.indirect.gather [hbm4b:s3+s12], $0x20, s19, s12, $0xb8;
	[tilespmem:$0x1CFB0] =	vst v63  }
0x40: {  	s29 =	simm.s32 $0x1E10  }
0x41: {  	[tilespmem:s29], [sflag:$0x1] =	stream.indirect.gather [hbm4b:s4+s12], $0x1, s19, s12, $0xb8;
	[tilespmem:$0x1CFB0] =	vst v63  }
0x42: {  	s11 =	simm.s32 $0xB720;
	s9 =	simm.s32 $0x480  }
0x43: {  	[tilespmem:s11], [sflag:$0x1] =	stream.indirect.gather [hbm4b:s3+s12], $0x20, s9, s12, $0xb8;
	[tilespmem:$0x1CFB0] =	vst v63  }
0x44: {  	s15 =	simm.s32 $0x1E90  }
0x45: {  	[tilespmem:s15], [sflag:$0x1] =	stream.indirect.gather [hbm4b:s4+s12], $0x1, s9, s12, $0xb8;
	[tilespmem:$0x1CFB0] =	vst v63  }
0x46: {  	s24 =	simm.s32 $0xC720;
	s19 =	simm.s32 $0x500  }
0x47: {  	[tilespmem:s24], [sflag:$0x1] =	stream.indirect.gather [hbm4b:s3+s12], $0x20, s19, s12, $0xb8;
	[tilespmem:$0x1CFB0] =	vst v63  }
0x48: {  	s29 =	simm.s32 $0x1F10  }
0x49: {  	[tilespmem:s29], [sflag:$0x1] =	stream.indirect.gather [hbm4b:s4+s12], $0x1, s19, s12, $0xb8;
	[tilespmem:$0x1CFB0] =	vst v63  }
0x4a: {  	s11 =	simm.s32 $0xD720;
	s9 =	simm.s32 $0x580  }
0x4b: {  	[tilespmem:s11], [sflag:$0x1] =	stream.indirect.gather [hbm4b:s3+s12], $0x20, s9, s12, $0xb8;
	[tilespmem:$0x1CFB0] =	vst v63  }
0x4c: {  	s15 =	simm.s32 $0x1F90  }
0x4d: {  	[tilespmem:s15], [sflag:$0x1] =	stream.indirect.gather [hbm4b:s4+s12], $0x1, s9, s12, $0xb8;
	[tilespmem:$0x1CFB0] =	vst v63  }
0x4e: {  	s24 =	simm.s32 $0xE720;
	s19 =	simm.s32 $0x600  }
0x4f: {  	[tilespmem:s24], [sflag:$0x1] =	stream.indirect.gather [hbm4b:s3+s12], $0x20, s19, s12, $0xb8;
	[tilespmem:$0x1CFB0] =	vst v63  }
0x50: {  	s29 =	simm.s32 $0x2010  }
0x51: {  	[tilespmem:s29], [sflag:$0x1] =	stream.indirect.gather [hbm4b:s4+s12], $0x1, s19, s12, $0xb8;
	[tilespmem:$0x1CFB0] =	vst v63  }
0x52: {  	s9 =	simm.s32 $0xF720  }
0x53: {  	[tilespmem:s9], [sflag:$0x1] =	stream.indirect.gather [hbm4b:s3+s12], $0x20, s18, s12, $0xb8;
	[tilespmem:$0x1CFB0] =	vst v63  }
0x54: {  	s11 =	simm.s32 $0x2090  }
0x55: {  	[tilespmem:s11], [sflag:$0x1] =	stream.indirect.gather [hbm4b:s4+s12], $0x1, s18, s12, $0xb8;
	[tilespmem:$0x1CFB0] =	vst v63  }
0x56: {  	s15 =	simm.s32 $0x10720  }
0x57: {  	[tilespmem:s15], [sflag:$0x1] =	stream.indirect.gather [hbm4b:s3+s12], $0x20, s25, s12, $0xb8;
	[tilespmem:$0x1CFB0] =	vst v63  }
0x58: {  	s19 =	simm.s32 $0x2110  }
0x59: {  	[tilespmem:s19], [sflag:$0x1] =	stream.indirect.gather [hbm4b:s4+s12], $0x1, s25, s12, $0xb8;
	[tilespmem:$0x1CFB0] =	vst v63  }
0x5a: {  	s24 =	simm.s32 $0x11720  }
0x5b: {  	[tilespmem:s24], [sflag:$0x1] =	stream.indirect.gather [hbm4b:s3+s12], $0x20, s0, s12, $0xb8;
	[tilespmem:$0x1CFB0] =	vst v63  }
0x5c: {  	s29 =	simm.s32 $0x2190  }
0x5d: {  	[tilespmem:s29], [sflag:$0x1] =	stream.indirect.gather [hbm4b:s4+s12], $0x1, s0, s12, $0xb8;
	[tilespmem:$0x1CFB0] =	vst v63  }
0x5e: {  	s8 =	simm.s32 $0x12720  }
0x5f: {  	[tilespmem:s8], [sflag:$0x1] =	stream.indirect.gather [hbm4b:s3+s12], $0x20, s21, s12, $0xb8;
	[tilespmem:$0x1CFB0] =	vst v63  }
0x60: {  	s9 =	simm.s32 $0x2210  }
0x61: {  	[tilespmem:s9], [sflag:$0x1] =	stream.indirect.gather [hbm4b:s4+s12], $0x1, s21, s12, $0xb8;
	[tilespmem:$0x1CFB0] =	vst v63  }
0x62: {  	s11 =	simm.s32 $0x13720  }
0x63: {  	[tilespmem:s11], [sflag:$0x1] =	stream.indirect.gather [hbm4b:s3+s12], $0x20, s31, s12, $0xb8;
	[tilespmem:$0x1CFB0] =	vst v63  }
0x64: {  	s15 =	simm.s32 $0x2290  }
0x65: {  	[tilespmem:s15], [sflag:$0x1] =	stream.indirect.gather [hbm4b:s4+s12], $0x1, s31, s12, $0xb8;
	[tilespmem:$0x1CFB0] =	vst v63  }
0x66: {  	s19 =	simm.s32 $0x14720  }
0x67: {  	[tilespmem:s19], [sflag:$0x1] =	stream.indirect.gather [hbm4b:s3+s12], $0x20, s22, s12, $0xb8;
	[tilespmem:$0x1CFB0] =	vst v63  }
0x68: {  	s24 =	simm.s32 $0x2310  }
0x69: {  	[tilespmem:s24], [sflag:$0x1] =	stream.indirect.gather [hbm4b:s4+s12], $0x1, s22, s12, $0xb8;
	[tilespmem:$0x1CFB0] =	vst v63  }
0x6a: {  	s29 =	simm.s32 $0x15720  }
0x6b: {  	[tilespmem:s29], [sflag:$0x1] =	stream.indirect.gather [hbm4b:s3+s12], $0x20, s16, s12, $0xb8;
	[tilespmem:$0x1CFB0] =	vst v63  }
0x6c: {  	s8 =	simm.s32 $0x2390  }
0x6d: {  	[tilespmem:s8], [sflag:$0x1] =	stream.indirect.gather [hbm4b:s4+s12], $0x1, s16, s12, $0xb8;
	[tilespmem:$0x1CFB0] =	vst v63  }
0x6e: {  	s9 =	simm.s32 $0x16720  }
0x6f: {  	[tilespmem:s9], [sflag:$0x1] =	stream.indirect.gather [hbm4b:s3+s12], $0x20, s28, s12, $0xb8;
	[tilespmem:$0x1CFB0] =	vst v63  }
0x70: {  	s11 =	simm.s32 $0x2410  }
0x71: {  	[tilespmem:s11], [sflag:$0x1] =	stream.indirect.gather [hbm4b:s4+s12], $0x1, s28, s12, $0xb8;
	[tilespmem:$0x1CFB0] =	vst v63  }
0x72: {  	s15 =	simm.s32 $0x17720  }
0x73: {  	[tilespmem:s15], [sflag:$0x1] =	stream.indirect.gather [hbm4b:s3+s12], $0x20, s13, s12, $0xb8;
	[tilespmem:$0x1CFB0] =	vst v63  }
0x74: {  	s19 =	simm.s32 $0x2490  }
0x75: {  	[tilespmem:s19], [sflag:$0x1] =	stream.indirect.gather [hbm4b:s4+s12], $0x1, s13, s12, $0xb8;
	[tilespmem:$0x1CFB0] =	vst v63  }
0x76: {  	s24 =	simm.s32 $0x18720  }
0x77: {  	[tilespmem:s24], [sflag:$0x1] =	stream.indirect.gather [hbm4b:s3+s12], $0x20, s17, s12, $0xb8;
	[tilespmem:$0x1CFB0] =	vst v63  }
0x78: {  	s29 =	simm.s32 $0x2510  }
0x79: {  	[tilespmem:s29], [sflag:$0x1] =	stream.indirect.gather [hbm4b:s4+s12], $0x1, s17, s12, $0xb8;
	[tilespmem:$0x1CFB0] =	vst v63  }
0x7a: {  	s8 =	simm.s32 $0x19720  }
0x7b: {  	[tilespmem:s8], [sflag:$0x1] =	stream.indirect.gather [hbm4b:s3+s12], $0x20, s20, s12, $0xb8;
	[tilespmem:$0x1CFB0] =	vst v63  }
0x7c: {  	s9 =	simm.s32 $0x2590  }
0x7d: {  	[tilespmem:s9], [sflag:$0x1] =	stream.indirect.gather [hbm4b:s4+s12], $0x1, s20, s12, $0xb8;
	[tilespmem:$0x1CFB0] =	vst v63  }
0x7e: {  	s11 =	simm.s32 $0x1A720  }
0x7f: {  	[tilespmem:s11], [sflag:$0x1] =	stream.indirect.gather [hbm4b:s3+s12], $0x20, s23, s12, $0xb8;
	[tilespmem:$0x1CFB0] =	vst v63  }
0x80: {  	s15 =	simm.s32 $0x2610  }
0x81: {  	[tilespmem:s15], [sflag:$0x1] =	stream.indirect.gather [hbm4b:s4+s12], $0x1, s23, s12, $0xb8;
	[tilespmem:$0x1CFB0] =	vst v63  }
0x82: {  	s19 =	simm.s32 $0x1B720  }
0x83: {  	[tilespmem:s19], [sflag:$0x1] =	stream.indirect.gather [hbm4b:s3+s12], $0x20, s5, s12, $0xb8;
	[tilespmem:$0x1CFB0] =	vst v63  }
0x84: {  	s24 =	simm.s32 $0x2690  }
0x85: {  	[tilespmem:s24], [sflag:$0x1] =	stream.indirect.gather [hbm4b:s4+s12], $0x1, s5, s12, $0xb8;
	[tilespmem:$0x1CFB0] =	vst v63  }
0x86: {  	_ =	swait.ge [sflag:s26], $0x1000  }
0x87: {  	[sflag:s26] =	ssyncset.done $0x0  }
0x88: {  	[sflag:s26] =	ssyncadd.s32 $0xFFFFF000  }
0x89: {  	_ =	swait.ge [sflag:s26], $0x80  }
0x8a: {  	[sflag:s26] =	ssyncset.done $0x0  }
0x8b: {  	[sflag:s26] =	ssyncadd.s32 $0xFFFFFF80  }
0x8c: {  	_ =	swait.ge [sflag:s26], $0x1000  }
0x8d: {  	[sflag:s26] =	ssyncset.done $0x0  }
0x8e: {  	[sflag:s26] =	ssyncadd.s32 $0xFFFFF000  }
0x8f: {  	_ =	swait.ge [sflag:s26], $0x80  }
0x90: {  	[sflag:s26] =	ssyncset.done $0x0  }
0x91: {  	[sflag:s26] =	ssyncadd.s32 $0xFFFFFF80  }
0x92: {  	_ =	swait.ge [sflag:s26], $0x1000  }
0x93: {  	[sflag:s26] =	ssyncset.done $0x0  }
0x94: {  	[sflag:s26] =	ssyncadd.s32 $0xFFFFF000  }
0x95: {  	_ =	swait.ge [sflag:s26], $0x80  }
0x96: {  	[sflag:s26] =	ssyncset.done $0x0  }
0x97: {  	[sflag:s26] =	ssyncadd.s32 $0xFFFFFF80  }
0x98: {  	_ =	swait.ge [sflag:s26], $0x1000  }
0x99: {  	[sflag:s26] =	ssyncset.done $0x0  }
0x9a: {  	[sflag:s26] =	ssyncadd.s32 $0xFFFFF000  }
0x9b: {  	_ =	swait.ge [sflag:s26], $0x80  }
0x9c: {  	[sflag:s26] =	ssyncset.done $0x0  }
0x9d: {  	[sflag:s26] =	ssyncadd.s32 $0xFFFFFF80  }
0x9e: {  	_ =	swait.ge [sflag:s26], $0x1000  }
0x9f: {  	[sflag:s26] =	ssyncset.done $0x0  }
0xa0: {  	[sflag:s26] =	ssyncadd.s32 $0xFFFFF000  }
0xa1: {  	_ =	swait.ge [sflag:s26], $0x80  }
0xa2: {  	[sflag:s26] =	ssyncset.done $0x0  }
0xa3: {  	[sflag:s26] =	ssyncadd.s32 $0xFFFFFF80  }
0xa4: {  	_ =	swait.ge [sflag:s26], $0x1000  }
0xa5: {  	[sflag:s26] =	ssyncset.done $0x0  }
0xa6: {  	[sflag:s26] =	ssyncadd.s32 $0xFFFFF000  }
0xa7: {  	_ =	swait.ge [sflag:s26], $0x80  }
0xa8: {  	[sflag:s26] =	ssyncset.done $0x0  }
0xa9: {  	[sflag:s26] =	ssyncadd.s32 $0xFFFFFF80  }
0xaa: {  	_ =	swait.ge [sflag:s26], $0x1000  }
0xab: {  	[sflag:s26] =	ssyncset.done $0x0  }
0xac: {  	[sflag:s26] =	ssyncadd.s32 $0xFFFFF000  }
0xad: {  	_ =	swait.ge [sflag:s26], $0x80  }
0xae: {  	[sflag:s26] =	ssyncset.done $0x0  }
0xaf: {  	[sflag:s26] =	ssyncadd.s32 $0xFFFFFF80  }
0xb0: {  	_ =	swait.ge [sflag:s26], $0x1000  }
0xb1: {  	[sflag:s26] =	ssyncset.done $0x0  }
0xb2: {  	[sflag:s26] =	ssyncadd.s32 $0xFFFFF000  }
0xb3: {  	_ =	swait.ge [sflag:s26], $0x80  }
0xb4: {  	[sflag:s26] =	ssyncset.done $0x0  }
0xb5: {  	[sflag:s26] =	ssyncadd.s32 $0xFFFFFF80  }
0xb6: {  	_ =	swait.ge [sflag:s26], $0x1000  }
0xb7: {  	[sflag:s26] =	ssyncset.done $0x0  }
0xb8: {  	[sflag:s26] =	ssyncadd.s32 $0xFFFFF000  }
0xb9: {  	_ =	swait.ge [sflag:s26], $0x80  }
0xba: {  	[sflag:s26] =	ssyncset.done $0x0  }
0xbb: {  	[sflag:s26] =	ssyncadd.s32 $0xFFFFFF80  }
0xbc: {  	_ =	swait.ge [sflag:s26], $0x1000  }
0xbd: {  	[sflag:s26] =	ssyncset.done $0x0  }
0xbe: {  	[sflag:s26] =	ssyncadd.s32 $0xFFFFF000  }
0xbf: {  	_ =	swait.ge [sflag:s26], $0x80  }
0xc0: {  	[sflag:s26] =	ssyncset.done $0x0  }
0xc1: {  	[sflag:s26] =	ssyncadd.s32 $0xFFFFFF80  }
0xc2: {  	_ =	swait.ge [sflag:s26], $0x1000  }
0xc3: {  	[sflag:s26] =	ssyncset.done $0x0  }
0xc4: {  	[sflag:s26] =	ssyncadd.s32 $0xFFFFF000  }
0xc5: {  	_ =	swait.ge [sflag:s26], $0x80  }
0xc6: {  	[sflag:s26] =	ssyncset.done $0x0  }
0xc7: {  	[sflag:s26] =	ssyncadd.s32 $0xFFFFFF80  }
0xc8: {  	_ =	swait.ge [sflag:s26], $0x1000  }
0xc9: {  	[sflag:s26] =	ssyncset.done $0x0  }
0xca: {  	[sflag:s26] =	ssyncadd.s32 $0xFFFFF000  }
0xcb: {  	_ =	swait.ge [sflag:s26], $0x80  }
0xcc: {  	[sflag:s26] =	ssyncset.done $0x0  }
0xcd: {  	[sflag:s26] =	ssyncadd.s32 $0xFFFFFF80  }
0xce: {  	_ =	swait.ge [sflag:s26], $0x1000  }
0xcf: {  	[sflag:s26] =	ssyncset.done $0x0  }
0xd0: {  	[sflag:s26] =	ssyncadd.s32 $0xFFFFF000  }
0xd1: {  	_ =	swait.ge [sflag:s26], $0x80  }
0xd2: {  	[sflag:s26] =	ssyncset.done $0x0  }
0xd3: {  	[sflag:s26] =	ssyncadd.s32 $0xFFFFFF80  }
0xd4: {  	_ =	swait.ge [sflag:s26], $0x1000  }
0xd5: {  	[sflag:s26] =	ssyncset.done $0x0  }
0xd6: {  	[sflag:s26] =	ssyncadd.s32 $0xFFFFF000  }
0xd7: {  	_ =	swait.ge [sflag:s26], $0x80  }
0xd8: {  	[sflag:s26] =	ssyncset.done $0x0  }
0xd9: {  	[sflag:s26] =	ssyncadd.s32 $0xFFFFFF80  }
0xda: {  	_ =	swait.ge [sflag:s26], $0x1000  }
0xdb: {  	[sflag:s26] =	ssyncset.done $0x0  }
0xdc: {  	[sflag:s26] =	ssyncadd.s32 $0xFFFFF000  }
0xdd: {  	_ =	swait.ge [sflag:s26], $0x80  }
0xde: {  	[sflag:s26] =	ssyncset.done $0x0  }
0xdf: {  	[sflag:s26] =	ssyncadd.s32 $0xFFFFFF80  }
0xe0: {  	_ =	swait.ge [sflag:s26], $0x1000  }
0xe1: {  	[sflag:s26] =	ssyncset.done $0x0  }
0xe2: {  	[sflag:s26] =	ssyncadd.s32 $0xFFFFF000  }
0xe3: {  	_ =	swait.ge [sflag:s26], $0x80  }
0xe4: {  	[sflag:s26] =	ssyncset.done $0x0  }
0xe5: {  	[sflag:s26] =	ssyncadd.s32 $0xFFFFFF80  }
0xe6: {  	_ =	swait.ge [sflag:s26], $0x1000  }
0xe7: {  	[sflag:s26] =	ssyncset.done $0x0  }
0xe8: {  	[sflag:s26] =	ssyncadd.s32 $0xFFFFF000  }
0xe9: {  	_ =	swait.ge [sflag:s26], $0x80  }
0xea: {  	[sflag:s26] =	ssyncset.done $0x0  }
0xeb: {  	[sflag:s26] =	ssyncadd.s32 $0xFFFFFF80  }
0xec: {  	_ =	swait.ge [sflag:s26], $0x1000  }
0xed: {  	[sflag:s26] =	ssyncset.done $0x0  }
0xee: {  	[sflag:s26] =	ssyncadd.s32 $0xFFFFF000  }
0xef: {  	_ =	swait.ge [sflag:s26], $0x80  }
0xf0: {  	[sflag:s26] =	ssyncset.done $0x0  }
0xf1: {  	[sflag:s26] =	ssyncadd.s32 $0xFFFFFF80  }
0xf2: {  	_ =	swait.ge [sflag:s26], $0x1000  }
0xf3: {  	[sflag:s26] =	ssyncset.done $0x0  }
0xf4: {  	[sflag:s26] =	ssyncadd.s32 $0xFFFFF000  }
0xf5: {  	_ =	swait.ge [sflag:s26], $0x80  }
0xf6: {  	[sflag:s26] =	ssyncset.done $0x0  }
0xf7: {  	[sflag:s26] =	ssyncadd.s32 $0xFFFFFF80  }
0xf8: {  	_ =	swait.ge [sflag:s26], $0x1000  }
0xf9: {  	[sflag:s26] =	ssyncset.done $0x0  }
0xfa: {  	[sflag:s26] =	ssyncadd.s32 $0xFFFFF000  }
0xfb: {  	_ =	swait.ge [sflag:s26], $0x80  }
0xfc: {  	[sflag:s26] =	ssyncset.done $0x0  }
0xfd: {  	[sflag:s26] =	ssyncadd.s32 $0xFFFFFF80  }
0xfe: {  	_ =	swait.ge [sflag:s26], $0x1000  }
0xff: {  	[sflag:s26] =	ssyncset.done $0x0  }
0x100: {  	[sflag:s26] =	ssyncadd.s32 $0xFFFFF000  }
0x101: {  	_ =	swait.ge [sflag:s26], $0x80  }
0x102: {  	[sflag:s26] =	ssyncset.done $0x0  }
0x103: {  	[sflag:s26] =	ssyncadd.s32 $0xFFFFFF80  }
0x104: {  	_ =	swait.ge [sflag:s26], $0x1000  }
0x105: {  	[sflag:s26] =	ssyncset.done $0x0  }
0x106: {  	[sflag:s26] =	ssyncadd.s32 $0xFFFFF000  }
0x107: {  	_ =	swait.ge [sflag:s26], $0x80  }
0x108: {  	[sflag:s26] =	ssyncset.done $0x0  }
0x109: {  	[sflag:s26] =	ssyncadd.s32 $0xFFFFFF80  }
0x10a: {  	_ =	swait.ge [sflag:s26], $0x1000  }
0x10b: {  	[sflag:s26] =	ssyncset.done $0x0  }
0x10c: {  	[sflag:s26] =	ssyncadd.s32 $0xFFFFF000  }
0x10d: {  	_ =	swait.ge [sflag:s26], $0x80  }
0x10e: {  	[sflag:s26] =	ssyncset.done $0x0  }
0x10f: {  	[sflag:s26] =	ssyncadd.s32 $0xFFFFFF80  }
0x110: {  	_ =	swait.ge [sflag:s26], $0x1000  }
0x111: {  	[sflag:s26] =	ssyncset.done $0x0  }
0x112: {  	[sflag:s26] =	ssyncadd.s32 $0xFFFFF000  }
0x113: {  	_ =	swait.ge [sflag:s26], $0x80  }
0x114: {  	[sflag:s26] =	ssyncset.done $0x0  }
0x115: {  	[sflag:s26] =	ssyncadd.s32 $0xFFFFFF80  }
0x116: {  	_ =	swait.ge [sflag:s26], $0x1000  }
0x117: {  	[sflag:s26] =	ssyncset.done $0x0  }
0x118: {  	[sflag:s26] =	ssyncadd.s32 $0xFFFFF000  }
0x119: {  	_ =	swait.ge [sflag:s26], $0x80  }
0x11a: {  	[sflag:s26] =	ssyncset.done $0x0  }
0x11b: {  	[sflag:s26] =	ssyncadd.s32 $0xFFFFFF80  }
0x11c: {  	_ =	swait.ge [sflag:s26], $0x1000  }
0x11d: {  	[sflag:s26] =	ssyncset.done $0x0  }
0x11e: {  	[sflag:s26] =	ssyncadd.s32 $0xFFFFF000  }
0x11f: {  	_ =	swait.ge [sflag:s26], $0x80  }
0x120: {  	[sflag:s26] =	ssyncset.done $0x0  }
0x121: {  	[sflag:s26] =	ssyncadd.s32 $0xFFFFFF80  }
0x122: {  	s8 =	simm.s32 $0x28C0;
	v3 =	vld [tilespmem:s6+$0x0]  }
0x123: {  	v4 =	vld [tilespmem:s8+$0x10]  }
0x124: {  	v2 =	vld [tilespmem:s8+$0x30]  }
0x125: {  	v5 =	vld [tilespmem:s8+$0xFFFFFE60]  }
0x126: {  	v7 =	vld [tilespmem:s8+$0xFFFFFE70]  }
0x127: {  	v8 =	vld [tilespmem:s8+$0xFFFFFEB0]  }
0x128: {  	v10 =	vld [tilespmem:s8+$0xFFFFFEA0]  }
0x129: {  	v17 =	vld [tilespmem:s8+$0xFFFFFF00];
	v9 =	vbroadcast v3, $0x0;
	v6 =	vbroadcast v3, $0xE  }
0x12a: {  	v18 =	vld [tilespmem:s8+$0xFFFFFF70];
	v11 =	vbroadcast v3, $0x2;
	v12 =	vbroadcast v3, $0xD  }
0x12b: {  	v20 =	vld [tilespmem:s8+$0xFFFFFEF0];
	v14 =	vbroadcast v3, $0xC;
	v15 =	vbroadcast v3, $0x1  }
0x12c: {  	v23 =	vld [tilespmem:s8+$0xFFFFFEE0];
	v19 =	vbroadcast v3, $0x7;
	v21 =	vbroadcast v3, $0xB  }
0x12d: {  	v26 =	vld [tilespmem:s8+$0xFFFFFF20];
	v24 =	vbroadcast v3, $0x8;
	v25 =	vbroadcast v3, $0x5  }
0x12e: {  	v29 =	vld [tilespmem:s8+$0xFFFFFF30];
	v30 =	vbroadcast v3, $0x4;
	v34 =	vbroadcast v3, $0x6  }
0x12f: {  	v31 =	vld [tilespmem:s8+$0xFFFFFF10];
	v55 =	vbroadcast v3, $0x9;
	v58 =	vbroadcast v3, $0x3  }
0x130: {  	v33 =	vld [tilespmem:s8+$0xFFFFFF50];
	v13 =	vmul.f32 v5, v9;
	v7 =	vmul.f32 v7, v9  }
0x131: {  	v38 =	vld [tilespmem:s8+$0xFFFFFF40];
	v2 =	vmul.f32 v2, v6;
	v8 =	vmul.f32 v8, v11  }
0x132: {  	v39 =	vld [tilespmem:s8+$0xFFFFFFD0];
	v5 =	vmul.f32 v4, v12;
	v10 =	vmul.f32 v10, v11  }
0x133: {  	v57 =	vld [tilespmem:s8+$0xFFFFFF90];
	v11 =	vbroadcast v3, $0xA;
	v17 =	vmul.f32 v17, v25  }
0x134: {  	v47 =	vld [tilespmem:s8+$0x0];
	v18 =	vmul.f32 v18, v24;
	v20 =	vmul.f32 v20, v30  }
0x135: {  	v23 =	vmul.f32 v23, v30;
	v26 =	vmul.f32 v26, v34  }
0x136: {  	v29 =	vmul.f32 v29, v34;
	v25 =	vmul.f32 v31, v25  }
0x137: {  	v9 =	vld [tilespmem:s8+$0xFFFFFE90];
	v56 =	vmul.f32 v33, v19;
	v19 =	vmul.f32 v38, v19  }
0x138: {  	v35 =	vld [tilespmem:s8+$0xFFFFFE80];
	v61 =	vmul.f32 v39, v21;
	v33 =	vmul.f32 v57, v55  }
0x139: {  	v12 =	vmul.f32 v47, v12;
	v4 =	vmul.f32 v5, v5  }
0x13a: {  	v16 =	vmul.f32 v13, v13;
	v22 =	vmul.f32 v10, v10  }
0x13b: {  	v60 =	vld [tilespmem:s8+$0xFFFFFFB0];
	v27 =	vmul.f32 v8, v8;
	v32 =	vmul.f32 v7, v7  }
0x13c: {  	v41 =	vld [tilespmem:s8+$0xFFFFFED0];
	v36 =	vmul.f32 v18, v18;
	v7 =	vadd.f32 $0.0e+00, v7;
	v9 =	vmul.f32 v9, v15  }
0x13d: {  	v37 =	vmul.f32 v20, v20;
	v13 =	vadd.f32 $0.0e+00, v13;
	v15 =	vmul.f32 v35, v15  }
0x13e: {  	v40 =	vmul.f32 v17, v17;
	v28 =	vmul.f32 v9, v9  }
0x13f: {  	v7 =	vadd.f32 v9, v7;
	v9 =	vld [tilespmem:s8+$0xFFFFFEC0];
	v13 =	vadd.f32 v15, v13;
	v15 =	vmul.f32 v15, v15  }
0x140: {  	v59 =	vmul.f32 v25, v25;
	v35 =	vmul.f32 v60, v11  }
0x141: {  	v7 =	vadd.f32 v8, v7;
	v15 =	vadd.f32 v15, v16;
	v16 =	vmul.f32 v41, v58  }
0x142: {  	v62 =	vmul.f32 v29, v29;
	v45 =	vmul.f32 v19, v19;
	v28 =	vadd.f32 v28, v32  }
0x143: {  	v63 =	vld [tilespmem:s8+$0xFFFFFF60];
	v48 =	vmul.f32 v35, v35;
	v10 =	vadd.f32 v10, v13;
	v7 =	vadd.f32 v16, v7  }
0x144: {  	v42 =	vld [tilespmem:s8+$0xFFFFFF80];
	v27 =	vadd.f32 v27, v28;
	v16 =	vmul.f32 v16, v16;
	v9 =	vmul.f32 v9, v58  }
0x145: {  	v8 =	vmul.f32 v23, v23;
	v15 =	vadd.f32 v22, v15;
	v7 =	vadd.f32 v20, v7  }
0x146: {  	v13 =	vmul.f32 v56, v56;
	v16 =	vadd.f32 v16, v27;
	v10 =	vadd.f32 v9, v10  }
0x147: {  	v22 =	vmul.f32 v26, v26;
	v20 =	vld [tilespmem:s8+$0xFFFFFFA0];
	v9 =	vmul.f32 v9, v9;
	v7 =	vadd.f32 v25, v7  }
0x148: {  	v16 =	vadd.f32 v37, v16;
	v10 =	vadd.f32 v23, v10;
	v23 =	vmul.f32 v63, v24  }
0x149: {  	v49 =	vld [tilespmem:s8+$0xFFFFFFC0];
	v9 =	vadd.f32 v9, v15;
	v15 =	vmul.f32 v42, v55;
	v7 =	vadd.f32 v29, v7  }
0x14a: {  	v16 =	vadd.f32 v59, v16;
	v10 =	vadd.f32 v17, v10;
	v17 =	vmul.f32 v33, v33  }
0x14b: {  	v46 =	vld [tilespmem:s8+$0xFFFFFFF0];
	v8 =	vadd.f32 v8, v9;
	v9 =	vmul.f32 v23, v23;
	v7 =	vadd.f32 v56, v7  }
0x14c: {  	v51 =	vld [tilespmem:s8+$0xFFFFFFE0];
	v11 =	vmul.f32 v20, v11;
	v16 =	vadd.f32 v62, v16;
	v10 =	vadd.f32 v26, v10  }
0x14d: {  	v50 =	vmul.f32 v15, v15;
	v8 =	vadd.f32 v40, v8;
	v7 =	vadd.f32 v18, v7  }
0x14e: {  	v20 =	vmul.f32 v11, v11;
	v18 =	vmul.f32 v49, v21;
	v10 =	vadd.f32 v19, v10  }
0x14f: {  	v13 =	vadd.f32 v13, v16;
	v21 =	vmul.f32 v61, v61;
	v7 =	vadd.f32 v33, v7  }
0x150: {  	v8 =	vadd.f32 v22, v8;
	v19 =	vmul.f32 v46, v14;
	v10 =	vadd.f32 v23, v10  }
0x151: {  	v14 =	vmul.f32 v51, v14;
	v13 =	vadd.f32 v36, v13;
	v7 =	vadd.f32 v35, v7  }
0x152: {  	v16 =	vmul.f32 v18, v18;
	v8 =	vadd.f32 v45, v8;
	v10 =	vadd.f32 v15, v10;
	v15 =	vld [tilespmem:s8+$0x20]  }
0x153: {  	s29 =	simm.s32 $0x10;
	s24 =	simm.s32 $0x0;
	v22 =	vld [tilespmem:s8+$0x50];
	v52 =	vmul.f32 v14, v14;
	v13 =	vadd.f32 v17, v13;
	v7 =	vadd.f32 v61, v7  }
0x154: {  	s1 =	sand.u32 $0x1FF8, s29;
	s9 =	sand.u32 $0x6, s24;
	v23 =	vld [tilespmem:s8+$0x40];
	v17 =	vmul.f32 v2, v2;
	v8 =	vadd.f32 v9, v8;
	v10 =	vadd.f32 v11, v10  }
0x155: {  	s1 =	sor.u32 s9, s1;
	v13 =	vadd.f32 v48, v13;
	v11 =	vmul.f32 v19, v19;
	v7 =	vadd.f32 v19, v7  }
0x156: {  	v8 =	vadd.f32 v50, v8;
	v9 =	vadd.f32 v18, v10;
	v10 =	vbroadcast v3, $0xF;
	v3 =	vld [tilespmem:s1+$0xD00]  }
0x157: {  	v53 =	vld [tilespmem:s8+$0x90];
	v13 =	vadd.f32 v21, v13;
	v6 =	vmul.f32 v15, v6;
	v7 =	vadd.f32 v5, v7  }
0x158: {  	v8 =	vadd.f32 v20, v8;
	v18 =	vld [tilespmem:s8+$0x120];
	v9 =	vadd.f32 v14, v9;
	v14 =	vmul.f32 v22, v10  }
0x159: {  	v15 =	vld [tilespmem:s8+$0x170];
	v10 =	vmul.f32 v23, v10;
	v19 =	vmul.f32 v6, v6;
	v7 =	vadd.f32 v2, v7  }
0x15a: {  	v22 =	vld [tilespmem:s8+$0x80];
	v9 =	vadd.f32 v12, v9;
	v12 =	vmul.f32 v12, v12;
	v21 =	vmul.f32 v14, v14  }
0x15b: {  	v23 =	vld [tilespmem:s8+$0x110];
	v5 =	vbroadcast v3, $0x8;
	v14 =	vadd.f32 v14, v7;
	v54 =	vbroadcast v3, $0x6  }
0x15c: {  	v59 =	vld [tilespmem:s8+$0xC0];
	v7 =	vadd.f32 v11, v13;
	v13 =	vbroadcast v3, $0x1;
	v55 =	vbroadcast v3, $0x4  }
0x15d: {  	v20 =	vld [tilespmem:s8+$0x60];
	v8 =	vadd.f32 v16, v8;
	v56 =	vbroadcast v3, $0x5;
	v60 =	vbroadcast v3, $0x3  }
0x15e: {  	v11 =	vld [tilespmem:s8+$0x70];
	v9 =	vadd.f32 v6, v9;
	v6 =	vbroadcast v3, $0x7;
	v2 =	vmul.f32 v15, v5  }
0x15f: {  	v8 =	vadd.f32 v52, v8;
	v15 =	vbroadcast v3, $0x0;
	v22 =	vmul.f32 v22, v13  }
0x160: {  	v58 =	vld [tilespmem:s8+$0xD0];
	v57 =	vadd.f32 v4, v7;
	v4 =	vmul.f32 v18, v54;
	v7 =	vmul.f32 v23, v56  }
0x161: {  	v8 =	vadd.f32 v12, v8;
	v18 =	vld [tilespmem:s8+$0xE0];
	v23 =	vbroadcast v3, $0x2;
	v13 =	vmul.f32 v53, v13  }
0x162: {  	v24 =	vmul.f32 v59, v60;
	v9 =	vadd.f32 v10, v9;
	v16 =	vmul.f32 v20, v15;
	v20 =	vld [tilespmem:s8+$0xB0]  }
0x163: {  	v10 =	vmul.f32 v10, v10;
	v17 =	vadd.f32 v17, v57;
	v11 =	vmul.f32 v11, v15;
	v15 =	vld [tilespmem:s8+$0xA0]  }
0x164: {  	v61 =	vmul.f32 v22, v22;
	v9 =	vadd.f32 v16, v9;
	v16 =	vmul.f32 v16, v16  }
0x165: {  	v17 =	vadd.f32 v21, v17;
	v14 =	vadd.f32 v11, v14;
	v11 =	vmul.f32 v11, v11  }
0x166: {  	v62 =	vld [tilespmem:s8+$0xF0];
	v63 =	vmul.f32 v18, v55;
	v9 =	vadd.f32 v22, v9;
	v22 =	vmul.f32 v13, v13  }
0x167: {  	v18 =	vld [tilespmem:s8+$0x100];
	v20 =	vmul.f32 v20, v23;
	v12 =	vadd.f32 v13, v14;
	v11 =	vadd.f32 v11, v17  }
0x168: {  	v13 =	vmul.f32 v58, v60;
	v14 =	vadd.f32 v19, v8;
	v15 =	vmul.f32 v15, v23  }
0x169: {  	v23 =	vld [tilespmem:s8+$0x130];
	v21 =	vmul.f32 v20, v20;
	v17 =	vadd.f32 v20, v12;
	v11 =	vadd.f32 v22, v11  }
0x16a: {  	v8 =	vmul.f32 v63, v63;
	v19 =	vld [tilespmem:s8+$0x140];
	v20 =	vadd.f32 v10, v14;
	v9 =	vadd.f32 v15, v9  }
0x16b: {  	v12 =	vmul.f32 v62, v55;
	v22 =	vadd.f32 v13, v17;
	v17 =	vld [tilespmem:s8+$0x160];
	v14 =	vadd.f32 v21, v11  }
0x16c: {  	v10 =	vmul.f32 v18, v56;
	v18 =	vld [tilespmem:s8+$0x150];
	v21 =	vadd.f32 v16, v20;
	v9 =	vadd.f32 v24, v9  }
0x16d: {  	v13 =	vmul.f32 v13, v13;
	v16 =	vld [tilespmem:s8+$0x190];
	v20 =	vmul.f32 v15, v15;
	v27 =	vadd.f32 v12, v22  }
0x16e: {  	s15 =	simm.s32 $0x1C720;
	v15 =	vld [tilespmem:s8+$0x180];
	v11 =	vmul.f32 v23, v54;
	v21 =	vadd.f32 v61, v21;
	v22 =	vadd.f32 v63, v9  }
0x16f: {  	s19 =	simm.s32 $0xD00;
	s9 =	simm.s32 $0x1C720;
	s1 =	simm.s32 $0x2A;
	v9 =	vmul.f32 v19, v6;
	v19 =	vmul.f32 v24, v24;
	v23 =	vadd.f32 v7, v27  }
.LBB2_2:
0x170: {  	v22 =	vadd.f32 v10, v22;
	v5 =	vmul.f32 v17, v5;
	v3 =	vbroadcast v3, $0x9;
	s15 =	sadd.s32 $0x10, s15;
	s19 =	sadd.s32 $0x1A, s19;
	s8 =	sadd.s32 $0x340, s8  }
0x171: {  	p0 =	sne.s32 s1, $0xCF6;
	s29 =	smov.u32 s1;
	s1 =	sadd.s32 $0x1A, s1;
	v17 =	vadd.f32 v20, v21;
	v20 =	vadd.f32 v11, v23;
	v6 =	vmul.f32 v18, v6  }
0x172: {  	v13 =	vadd.f32 v13, v14;
	v12 =	vmul.f32 v12, v12;
	v14 =	vmul.f32 v16, v3  }
0x173: {  	v16 =	vadd.f32 v19, v17;
	v17 =	vadd.f32 v6, v20;
	v3 =	vmul.f32 v15, v3  }
0x174: {  	v7 =	vmul.f32 v7, v7;
	v12 =	vadd.f32 v12, v13;
	v13 =	vadd.f32 v4, v22  }
0x175: {  	v10 =	vmul.f32 v10, v10;
	v8 =	vadd.f32 v8, v16;
	v15 =	vadd.f32 v2, v17  }
0x176: {  	v11 =	vmul.f32 v11, v11;
	v7 =	vadd.f32 v7, v12;
	v12 =	vadd.f32 v9, v13  }
0x177: {  	v4 =	vmul.f32 v4, v4;
	v8 =	vadd.f32 v10, v8;
	v10 =	vadd.f32 v14, v15  }
0x178: {  	v6 =	vmul.f32 v6, v6;
	v7 =	vadd.f32 v11, v7;
	v11 =	vadd.f32 v5, v12  }
0x179: {  	v4 =	vadd.f32 v4, v8;
	v8 =	vmul.f32 v9, v9;
	v9 =	vmul.f32 v10, v10  }
0x17a: {  	v6 =	vadd.f32 v6, v7;
	v7 =	vadd.f32 v3, v11;
	v10 =	vadd.s32 s24, v0  }
0x17b: {  	v5 =	vmul.f32 v5, v5;
	v4 =	vadd.f32 v8, v4;
	v8 =	vadd.s32 s24, v1  }
0x17c: {  	v7 =	vmul.f32 v7, v7  }
0x17d: {  	v2 =	vmul.f32 v2, v2;
	v3 =	vmul.f32 v3, v3;
	v4 =	vadd.f32 v5, v4  }
0x17e: {  	v5 =	vadd.f32 v9, v7  }
0x17f: {  	v2 =	vadd.f32 v2, v6;
	v3 =	vadd.f32 v3, v4;
	v4 =	vmul.f32 v14, v14;
	v6 =	vld.idx.msk [tilespmem:v10+s14+$0x0], $0xffff  }
0x180: {  	v7 =	vld.idx.msk [tilespmem:v8+s14+$0x0], $0xffff  }
0x181: {  	v2 =	vadd.f32 v4, v2;
	v3 =	vsub.f32 v5, v3;
	v4 =	vld.idx.msk [tilespmem:v10+s6+$0x0], $0xffff  }
0x182: {  	v5 =	vld.idx.msk [tilespmem:v8+s6+$0x0], $0xffff  }
0x183: {  	v2 =	vsub.f32 v3, v2;
	_ =	sdelay $0x1  }
0x184: {  	v2 =	vmul.f32 $5.000000000e-01, v2;
	_ =	sdelay $0x1  }
0x185: {  	v3 =	vmul.f32 v6, v4  }
0x186: {  	v4 =	vmul.f32 v7, v5  }
0x187: {  	v2 =	vadd.f32 v2, v3  }
0x188: {  	v3 =	vnsel vm0, $0x0, v4  }
0x189: {  	v2 =	vadd.f32 v2, v3;
	_ =	sdelay $0x1  }
0x18a: {  	[tilespmem:s9+$0x0] =	vst v2;
	s9 =	smov.u32 s15  }
0x18b: {  	v3 =	vld [tilespmem:s19+$0x0]  }
0x18c: {  	v4 =	vld [tilespmem:s8+$0x10]  }
0x18d: {  	v2 =	vld [tilespmem:s8+$0x30]  }
0x18e: {  	v5 =	vld [tilespmem:s8+$0xFFFFFE60]  }
0x18f: {  	v9 =	vld [tilespmem:s8+$0xFFFFFE70]  }
0x190: {  	v10 =	vld [tilespmem:s8+$0xFFFFFEB0]  }
0x191: {  	v11 =	vbroadcast v3, $0x0;
	v6 =	vbroadcast v3, $0xE;
	v12 =	vld [tilespmem:s8+$0xFFFFFEA0]  }
0x192: {  	v13 =	vbroadcast v3, $0x2;
	v8 =	vbroadcast v3, $0xD  }
0x193: {  	v7 =	vbroadcast v3, $0xC;
	v14 =	vmul.f32 v5, v11;
	v15 =	vld [tilespmem:s8+$0xFFFFFF20]  }
0x194: {  	v2 =	vmul.f32 v2, v6;
	v9 =	vmul.f32 v9, v11;
	v11 =	vld [tilespmem:s8+$0xFFFFFE90]  }
0x195: {  	v5 =	vmul.f32 v4, v8;
	v16 =	vadd.f32 $0.0e+00, v14;
	v10 =	vmul.f32 v10, v13;
	v17 =	vld [tilespmem:s8+$0xFFFFFF70]  }
0x196: {  	v19 =	vbroadcast v3, $0xA;
	v18 =	vadd.f32 $0.0e+00, v9;
	v12 =	vmul.f32 v12, v13;
	v13 =	vld [tilespmem:s8+$0xFFFFFEE0]  }
0x197: {  	v20 =	vbroadcast v3, $0x1;
	v4 =	vmul.f32 v5, v5;
	v21 =	vld [tilespmem:s8+$0xFFFFFEF0]  }
0x198: {  	v23 =	vbroadcast v3, $0x7;
	v14 =	vmul.f32 v14, v14;
	v22 =	vld [tilespmem:s8+$0xFFFFFF00]  }
0x199: {  	v25 =	vbroadcast v3, $0xB;
	v11 =	vmul.f32 v11, v20;
	v24 =	vld [tilespmem:s8+$0xFFFFFF30]  }
0x19a: {  	v28 =	vbroadcast v3, $0x8;
	v26 =	vmul.f32 v12, v12;
	v27 =	vld [tilespmem:s8+$0xFFFFFED0]  }
0x19b: {  	v31 =	vbroadcast v3, $0x5;
	v29 =	vmul.f32 v10, v10;
	v18 =	vadd.f32 v11, v18;
	v30 =	vld [tilespmem:s8+$0xFFFFFF10]  }
0x19c: {  	v32 =	vbroadcast v3, $0x4;
	v11 =	vmul.f32 v11, v11;
	v33 =	vld [tilespmem:s8+$0xFFFFFF50]  }
0x19d: {  	v17 =	vmul.f32 v17, v28;
	v34 =	vld [tilespmem:s8+$0xFFFFFE80];
	v10 =	vadd.f32 v10, v18;
	v18 =	vmul.f32 v22, v31  }
0x19e: {  	v35 =	vbroadcast v3, $0x6;
	v9 =	vmul.f32 v9, v9;
	v22 =	vld [tilespmem:s8+$0xFFFFFEC0]  }
0x19f: {  	v21 =	vmul.f32 v21, v32;
	v36 =	vmul.f32 v17, v17  }
0x1a0: {  	v13 =	vmul.f32 v13, v32;
	v32 =	vbroadcast v3, $0x9;
	v37 =	vld [tilespmem:s8+$0xFFFFFFD0]  }
0x1a1: {  	v15 =	vmul.f32 v15, v35;
	v9 =	vadd.f32 v11, v9;
	v11 =	vmul.f32 v21, v21;
	v38 =	vld [tilespmem:s8+$0xFFFFFF40]  }
0x1a2: {  	v24 =	vmul.f32 v24, v35;
	v39 =	vmul.f32 v18, v18  }
0x1a3: {  	v9 =	vadd.f32 v29, v9;
	v29 =	vmul.f32 v30, v31;
	v30 =	vmul.f32 v33, v23;
	v31 =	vld [tilespmem:s8+$0xFFFFFF90]  }
0x1a4: {  	v35 =	vmul.f32 v13, v13;
	v33 =	vbroadcast v3, $0x3  }
0x1a5: {  	v20 =	vmul.f32 v34, v20;
	v34 =	vmul.f32 v29, v29  }
0x1a6: {  	v37 =	vmul.f32 v37, v25;
	v23 =	vmul.f32 v38, v23;
	v38 =	vld [tilespmem:s8+$0xFFFFFFB0]  }
0x1a7: {  	v40 =	vmul.f32 v24, v24;
	v16 =	vadd.f32 v20, v16;
	v20 =	vmul.f32 v20, v20  }
0x1a8: {  	v22 =	vmul.f32 v22, v33;
	v41 =	vld [tilespmem:s8+$0xFFFFFF60];
	v31 =	vmul.f32 v31, v32  }
0x1a9: {  	v14 =	vadd.f32 v20, v14;
	v12 =	vadd.f32 v12, v16;
	v16 =	vmul.f32 v30, v30;
	v20 =	vld [tilespmem:s8+$0xFFFFFF80]  }
0x1aa: {  	v27 =	vmul.f32 v27, v33;
	v33 =	vmul.f32 v23, v23  }
0x1ab: {  	v12 =	vadd.f32 v22, v12;
	v22 =	vmul.f32 v22, v22;
	v38 =	vmul.f32 v38, v19  }
0x1ac: {  	v10 =	vadd.f32 v27, v10;
	v14 =	vadd.f32 v26, v14;
	v26 =	vmul.f32 v15, v15  }
0x1ad: {  	v27 =	vmul.f32 v27, v27;
	v12 =	vadd.f32 v13, v12;
	v13 =	vmul.f32 v41, v28  }
0x1ae: {  	v10 =	vadd.f32 v21, v10;
	v14 =	vadd.f32 v22, v14;
	v20 =	vmul.f32 v20, v32;
	v21 =	vld [tilespmem:s8+$0xFFFFFFA0]  }
0x1af: {  	v9 =	vadd.f32 v27, v9;
	v12 =	vadd.f32 v18, v12;
	v18 =	vmul.f32 v31, v31;
	v22 =	vld [tilespmem:s8+$0xFFFFFFF0]  }
0x1b0: {  	v10 =	vadd.f32 v29, v10;
	v14 =	vadd.f32 v35, v14;
	v27 =	vmul.f32 v13, v13;
	v28 =	vld [tilespmem:s8+$0x0]  }
0x1b1: {  	v9 =	vadd.f32 v11, v9;
	v11 =	vadd.f32 v15, v12;
	v12 =	vmul.f32 v38, v38;
	v15 =	vld [tilespmem:s8+$0xFFFFFFC0]  }
0x1b2: {  	v10 =	vadd.f32 v24, v10;
	v14 =	vadd.f32 v39, v14;
	v24 =	vmul.f32 v20, v20;
	v29 =	vld [tilespmem:s8+$0xFFFFFFE0]  }
0x1b3: {  	v9 =	vadd.f32 v34, v9;
	v11 =	vadd.f32 v23, v11;
	v19 =	vmul.f32 v21, v19  }
0x1b4: {  	v10 =	vadd.f32 v30, v10;
	v14 =	vadd.f32 v26, v14;
	v21 =	vmul.f32 v22, v7  }
0x1b5: {  	v9 =	vadd.f32 v40, v9;
	v11 =	vadd.f32 v13, v11;
	v13 =	vmul.f32 v19, v19  }
0x1b6: {  	v10 =	vadd.f32 v17, v10;
	v8 =	vmul.f32 v28, v8;
	v15 =	vmul.f32 v15, v25  }
0x1b7: {  	v9 =	vadd.f32 v16, v9;
	v11 =	vadd.f32 v20, v11;
	v7 =	vmul.f32 v29, v7;
	v16 =	vld [tilespmem:s8+$0x20]  }
0x1b8: {  	v10 =	vadd.f32 v31, v10;
	v20 =	vmul.f32 v37, v37;
	v17 =	vmul.f32 v15, v15;
	v22 =	vld [tilespmem:s8+$0x50]  }
0x1b9: {  	s24 =	sadd.s32 $0xFFFFFFF0, s29;
	v14 =	vadd.f32 v33, v14;
	v11 =	vadd.f32 v19, v11;
	v19 =	vmul.f32 v21, v21;
	v23 =	vld [tilespmem:s8+$0x40]  }
0x1ba: {  	s29 =	sand.u32 $0x1FF8, s29;
	s11 =	sand.u32 $0x6, s24;
	v9 =	vadd.f32 v36, v9;
	v10 =	vadd.f32 v38, v10;
	v25 =	vmul.f32 v7, v7  }
0x1bb: {  	s11 =	sor.u32 s11, s29;
	v14 =	vadd.f32 v27, v14;
	v11 =	vadd.f32 v15, v11;
	v15 =	vbroadcast v3, $0xF  }
0x1bc: {  	v9 =	vadd.f32 v18, v9;
	v10 =	vadd.f32 v37, v10;
	v3 =	vld [tilespmem:s11+$0xD00];
	v6 =	vmul.f32 v16, v6  }
0x1bd: {  	v14 =	vadd.f32 v24, v14;
	v7 =	vadd.f32 v7, v11;
	v11 =	vmul.f32 v22, v15  }
0x1be: {  	v9 =	vadd.f32 v12, v9;
	v10 =	vadd.f32 v21, v10;
	v12 =	vmul.f32 v23, v15;
	v15 =	vld [tilespmem:s8+$0x170]  }
0x1bf: {  	v13 =	vadd.f32 v13, v14;
	v7 =	vadd.f32 v8, v7;
	v8 =	vmul.f32 v8, v8  }
0x1c0: {  	v9 =	vadd.f32 v20, v9;
	v14 =	vmul.f32 v2, v2;
	v10 =	vadd.f32 v5, v10;
	v16 =	vld [tilespmem:s8+$0x120]  }
0x1c1: {  	v7 =	vadd.f32 v6, v7;
	v18 =	vmul.f32 v6, v6;
	v20 =	vld [tilespmem:s8+$0x60];
	v5 =	vbroadcast v3, $0x8  }
0x1c2: {  	v10 =	vadd.f32 v2, v10;
	v21 =	vmul.f32 v11, v11;
	v6 =	vbroadcast v3, $0x7;
	v22 =	vld [tilespmem:s8+$0x80]  }
0x1c3: {  	v7 =	vadd.f32 v12, v7;
	v23 =	vmul.f32 v12, v12;
	v12 =	vld [tilespmem:s8+$0x110];
	v2 =	vmul.f32 v15, v5  }
0x1c4: {  	v10 =	vadd.f32 v11, v10;
	v11 =	vbroadcast v3, $0x0;
	v24 =	vbroadcast v3, $0x6;
	v15 =	vld [tilespmem:s8+$0x90]  }
0x1c5: {  	v9 =	vadd.f32 v19, v9;
	v26 =	vbroadcast v3, $0x1;
	v27 =	vbroadcast v3, $0x4;
	v19 =	vld [tilespmem:s8+$0x70]  }
0x1c6: {  	v13 =	vadd.f32 v17, v13;
	v28 =	vbroadcast v3, $0x5;
	v17 =	vmul.f32 v20, v11;
	v20 =	vld [tilespmem:s8+$0xB0]  }
0x1c7: {  	v9 =	vadd.f32 v4, v9;
	v4 =	vmul.f32 v16, v24;
	v22 =	vmul.f32 v22, v26;
	v29 =	vld [tilespmem:s8+$0xD0]  }
0x1c8: {  	v16 =	vadd.f32 v17, v7;
	v30 =	vmul.f32 v17, v17;
	v17 =	vld [tilespmem:s8+$0xE0];
	v7 =	vmul.f32 v12, v28  }
0x1c9: {  	v31 =	vbroadcast v3, $0x3;
	v12 =	vadd.f32 v25, v13;
	v13 =	vbroadcast v3, $0x2;
	v25 =	vld [tilespmem:s8+$0xC0]  }
0x1ca: {  	v15 =	vmul.f32 v15, v26;
	v11 =	vmul.f32 v19, v11;
	v16 =	vadd.f32 v22, v16;
	v19 =	vld [tilespmem:s8+$0xA0]  }
0x1cb: {  	v9 =	vadd.f32 v14, v9;
	v26 =	vmul.f32 v22, v22;
	v14 =	vmul.f32 v20, v13  }
0x1cc: {  	v20 =	vmul.f32 v15, v15;
	v10 =	vadd.f32 v11, v10;
	v11 =	vmul.f32 v11, v11;
	v22 =	vld [tilespmem:s8+$0xF0]  }
0x1cd: {  	v9 =	vadd.f32 v21, v9;
	v21 =	vmul.f32 v14, v14;
	v32 =	vmul.f32 v17, v27  }
0x1ce: {  	v8 =	vadd.f32 v8, v12;
	v10 =	vadd.f32 v15, v10;
	v25 =	vmul.f32 v25, v31;
	v15 =	vld [tilespmem:s8+$0x100]  }
0x1cf: {  	v9 =	vadd.f32 v11, v9;
	v11 =	vmul.f32 v29, v31;
	v19 =	vmul.f32 v19, v13;
	v29 =	vld [tilespmem:s8+$0x130]  }
0x1d0: {  	v13 =	vadd.f32 v18, v8;
	v8 =	vmul.f32 v32, v32;
	v10 =	vadd.f32 v14, v10;
	v31 =	vld [tilespmem:s8+$0x140]  }
0x1d1: {  	v9 =	vadd.f32 v20, v9;
	v16 =	vadd.f32 v19, v16;
	v12 =	vmul.f32 v22, v27  }
.Ltmp0:
0x1d2: {  	v20 =	vadd.f32 v23, v13;
	v13 =	vmul.f32 v11, v11;
	v22 =	vadd.f32 v11, v10;
	v17 =	vld [tilespmem:s8+$0x160];
	(pc) =	sbr.rel @p0 .LBB2_2-.Ltmp0, $4  }
0x1d3: {  	v14 =	vadd.f32 v21, v9;
	v9 =	vadd.f32 v25, v16;
	v10 =	vmul.f32 v15, v28;
	v18 =	vld [tilespmem:s8+$0x150]  }
0x1d4: {  	v21 =	vadd.f32 v30, v20;
	v23 =	vadd.f32 v12, v22;
	v11 =	vmul.f32 v29, v24;
	v16 =	vld [tilespmem:s8+$0x190]  }
0x1d5: {  	v20 =	vmul.f32 v19, v19;
	v22 =	vadd.f32 v32, v9;
	v9 =	vmul.f32 v31, v6;
	v15 =	vld [tilespmem:s8+$0x180]  }
0x1d6: {  	v19 =	vmul.f32 v25, v25;
	v21 =	vadd.f32 v26, v21;
	v23 =	vadd.f32 v7, v23  }
0x1d7: {  	v22 =	vadd.f32 v10, v22  }
0x1d8: {  	v5 =	vmul.f32 v17, v5;
	v12 =	vmul.f32 v12, v12;
	v20 =	vadd.f32 v20, v21  }
0x1d9: {  	v13 =	vadd.f32 v13, v14;
	v3 =	vbroadcast v3, $0x9;
	v7 =	vmul.f32 v7, v7  }
0x1da: {  	v29 =	vmul.f32 v10, v10;
	v32 =	vmul.f32 v11, v11;
	v26 =	vadd.f32 v19, v20  }
0x1db: {  	v34 =	vmul.f32 v9, v9;
	v25 =	vadd.f32 v11, v23;
	v6 =	vmul.f32 v18, v6  }
0x1dc: {  	v36 =	vadd.s32 s24, v0;
	v28 =	vadd.f32 v4, v22;
	v8 =	vadd.f32 v8, v26  }
0x1dd: {  	v37 =	vadd.s32 s24, v1;
	v12 =	vadd.f32 v12, v13;
	v27 =	vadd.f32 v6, v25  }
0x1de: {  	v4 =	vmul.f32 v4, v4;
	v31 =	vadd.f32 v9, v28;
	v8 =	vadd.f32 v29, v8  }
0x1df: {  	v16 =	vmul.f32 v16, v3;
	v7 =	vadd.f32 v7, v12;
	v30 =	vadd.f32 v2, v27  }
0x1e0: {  	v3 =	vmul.f32 v15, v3;
	v12 =	vadd.f32 v5, v31;
	v4 =	vadd.f32 v4, v8  }
0x1e1: {  	v6 =	vmul.f32 v6, v6;
	v7 =	vadd.f32 v32, v7;
	v33 =	vadd.f32 v16, v30  }
0x1e2: {  	v5 =	vmul.f32 v5, v5;
	v35 =	vadd.f32 v3, v12;
	v4 =	vadd.f32 v34, v4  }
0x1e3: {  	v2 =	vmul.f32 v2, v2;
	v6 =	vadd.f32 v6, v7;
	v3 =	vmul.f32 v3, v3  }
0x1e4: {  	v10 =	vmul.f32 v33, v33;
	v7 =	vmul.f32 v35, v35;
	v4 =	vadd.f32 v5, v4  }
0x1e5: {  	v2 =	vadd.f32 v2, v6  }
0x1e6: {  	v6 =	vld.idx.msk [tilespmem:v36+s14+$0x0], $0xffff;
	v5 =	vadd.f32 v10, v7;
	v3 =	vadd.f32 v3, v4;
	v4 =	vmul.f32 v16, v16  }
0x1e7: {  	v7 =	vld.idx.msk [tilespmem:v37+s14+$0x0], $0xffff  }
0x1e8: {  	v2 =	vadd.f32 v4, v2;
	v3 =	vsub.f32 v5, v3;
	v4 =	vld.idx.msk [tilespmem:v36+s6+$0x0], $0xffff  }
0x1e9: {  	v5 =	vld.idx.msk [tilespmem:v37+s6+$0x0], $0xffff  }
0x1ea: {  	v2 =	vsub.f32 v3, v2;
	_ =	sdelay $0x1  }
0x1eb: {  	s1 =	simm.s32 $0x0;
	v3 =	vmul.f32 $5.000000000e-01, v2  }
0x1ec: {  	v2 =	vmul.u32 $0x10, v0;
	v4 =	vmul.f32 v6, v4;
	v6 =	vmov s1  }
0x1ed: {  	v5 =	vmul.f32 v7, v5;
	v6 =	vshll.u32 v6, $0x4  }
0x1ee: {  	v3 =	vadd.f32 v3, v4;
	v4 =	vor.u32 v2, v6  }
0x1ef: {  	v5 =	vnsel vm0, $0x0, v5  }
0x1f0: {  	v3 =	vadd.f32 v3, v5;
	v5 =	vor.u32 $0x1, v4;
	_ =	sdelay $0x1  }
0x1f1: {  	[tilespmem:s9+$0x0] =	vst v3;
	v3 =	vor.u32 $0x2, v4  }
0x1f2: {  	v6 =	vld.idx.msk [tilespmem:v4+s7+$0x0], $0xffff  }
0x1f3: {  	v7 =	vor.u32 $0x3, v4  }
0x1f4: {  	v5 =	vld.idx.msk [tilespmem:v5+s7+$0x0], $0xffff  }
0x1f5: {  	v38 =	vor.u32 $0x4, v4  }
0x1f6: {  	v3 =	vld.idx.msk [tilespmem:v3+s7+$0x0], $0xffff  }
0x1f7: {  	v39 =	vor.u32 $0x5, v4;
	v6 =	vadd.f32 $0.0e+00, v6  }
0x1f8: {  	v7 =	vld.idx.msk [tilespmem:v7+s7+$0x0], $0xffff  }
0x1f9: {  	v40 =	vor.u32 $0x6, v4;
	v5 =	vadd.f32 v5, v6  }
0x1fa: {  	v6 =	vld.idx.msk [tilespmem:v38+s7+$0x0], $0xffff  }
0x1fb: {  	v41 =	vor.u32 $0x7, v4;
	v3 =	vadd.f32 v3, v5  }
0x1fc: {  	v5 =	vld.idx.msk [tilespmem:v39+s7+$0x0], $0xffff  }
0x1fd: {  	v42 =	vor.u32 $0x8, v4;
	v3 =	vadd.f32 v7, v3  }
0x1fe: {  	v7 =	vld.idx.msk [tilespmem:v40+s7+$0x0], $0xffff  }
0x1ff: {  	v43 =	vor.u32 $0x9, v4;
	v3 =	vadd.f32 v6, v3  }
0x200: {  	v6 =	vld.idx.msk [tilespmem:v41+s7+$0x0], $0xffff  }
0x201: {  	v44 =	vor.u32 $0xA, v4;
	v3 =	vadd.f32 v5, v3  }
0x202: {  	v5 =	vld.idx.msk [tilespmem:v42+s7+$0x0], $0xffff  }
0x203: {  	v45 =	vor.u32 $0xB, v4;
	v3 =	vadd.f32 v7, v3  }
0x204: {  	v7 =	vld.idx.msk [tilespmem:v43+s7+$0x0], $0xffff  }
0x205: {  	v46 =	vor.u32 $0xC, v4;
	v3 =	vadd.f32 v6, v3  }
0x206: {  	v6 =	vld.idx.msk [tilespmem:v44+s7+$0x0], $0xffff  }
0x207: {  	v47 =	vor.u32 $0xD, v4;
	v3 =	vadd.f32 v5, v3  }
0x208: {  	v5 =	vld.idx.msk [tilespmem:v45+s7+$0x0], $0xffff  }
0x209: {  	v48 =	vor.u32 $0xE, v4;
	v3 =	vadd.f32 v7, v3  }
0x20a: {  	v7 =	vld.idx.msk [tilespmem:v46+s7+$0x0], $0xffff  }
0x20b: {  	v4 =	vor.u32 $0xF, v4;
	v3 =	vadd.f32 v6, v3  }
0x20c: {  	v6 =	vld.idx.msk [tilespmem:v47+s7+$0x0], $0xffff  }
0x20d: {  	v3 =	vadd.f32 v5, v3  }
0x20e: {  	v5 =	vld.idx.msk [tilespmem:v48+s7+$0x0], $0xffff  }
0x20f: {  	v3 =	vadd.f32 v7, v3  }
0x210: {  	v4 =	vld.idx.msk [tilespmem:v4+s7+$0x0], $0xffff  }
0x211: {  	v6 =	vadd.f32 v6, v3  }
0x212: {  	v3 =	vld [tilespmem:$0x1CFA0]  }
0x213: {  	v5 =	vadd.f32 v5, v6;
	_ =	sdelay $0x1  }
0x214: {  	v4 =	vadd.f32 v4, v5;
	_ =	sdelay $0x1  }
0x215: {  	v4 =	vadd.f32 v4, v3;
	_ =	sdelay $0x1  }
0x216: {  	v4 =	vsub.f32 $0.0e+00, v4;
	_ =	sdelay $0x1  }
0x217: {  	v4 =	vmul.f32 $1.442695020e+00, v4;
	_ =	sdelay $0x1  }
0x218: {  	(erf) = vpow2.f32 v4;
	_ =	sdelay $0x8  }
0x219: {  	v4 =	vpop (erf)  }
0x21a: {  	v4 =	vadd.f32 $1.000000000e+00, v4;
	_ =	sdelay $0x1  }
0x21b: {  	(erf) = vrcp.f32 v4;
	_ =	sdelay $0x2  }
0x21c: {  	s29 =	simm.s32 $0x10  }
0x21d: {  	v4 =	vmov s29  }
0x21e: {  	v4 =	vshll.u32 v4, $0x4  }
0x21f: {  	v4 =	vor.u32 v2, v4;
	_ =	sdelay $0x1  }
0x220: {  	v5 =	vor.u32 $0x1, v4  }
0x221: {  	s1 =	simm.s32 $0x1CF20;
	v6 =	vpop (erf)  }
0x222: {  	v7 =	vor.u32 $0x2, v4;
	[tilespmem:s1+$0x0] =	vst v6  }
0x223: {  	v6 =	vld.idx.msk [tilespmem:v4+s7+$0x0], $0xffff  }
0x224: {  	v49 =	vor.u32 $0x3, v4  }
0x225: {  	v5 =	vld.idx.msk [tilespmem:v5+s7+$0x0], $0xffff  }
0x226: {  	v50 =	vor.u32 $0x4, v4  }
0x227: {  	v7 =	vld.idx.msk [tilespmem:v7+s7+$0x0], $0xffff  }
0x228: {  	v51 =	vor.u32 $0x5, v4;
	v6 =	vadd.f32 $0.0e+00, v6  }
0x229: {  	v8 =	vld.idx.msk [tilespmem:v49+s7+$0x0], $0xffff  }
0x22a: {  	v52 =	vor.u32 $0x6, v4;
	v5 =	vadd.f32 v5, v6  }
0x22b: {  	v6 =	vld.idx.msk [tilespmem:v50+s7+$0x0], $0xffff  }
0x22c: {  	v53 =	vor.u32 $0x7, v4;
	v5 =	vadd.f32 v7, v5  }
0x22d: {  	v7 =	vld.idx.msk [tilespmem:v51+s7+$0x0], $0xffff  }
0x22e: {  	v54 =	vor.u32 $0x8, v4;
	v5 =	vadd.f32 v8, v5  }
0x22f: {  	v55 =	vld.idx.msk [tilespmem:v52+s7+$0x0], $0xffff  }
0x230: {  	v56 =	vor.u32 $0x9, v4;
	v5 =	vadd.f32 v6, v5  }
0x231: {  	v6 =	vld.idx.msk [tilespmem:v53+s7+$0x0], $0xffff  }
0x232: {  	v57 =	vor.u32 $0xA, v4;
	v5 =	vadd.f32 v7, v5  }
0x233: {  	v7 =	vld.idx.msk [tilespmem:v54+s7+$0x0], $0xffff  }
0x234: {  	v58 =	vor.u32 $0xB, v4;
	v5 =	vadd.f32 v55, v5  }
0x235: {  	v59 =	vld.idx.msk [tilespmem:v56+s7+$0x0], $0xffff  }
0x236: {  	v60 =	vor.u32 $0xC, v4;
	v5 =	vadd.f32 v6, v5  }
0x237: {  	v6 =	vld.idx.msk [tilespmem:v57+s7+$0x0], $0xffff  }
0x238: {  	v61 =	vor.u32 $0xD, v4;
	v5 =	vadd.f32 v7, v5  }
0x239: {  	v7 =	vld.idx.msk [tilespmem:v58+s7+$0x0], $0xffff  }
0x23a: {  	v62 =	vor.u32 $0xE, v4;
	v5 =	vadd.f32 v59, v5  }
0x23b: {  	v63 =	vld.idx.msk [tilespmem:v60+s7+$0x0], $0xffff  }
0x23c: {  	v4 =	vor.u32 $0xF, v4;
	v5 =	vadd.f32 v6, v5  }
0x23d: {  	v6 =	vld.idx.msk [tilespmem:v61+s7+$0x0], $0xffff  }
0x23e: {  	v5 =	vadd.f32 v7, v5  }
0x23f: {  	v7 =	vld.idx.msk [tilespmem:v62+s7+$0x0], $0xffff  }
0x240: {  	v5 =	vadd.f32 v63, v5  }
0x241: {  	v4 =	vld.idx.msk [tilespmem:v4+s7+$0x0], $0xffff  }
0x242: {  	v5 =	vadd.f32 v6, v5;
	_ =	sdelay $0x1  }
0x243: {  	v5 =	vadd.f32 v7, v5;
	_ =	sdelay $0x1  }
0x244: {  	v4 =	vadd.f32 v4, v5;
	_ =	sdelay $0x1  }
0x245: {  	v4 =	vadd.f32 v4, v3;
	_ =	sdelay $0x1  }
0x246: {  	v4 =	vsub.f32 $0.0e+00, v4;
	_ =	sdelay $0x1  }
0x247: {  	v4 =	vmul.f32 $1.442695020e+00, v4;
	_ =	sdelay $0x1  }
0x248: {  	(erf) = vpow2.f32 v4;
	_ =	sdelay $0x8  }
0x249: {  	v4 =	vpop (erf)  }
0x24a: {  	v4 =	vadd.f32 $1.000000000e+00, v4;
	_ =	sdelay $0x1  }
0x24b: {  	(erf) = vrcp.f32 v4;
	_ =	sdelay $0x2  }
0x24c: {  	s8 =	simm.s32 $0x20  }
0x24d: {  	v4 =	vmov s8;
	s8 =	simm.s32 $0x30  }
.LBB2_4:
0x24e: {  	p0 =	sne.s32 s8, $0x70;
	v4 =	vshll.u32 v4, $0x4  }
0x24f: {  	v4 =	vor.u32 v2, v4;
	_ =	sdelay $0x1  }
0x250: {  	v5 =	vor.u32 $0x1, v4  }
0x251: {  	s1 =	sadd.s32 $0x10, s1;
	v6 =	vpop (erf)  }
0x252: {  	v7 =	vor.u32 $0x2, v4;
	[tilespmem:s1+$0x0] =	vst v6  }
0x253: {  	v6 =	vld.idx.msk [tilespmem:v4+s7+$0x0], $0xffff  }
0x254: {  	v8 =	vor.u32 $0x3, v4  }
0x255: {  	v5 =	vld.idx.msk [tilespmem:v5+s7+$0x0], $0xffff  }
0x256: {  	v9 =	vor.u32 $0x4, v4  }
0x257: {  	v7 =	vld.idx.msk [tilespmem:v7+s7+$0x0], $0xffff  }
0x258: {  	v10 =	vor.u32 $0x5, v4  }
0x259: {  	v6 =	vadd.f32 $0.0e+00, v6;
	v8 =	vld.idx.msk [tilespmem:v8+s7+$0x0], $0xffff  }
0x25a: {  	v11 =	vor.u32 $0x6, v4  }
0x25b: {  	v5 =	vadd.f32 v5, v6;
	v6 =	vld.idx.msk [tilespmem:v9+s7+$0x0], $0xffff  }
0x25c: {  	v9 =	vor.u32 $0x7, v4  }
0x25d: {  	v5 =	vadd.f32 v7, v5;
	v7 =	vld.idx.msk [tilespmem:v10+s7+$0x0], $0xffff  }
0x25e: {  	v10 =	vor.u32 $0x8, v4  }
0x25f: {  	v5 =	vadd.f32 v8, v5;
	v8 =	vld.idx.msk [tilespmem:v11+s7+$0x0], $0xffff  }
0x260: {  	v11 =	vor.u32 $0x9, v4  }
0x261: {  	v5 =	vadd.f32 v6, v5;
	v6 =	vld.idx.msk [tilespmem:v9+s7+$0x0], $0xffff  }
0x262: {  	v9 =	vor.u32 $0xA, v4  }
0x263: {  	v5 =	vadd.f32 v7, v5;
	v7 =	vld.idx.msk [tilespmem:v10+s7+$0x0], $0xffff  }
0x264: {  	v10 =	vor.u32 $0xB, v4  }
0x265: {  	v5 =	vadd.f32 v8, v5;
	v8 =	vld.idx.msk [tilespmem:v11+s7+$0x0], $0xffff  }
0x266: {  	v11 =	vor.u32 $0xC, v4  }
0x267: {  	v5 =	vadd.f32 v6, v5;
	v6 =	vld.idx.msk [tilespmem:v9+s7+$0x0], $0xffff  }
0x268: {  	v9 =	vor.u32 $0xD, v4  }
0x269: {  	v5 =	vadd.f32 v7, v5;
	v7 =	vld.idx.msk [tilespmem:v10+s7+$0x0], $0xffff  }
0x26a: {  	v10 =	vor.u32 $0xE, v4  }
0x26b: {  	v5 =	vadd.f32 v8, v5;
	v8 =	vld.idx.msk [tilespmem:v11+s7+$0x0], $0xffff  }
0x26c: {  	v4 =	vor.u32 $0xF, v4  }
0x26d: {  	v5 =	vadd.f32 v6, v5;
	v6 =	vld.idx.msk [tilespmem:v9+s7+$0x0], $0xffff;
	_ =	sdelay $0x1  }
0x26e: {  	v5 =	vadd.f32 v7, v5;
	v7 =	vld.idx.msk [tilespmem:v10+s7+$0x0], $0xffff;
	_ =	sdelay $0x1  }
0x26f: {  	v5 =	vadd.f32 v8, v5;
	v4 =	vld.idx.msk [tilespmem:v4+s7+$0x0], $0xffff;
	_ =	sdelay $0x1  }
0x270: {  	v5 =	vadd.f32 v6, v5;
	_ =	sdelay $0x1  }
0x271: {  	v5 =	vadd.f32 v7, v5;
	_ =	sdelay $0x1  }
0x272: {  	v4 =	vadd.f32 v4, v5;
	_ =	sdelay $0x1  }
0x273: {  	v4 =	vadd.f32 v4, v3;
	_ =	sdelay $0x1  }
0x274: {  	v4 =	vsub.f32 $0.0e+00, v4;
	_ =	sdelay $0x1  }
0x275: {  	v4 =	vmul.f32 $1.442695020e+00, v4;
	_ =	sdelay $0x1  }
0x276: {  	(erf) = vpow2.f32 v4;
	_ =	sdelay $0x8  }
0x277: {  	v4 =	vpop (erf)  }
0x278: {  	v4 =	vadd.f32 $1.000000000e+00, v4;
	_ =	sdelay $0x1  }
.Ltmp1:
0x279: {  	(erf) = vrcp.f32 v4;
	(pc) =	sbr.rel @p0 .LBB2_4-.Ltmp1, $2  }
0x27a: {  	_ =	sdelay $0x2  }
0x27b: {  	v4 =	vmov s8;
	s8 =	sadd.s32 $0x10, s8  }
0x27c: {  	v4 =	vshll.u32 v4, $0x4  }
0x27d: {  	v2 =	vor.u32 v2, v4;
	_ =	sdelay $0x1  }
0x27e: {  	v4 =	vor.u32 $0x1, v2  }
0x27f: {  	s1 =	sadd.s32 $0x10, s1;
	v5 =	vpop (erf)  }
0x280: {  	v6 =	vor.u32 $0x2, v2;
	[tilespmem:s1+$0x0] =	vst v5  }
0x281: {  	v5 =	vld.idx.msk [tilespmem:v2+s7+$0x0], $0xffff  }
0x282: {  	v7 =	vor.u32 $0x3, v2  }
0x283: {  	v4 =	vld.idx.msk [tilespmem:v4+s7+$0x0], $0xffff  }
0x284: {  	v8 =	vor.u32 $0x4, v2  }
0x285: {  	v6 =	vld.idx.msk [tilespmem:v6+s7+$0x0], $0xffff  }
0x286: {  	v9 =	vor.u32 $0x5, v2;
	v5 =	vadd.f32 $0.0e+00, v5  }
0x287: {  	v7 =	vld.idx.msk [tilespmem:v7+s7+$0x0], $0xffff  }
0x288: {  	v10 =	vor.u32 $0x6, v2;
	v4 =	vadd.f32 v4, v5  }
0x289: {  	v45 =	vld.idx.msk [tilespmem:v8+s7+$0x0], $0xffff  }
0x28a: {  	v46 =	vor.u32 $0x7, v2;
	v4 =	vadd.f32 v6, v4  }
0x28b: {  	v47 =	vld.idx.msk [tilespmem:v9+s7+$0x0], $0xffff  }
0x28c: {  	v48 =	vor.u32 $0x8, v2;
	v4 =	vadd.f32 v7, v4  }
0x28d: {  	v49 =	vld.idx.msk [tilespmem:v10+s7+$0x0], $0xffff  }
0x28e: {  	v50 =	vor.u32 $0x9, v2;
	v4 =	vadd.f32 v45, v4  }
0x28f: {  	v51 =	vld.idx.msk [tilespmem:v46+s7+$0x0], $0xffff  }
0x290: {  	v52 =	vor.u32 $0xA, v2;
	v4 =	vadd.f32 v47, v4  }
0x291: {  	v53 =	vld.idx.msk [tilespmem:v48+s7+$0x0], $0xffff  }
0x292: {  	v54 =	vor.u32 $0xB, v2;
	v4 =	vadd.f32 v49, v4  }
0x293: {  	v55 =	vld.idx.msk [tilespmem:v50+s7+$0x0], $0xffff  }
0x294: {  	v56 =	vor.u32 $0xC, v2;
	v4 =	vadd.f32 v51, v4  }
0x295: {  	v57 =	vld.idx.msk [tilespmem:v52+s7+$0x0], $0xffff  }
0x296: {  	v58 =	vor.u32 $0xD, v2;
	v4 =	vadd.f32 v53, v4  }
0x297: {  	v59 =	vld.idx.msk [tilespmem:v54+s7+$0x0], $0xffff  }
0x298: {  	v60 =	vor.u32 $0xE, v2;
	v4 =	vadd.f32 v55, v4  }
0x299: {  	v61 =	vld.idx.msk [tilespmem:v56+s7+$0x0], $0xffff  }
0x29a: {  	v2 =	vor.u32 $0xF, v2;
	v4 =	vadd.f32 v57, v4  }
0x29b: {  	v62 =	vld.idx.msk [tilespmem:v58+s7+$0x0], $0xffff  }
0x29c: {  	v4 =	vadd.f32 v59, v4  }
0x29d: {  	v63 =	vld.idx.msk [tilespmem:v60+s7+$0x0], $0xffff  }
0x29e: {  	v4 =	vadd.f32 v61, v4  }
0x29f: {  	v2 =	vld.idx.msk [tilespmem:v2+s7+$0x0], $0xffff  }
0x2a0: {  	v4 =	vadd.f32 v62, v4;
	_ =	sdelay $0x1  }
0x2a1: {  	v4 =	vadd.f32 v63, v4;
	_ =	sdelay $0x1  }
0x2a2: {  	v2 =	vadd.f32 v2, v4;
	_ =	sdelay $0x1  }
0x2a3: {  	v2 =	vadd.f32 v2, v3;
	_ =	sdelay $0x1  }
0x2a4: {  	v2 =	vsub.f32 $0.0e+00, v2;
	_ =	sdelay $0x1  }
0x2a5: {  	v2 =	vmul.f32 $1.442695020e+00, v2;
	_ =	sdelay $0x1  }
0x2a6: {  	(erf) = vpow2.f32 v2;
	_ =	sdelay $0x8  }
0x2a7: {  	v2 =	vpop (erf)  }
0x2a8: {  	v2 =	vadd.f32 $1.000000000e+00, v2;
	_ =	sdelay $0x1  }
0x2a9: {  	(erf) = vrcp.f32 v2;
	_ =	sdelay $0x8  }
0x2aa: {  	s1 =	sadd.s32 $0x10, s1;
	v2 =	vpop (erf)  }
0x2ab: {  	s24 =	rddreg [dreg:$0x6];
	s8 =	simm.s32 $0x1CF20;
	[tilespmem:s1+$0x0] =	vst v2  }
0x2ac: {  	[hbm4b:s24+s2] =	stream.linear.scatter [tilespmem:s8], [sflag:$0x2], $0x80, $0x38;
	[tilespmem:$0x1CFB0] =	vst v63  }
0x2ad: {  	_ =	swait.ge [sflag:s10], $0x80  }
0x2ae: {  	s30 =	sadd.s32 $0x1, s30;
	s29 =	rddreg [dreg:$0x7]  }
0x2af: {  	p0 =	sne.s32 s30, s29  }
.Ltmp2:
0x2b0: {  	_ = 	snop;
	(pc) =	sbr.rel @p0 .LBB2_1-.Ltmp2, $3  }
0x2b1: {  	_ =	sdelay $0x1  }
0x2b2: {  	[sflag:s10] =	ssyncset.done $0x0  }
0x2b3: {  	[sflag:s10] =	ssyncadd.s32 $0xFFFFFF80  }
0x2b4: {  	_ =	sfence.sel $0x180000  }
0x2b5: {  	[bflag:$0x0] =	sbarrier.arrive $0xFFFF  }
0x2b6: {  	_ =	strace $0x90000047  }
0x2b7: {  	s0 =	stileid.u32;
	[bflag:$0x2] =	sbarrier.arrive $0xFFFF  }
0x2b8: {  	p0 =	sne.s32 s0, $0x0;
	s0 =	rddreg [dreg:$0x2]  }
0x2b9: {  	s0 =	sadd.s32 @!p0 $0x100000, s0  }
0x2ba: {  	[sflag:s0] =	ssyncadd.tile.s32 @!p0 $0x1;
	_ =	shalt  }
.Lfunc_end2:
_tile_overlayer_lowered:
.L_overlay_start_2:
0x2bb: {  	(tag) =	ssettag $0x2  }
0x2bc: {  	s0 =	rddreg [dreg:$0x0];
	s2 =	stileid.u32  }
0x2bd: {  	s1 =	rddreg [dreg:$0x1];
	p0 =	sne.s32 s2, $0x0  }
0x2be: {  	s3 =	rddreg [dreg:$0x2];
	[bflag:$0x3] =	sbarrier.arrive $0xFFFF;
	s2 =	simm.s32 @!p0 $0x1C02  }
0x2bf: {  	[timem:s3], [sflag:s2] =	dma.local @!p0 [hbm:s0], s1  }
0x2c0: {  	s0 =	simm.s32 @!p0 $0x2  }
0x2c1: {  	_ =	swait.ge @!p0 [sflag:s0], s1  }
0x2c2: {  	s1 =	ssub.s32 @!p0 $0x0, s1;
	[sflag:s0] =	ssyncset.done @!p0 $0x0  }
0x2c3: {  	[sflag:s0] =	ssyncadd.s32 @!p0 s1  }
0x2c4: {  	[bflag:$0x3] =	sbarrier.arrive $0xFFFF  }
0x2c5: {  	_ =	shalt  }

</sc_bundles>
